<compile_context>
chip_gen: v7x
topology: tpu7x:2x2x1
jax: 0.10.2.dev20260603
libtpu: 0.0.44.dev20260713+nightly
codegen_flags: <defaults>
</compile_context>

<pallas_src>
import functools

import jax
import jax.numpy as jnp
from jax import lax
from jax.experimental import pallas as pl
from jax.experimental.pallas import tpu as pltpu
from jax.experimental.pallas import tpu_sc as plsc

N_NODES = 10000
NC = 2
NS = 16
NW = NC * NS
CHUNK = 128
N_PAD = 10240
ROWS_PER_TILE = N_PAD // NS
DUMMY = N_NODES
F = 128


@functools.lru_cache(maxsize=None)
def _make_segsum(m0: int, m1: int):
    mesh = plsc.VectorSubcoreMesh(core_axis_name="c", subcore_axis_name="s")

    @functools.partial(
        pl.kernel, mesh=mesh,
        out_type=jax.ShapeDtypeStruct((NC * N_PAD, F), jnp.float32),
        scratch_types=(
            pltpu.VMEM((CHUNK,), jnp.int32),
            pltpu.VMEM((CHUNK,), jnp.int32),
            pltpu.VMEM((CHUNK, F), jnp.float32),
            pltpu.VMEM_SHARED((N_PAD, F), jnp.float32),
            pltpu.SemaphoreType.DMA,
        ))
    def segsum(table, src, dst, zrow, out_sum, src_v, dst_v, rows_v, acc_sh, sem):
        c = lax.axis_index("c")
        s = lax.axis_index("s")
        tile_row = s * ROWS_PER_TILE

        pltpu.sync_copy(zrow, rows_v)
        for j in range(ROWS_PER_TILE // CHUNK):
            pltpu.sync_copy(rows_v, acc_sh.at[pl.ds(tile_row + j * CHUNK, CHUNK)])
        plsc.subcore_barrier()

        n_i = jnp.where(c == 0, m0, m1)
        base = jnp.where(c == 0, s * m0, NS * m0 + s * m1) * CHUNK

        def body(i, carry):
            off = base + i * CHUNK
            pltpu.sync_copy(src.at[pl.ds(off, CHUNK)], src_v)
            pltpu.sync_copy(dst.at[pl.ds(off, CHUNK)], dst_v)
            pltpu.async_copy(table.at[src_v], rows_v, sem).wait()
            pltpu.sync_copy(rows_v, acc_sh.at[dst_v], add=True)
            return carry
        lax.fori_loop(0, n_i, body, 0)
        plsc.subcore_barrier()

        for j in range(ROWS_PER_TILE // CHUNK):
            r = tile_row + j * CHUNK
            pltpu.sync_copy(acc_sh.at[pl.ds(r, CHUNK)], rows_v)
            pltpu.sync_copy(rows_v, out_sum.at[pl.ds(c * N_PAD + r, CHUNK)])

    return segsum


@functools.lru_cache(maxsize=None)
def _make_segdeg(n_chunks: int):
    mesh = plsc.VectorSubcoreMesh(core_axis_name="c", subcore_axis_name="s")

    @functools.partial(
        pl.kernel, mesh=mesh,
        out_type=jax.ShapeDtypeStruct((NW * ROWS_PER_TILE, 16), jnp.float32),
        compiler_params=pltpu.CompilerParams(needs_layout_passes=False),
        scratch_types=(
            pltpu.VMEM((CHUNK,), jnp.int32),
            pltpu.VMEM((ROWS_PER_TILE, 16), jnp.float32),
        ))
    def segdeg(dst, zdeg, out_deg, dst_v, acc):
        c = lax.axis_index("c")
        s = lax.axis_index("s")
        w = c * NS + s

        for j in range(ROWS_PER_TILE // CHUNK):
            pltpu.sync_copy(zdeg, acc.at[pl.ds(j * CHUNK, CHUNK)])

        base = w * n_chunks * CHUNK
        ones = jnp.ones((16,), jnp.float32)

        def body(i, carry):
            off = base + i * CHUNK
            pltpu.sync_copy(dst.at[pl.ds(off, CHUNK)], dst_v)
            for k in range(CHUNK // 16):
                iv = dst_v[pl.ds(k * 16, 16)]
                row = jax.lax.shift_right_logical(iv, 4)
                col = jnp.bitwise_and(iv, 15)
                plsc.addupdate_scatter(acc, (row, col), ones)
            return carry
        lax.fori_loop(0, n_chunks, body, 0)

        for j in range(ROWS_PER_TILE // CHUNK):
            pltpu.sync_copy(acc.at[pl.ds(j * CHUNK, CHUNK)],
                            out_deg.at[pl.ds(w * ROWS_PER_TILE + j * CHUNK, CHUNK)])

    return segdeg


_BN = 1000


def _dense1_body(p_ref, d0_ref, x_ref, wl_ref, wr_ref, b_ref, o_ref, d_ref):
    summed = p_ref[0] + p_ref[1]
    deg = jnp.maximum(jnp.sum(d0_ref[...], axis=1), 1.0)[:, None]
    mean = summed / deg
    h = (jnp.dot(mean, wl_ref[...], preferred_element_type=jnp.float32)
         + jnp.dot(x_ref[...], wr_ref[...], preferred_element_type=jnp.float32)
         + b_ref[...])
    o_ref[...] = jnp.maximum(h, 0.0)
    d_ref[...] = deg


def _dense1(P, D0, x, Wl, Wr, b):
    return pl.pallas_call(
        _dense1_body,
        grid=(N_NODES // _BN,),
        in_specs=[
            pl.BlockSpec((NC, _BN, F), lambda i: (0, i, 0)),
            pl.BlockSpec((_BN, NW), lambda i: (i, 0)),
            pl.BlockSpec((_BN, F), lambda i: (i, 0)),
            pl.BlockSpec(Wl.shape, lambda i: (0, 0)),
            pl.BlockSpec(Wr.shape, lambda i: (0, 0)),
            pl.BlockSpec(b.shape, lambda i: (0, 0)),
        ],
        out_specs=[
            pl.BlockSpec((_BN, 2 * F), lambda i: (i, 0)),
            pl.BlockSpec((_BN, 1), lambda i: (i, 0)),
        ],
        out_shape=[
            jax.ShapeDtypeStruct((N_NODES, 2 * F), jnp.float32),
            jax.ShapeDtypeStruct((N_NODES, 1), jnp.float32),
        ],
    )(P[:, :N_NODES], D0[:N_NODES], x, Wl, Wr, b)


def _dense2_body(pa_ref, pb_ref, d_ref, h_ref, w2l_ref, w2r_ref, b2_ref,
                 wh1_ref, bh1_ref, wh2_ref, bh2_ref, o_ref):
    summed = jnp.concatenate(
        [pa_ref[0] + pa_ref[1], pb_ref[0] + pb_ref[1]], axis=1)
    mean = summed / d_ref[...]
    h2 = (jnp.dot(mean, w2l_ref[...], preferred_element_type=jnp.float32)
          + jnp.dot(h_ref[...], w2r_ref[...], preferred_element_type=jnp.float32)
          + b2_ref[...])
    h2 = jnp.maximum(h2, 0.0)
    h3 = jnp.maximum(
        jnp.dot(h2, wh1_ref[...], preferred_element_type=jnp.float32)
        + bh1_ref[...], 0.0)
    o = jnp.dot(h3, wh2_ref[...], preferred_element_type=jnp.float32) + bh2_ref[...]
    o_ref[...] = jax.nn.sigmoid(o)


def _dense2(Pa, Pb, D, h, W2l, W2r, b2, Wh1, bh1, Wh2, bh2):
    return pl.pallas_call(
        _dense2_body,
        grid=(N_NODES // _BN,),
        in_specs=[
            pl.BlockSpec((NC, _BN, F), lambda i: (0, i, 0)),
            pl.BlockSpec((NC, _BN, F), lambda i: (0, i, 0)),
            pl.BlockSpec((_BN, 1), lambda i: (i, 0)),
            pl.BlockSpec((_BN, 2 * F), lambda i: (i, 0)),
            pl.BlockSpec(W2l.shape, lambda i: (0, 0)),
            pl.BlockSpec(W2r.shape, lambda i: (0, 0)),
            pl.BlockSpec(b2.shape, lambda i: (0, 0)),
            pl.BlockSpec(Wh1.shape, lambda i: (0, 0)),
            pl.BlockSpec(bh1.shape, lambda i: (0, 0)),
            pl.BlockSpec(Wh2.shape, lambda i: (0, 0)),
            pl.BlockSpec(bh2.shape, lambda i: (0, 0)),
        ],
        out_specs=pl.BlockSpec((_BN, 1), lambda i: (i, 0)),
        out_shape=jax.ShapeDtypeStruct((N_NODES, 1), jnp.float32),
    )(Pa[:, :N_NODES], Pb[:, :N_NODES], D, h,
      W2l, W2r, b2, Wh1, bh1, Wh2, bh2)


def kernel(x, edge_index, W1l, b1l, W1r, b1r, W2l, b2l, W2r, b2r,
           Wh1, bh1, Wh2, bh2):
    n_edges = edge_index.shape[1]
    n_chunks = -(-n_edges // (NW * CHUNK))
    m0 = max(int(round(2 * n_chunks * 0.39)), 1)
    m1 = 2 * n_chunks - m0
    e_pad = NS * (m0 + m1) * CHUNK

    src = edge_index[0].astype(jnp.int32)
    dst = edge_index[1].astype(jnp.int32)
    pad = e_pad - n_edges
    if pad:
        src = jnp.concatenate([src, jnp.zeros((pad,), jnp.int32)])
        dst = jnp.concatenate([dst, jnp.full((pad,), DUMMY, jnp.int32)])
    z128 = jnp.zeros((CHUNK, F), jnp.float32)
    zdeg = jnp.zeros((CHUNK, 16), jnp.float32)

    seg = _make_segsum(m0, m1)
    segdeg = _make_segdeg(n_chunks)

    D0 = segdeg(dst, zdeg).reshape(NW, N_PAD).T
    P1 = seg(x, src, dst, z128).reshape(NC, N_PAD, F)
    h, D = _dense1(P1, D0, x, W1l, W1r, (b1l + b1r).reshape(1, -1))
    Pa = seg(h[:, :F], src, dst, z128).reshape(NC, N_PAD, F)
    Pb = seg(h[:, F:], src, dst, z128).reshape(NC, N_PAD, F)
    out = _dense2(Pa, Pb, D, h, W2l, W2r, (b2l + b2r).reshape(1, -1),
                  Wh1, bh1.reshape(1, -1), Wh2, bh2.reshape(1, -1))
    return out

# --- scband reference (transcript-rebuilt; emitter-appended) ---
"""Pipeline reference for scband-graph-sagenetwork-71322226917532 (READ-ONLY COPY).

The authoritative reference and input builder live on the scoring server;
editing this copy changes nothing except your own understanding.
"""

import jax, jax.numpy as jnp
import numpy as np

N_NODES = 10000
N_EDGES = 320000
IN_CH = 128
HID = 256


def setup_inputs(seed: int = 0) -> dict:
    key = jax.random.key(seed)
    ks = jax.random.split(key, 16)
    x = jax.random.normal(ks[0], (N_NODES, IN_CH), dtype=jnp.float32)
    edge_index = jax.random.randint(ks[1], (2, N_EDGES), 0, N_NODES, dtype=jnp.int64)
    # SAGEConv params: lin_l applied to aggregated neighbors, lin_r applied to self features
    def lin(k, fin, fout):
        s = 1.0 / np.sqrt(fin)
        k1, k2 = jax.random.split(k)
        W = jax.random.uniform(k1, (fin, fout), minval=-s, maxval=s, dtype=jnp.float32)
        b = jax.random.uniform(k2, (fout,), minval=-s, maxval=s, dtype=jnp.float32)
        return W, b
    W1l, b1l = lin(ks[2], IN_CH, HID)
    W1r, b1r = lin(ks[3], IN_CH, HID)
    W2l, b2l = lin(ks[4], HID, HID)
    W2r, b2r = lin(ks[5], HID, HID)
    Wh1, bh1 = lin(ks[6], HID, HID // 2)
    Wh2, bh2 = lin(ks[7], HID // 2, 1)
    return {
        "x": x, "edge_index": edge_index,
        "W1l": W1l, "b1l": b1l, "W1r": W1r, "b1r": b1r,
        "W2l": W2l, "b2l": b2l, "W2r": W2r, "b2r": b2r,
        "Wh1": Wh1, "bh1": bh1, "Wh2": Wh2, "bh2": bh2,
    }


def _sage_conv(x, edge_index, Wl, bl, Wr, br):
    src = edge_index[0]
    dst = edge_index[1]
    msg = jnp.take(x, src, axis=0)
    summed = jax.ops.segment_sum(msg, dst, num_segments=N_NODES)
    deg = jax.ops.segment_sum(jnp.ones((msg.shape[0],), dtype=x.dtype), dst, num_segments=N_NODES)
    mean = summed / jnp.clip(deg, 1.0, None)[:, None]
    return mean @ Wl + bl + x @ Wr + br


def reference(x, edge_index, W1l, b1l, W1r, b1r, W2l, b2l, W2r, b2r, Wh1, bh1, Wh2, bh2):
    h = _sage_conv(x, edge_index, W1l, b1l, W1r, b1r)
    h = jax.nn.relu(h)
    # dropout is identity in eval mode
    h = _sage_conv(h, edge_index, W2l, b2l, W2r, b2r)
    h = jax.nn.relu(h)
    # risk head: Linear -> ReLU -> (Dropout eval) -> Linear -> Sigmoid
    h = jax.nn.relu(h @ Wh1 + bh1)
    out = jax.nn.sigmoid(h @ Wh2 + bh2)
    return out

if __name__ == "__main__":
    import jax
    _d = setup_inputs()
    print(jax.jit(kernel)(*tuple(_d.values())))

</pallas_src>

<mosaic_0001>
#map = affine_map<(d0, d1) -> (0, 0)>
#map1 = affine_map<(d0, d1) -> (0)>
module attributes {stable_mosaic.version = 14 : i64} {
  func.func @segsum(%arg0: i32, %arg1: i32, %arg2: memref<10000x128xf32, #tpu.memory_space<hbm>>, %arg3: memref<323584xi32, #tpu.memory_space<hbm>>, %arg4: memref<323584xi32, #tpu.memory_space<hbm>>, %arg5: memref<128x128xf32, #tpu.memory_space<hbm>>, %arg6: memref<20480x128xf32, #tpu.memory_space<hbm>>, %arg7: memref<128xi32, #tpu.memory_space<vmem>>, %arg8: memref<128xi32, #tpu.memory_space<vmem>>, %arg9: memref<128x128xf32, #tpu.memory_space<vmem>>, %arg10: memref<10240x128xf32, #tpu.memory_space<vmem_shared>>, %arg11: memref<!tpu.dma_semaphore, #tpu.memory_space<semaphore_mem>>) attributes {dimension_semantics = [#tpu.dimension_semantics<core_parallel>, #tpu.dimension_semantics<subcore_parallel>], iteration_bounds = array<i64: 2, 16>, scalar_prefetch = 0 : i64, scratch_operands = 5 : i64, tpu.core_type = #tpu.core_type<sc_vector_subcore>, window_params = [{transform_indices = #map}, {transform_indices = #map1}, {transform_indices = #map1}, {transform_indices = #map}, {transform_indices = #map}]} {
    %mul3A = arith.constant 640 : i32
    %mul3A_0 = arith.muli %arg1, %mul3A : i32
    "tpu.region"() ({
      %run_scoped3A = tpu.sem_alloc : memref<!tpu.dma_semaphore, #tpu.memory_space<semaphore_mem>>
      tpu.enqueue_dma source(%arg5 : memref<128x128xf32, #tpu.memory_space<hbm>>) target(%arg9 : memref<128x128xf32, #tpu.memory_space<vmem>>) target_semaphore(%run_scoped3A : memref<!tpu.dma_semaphore, #tpu.memory_space<semaphore_mem>>)
      tpu.wait_dma2 semaphore(%run_scoped3A : memref<!tpu.dma_semaphore, #tpu.memory_space<semaphore_mem>>) src(%arg5 : memref<128x128xf32, #tpu.memory_space<hbm>>) dst(%arg9 : memref<128x128xf32, #tpu.memory_space<vmem>>)
      tpu.yield
    }) : () -> ()
    %add3A = arith.constant 0 : i32
    %add3A_1 = arith.addi %mul3A_0, %add3A : i32
    "tpu.region"() ({
      %run_scoped3A = tpu.sem_alloc : memref<!tpu.dma_semaphore, #tpu.memory_space<semaphore_mem>>
      %dma_start3A = arith.constant 0 : i32
      %dma_start3A_58 = tpu.memref_slice %arg10[%add3A_1, %dma_start3A] : memref<10240x128xf32, #tpu.memory_space<vmem_shared>> -> memref<128x128xf32, #tpu.memory_space<vmem_shared>>
      %dma_start3A_59 = arith.constant 0 : i32
      %dma_start3A_60 = tpu.memref_slice %arg10[%add3A_1, %dma_start3A_59] : memref<10240x128xf32, #tpu.memory_space<vmem_shared>> -> memref<128x128xf32, #tpu.memory_space<vmem_shared>>
      tpu.enqueue_dma source(%arg9 : memref<128x128xf32, #tpu.memory_space<vmem>>) target(%dma_start3A_60 : memref<128x128xf32, #tpu.memory_space<vmem_shared>>) target_semaphore(%run_scoped3A : memref<!tpu.dma_semaphore, #tpu.memory_space<semaphore_mem>>)
      %dma_wait3A = arith.constant 0 : i32
      %dma_wait3A_61 = tpu.memref_slice %arg10[%add3A_1, %dma_wait3A] : memref<10240x128xf32, #tpu.memory_space<vmem_shared>> -> memref<128x128xf32, #tpu.memory_space<vmem_shared>>
      %dma_wait3A_62 = arith.constant 0 : i32
      %dma_wait3A_63 = tpu.memref_slice %arg10[%add3A_1, %dma_wait3A_62] : memref<10240x128xf32, #tpu.memory_space<vmem_shared>> -> memref<128x128xf32, #tpu.memory_space<vmem_shared>>
      tpu.wait_dma2 semaphore(%run_scoped3A : memref<!tpu.dma_semaphore, #tpu.memory_space<semaphore_mem>>) src(%arg9 : memref<128x128xf32, #tpu.memory_space<vmem>>) dst(%dma_wait3A_63 : memref<128x128xf32, #tpu.memory_space<vmem_shared>>)
      tpu.yield
    }) : () -> ()
    %add3A_2 = arith.constant 128 : i32
    %add3A_3 = arith.addi %mul3A_0, %add3A_2 : i32
    "tpu.region"() ({
      %run_scoped3A = tpu.sem_alloc : memref<!tpu.dma_semaphore, #tpu.memory_space<semaphore_mem>>
      %dma_start3A = arith.constant 0 : i32
      %dma_start3A_58 = tpu.memref_slice %arg10[%add3A_3, %dma_start3A] : memref<10240x128xf32, #tpu.memory_space<vmem_shared>> -> memref<128x128xf32, #tpu.memory_space<vmem_shared>>
      %dma_start3A_59 = arith.constant 0 : i32
      %dma_start3A_60 = tpu.memref_slice %arg10[%add3A_3, %dma_start3A_59] : memref<10240x128xf32, #tpu.memory_space<vmem_shared>> -> memref<128x128xf32, #tpu.memory_space<vmem_shared>>
      tpu.enqueue_dma source(%arg9 : memref<128x128xf32, #tpu.memory_space<vmem>>) target(%dma_start3A_60 : memref<128x128xf32, #tpu.memory_space<vmem_shared>>) target_semaphore(%run_scoped3A : memref<!tpu.dma_semaphore, #tpu.memory_space<semaphore_mem>>)
      %dma_wait3A = arith.constant 0 : i32
      %dma_wait3A_61 = tpu.memref_slice %arg10[%add3A_3, %dma_wait3A] : memref<10240x128xf32, #tpu.memory_space<vmem_shared>> -> memref<128x128xf32, #tpu.memory_space<vmem_shared>>
      %dma_wait3A_62 = arith.constant 0 : i32
      %dma_wait3A_63 = tpu.memref_slice %arg10[%add3A_3, %dma_wait3A_62] : memref<10240x128xf32, #tpu.memory_space<vmem_shared>> -> memref<128x128xf32, #tpu.memory_space<vmem_shared>>
      tpu.wait_dma2 semaphore(%run_scoped3A : memref<!tpu.dma_semaphore, #tpu.memory_space<semaphore_mem>>) src(%arg9 : memref<128x128xf32, #tpu.memory_space<vmem>>) dst(%dma_wait3A_63 : memref<128x128xf32, #tpu.memory_space<vmem_shared>>)
      tpu.yield
    }) : () -> ()
    %add3A_4 = arith.constant 256 : i32
    %add3A_5 = arith.addi %mul3A_0, %add3A_4 : i32
    "tpu.region"() ({
      %run_scoped3A = tpu.sem_alloc : memref<!tpu.dma_semaphore, #tpu.memory_space<semaphore_mem>>
      %dma_start3A = arith.constant 0 : i32
      %dma_start3A_58 = tpu.memref_slice %arg10[%add3A_5, %dma_start3A] : memref<10240x128xf32, #tpu.memory_space<vmem_shared>> -> memref<128x128xf32, #tpu.memory_space<vmem_shared>>
      %dma_start3A_59 = arith.constant 0 : i32
      %dma_start3A_60 = tpu.memref_slice %arg10[%add3A_5, %dma_start3A_59] : memref<10240x128xf32, #tpu.memory_space<vmem_shared>> -> memref<128x128xf32, #tpu.memory_space<vmem_shared>>
      tpu.enqueue_dma source(%arg9 : memref<128x128xf32, #tpu.memory_space<vmem>>) target(%dma_start3A_60 : memref<128x128xf32, #tpu.memory_space<vmem_shared>>) target_semaphore(%run_scoped3A : memref<!tpu.dma_semaphore, #tpu.memory_space<semaphore_mem>>)
      %dma_wait3A = arith.constant 0 : i32
      %dma_wait3A_61 = tpu.memref_slice %arg10[%add3A_5, %dma_wait3A] : memref<10240x128xf32, #tpu.memory_space<vmem_shared>> -> memref<128x128xf32, #tpu.memory_space<vmem_shared>>
      %dma_wait3A_62 = arith.constant 0 : i32
      %dma_wait3A_63 = tpu.memref_slice %arg10[%add3A_5, %dma_wait3A_62] : memref<10240x128xf32, #tpu.memory_space<vmem_shared>> -> memref<128x128xf32, #tpu.memory_space<vmem_shared>>
      tpu.wait_dma2 semaphore(%run_scoped3A : memref<!tpu.dma_semaphore, #tpu.memory_space<semaphore_mem>>) src(%arg9 : memref<128x128xf32, #tpu.memory_space<vmem>>) dst(%dma_wait3A_63 : memref<128x128xf32, #tpu.memory_space<vmem_shared>>)
      tpu.yield
    }) : () -> ()
    %add3A_6 = arith.constant 384 : i32
    %add3A_7 = arith.addi %mul3A_0, %add3A_6 : i32
    "tpu.region"() ({
      %run_scoped3A = tpu.sem_alloc : memref<!tpu.dma_semaphore, #tpu.memory_space<semaphore_mem>>
      %dma_start3A = arith.constant 0 : i32
      %dma_start3A_58 = tpu.memref_slice %arg10[%add3A_7, %dma_start3A] : memref<10240x128xf32, #tpu.memory_space<vmem_shared>> -> memref<128x128xf32, #tpu.memory_space<vmem_shared>>
      %dma_start3A_59 = arith.constant 0 : i32
      %dma_start3A_60 = tpu.memref_slice %arg10[%add3A_7, %dma_start3A_59] : memref<10240x128xf32, #tpu.memory_space<vmem_shared>> -> memref<128x128xf32, #tpu.memory_space<vmem_shared>>
      tpu.enqueue_dma source(%arg9 : memref<128x128xf32, #tpu.memory_space<vmem>>) target(%dma_start3A_60 : memref<128x128xf32, #tpu.memory_space<vmem_shared>>) target_semaphore(%run_scoped3A : memref<!tpu.dma_semaphore, #tpu.memory_space<semaphore_mem>>)
      %dma_wait3A = arith.constant 0 : i32
      %dma_wait3A_61 = tpu.memref_slice %arg10[%add3A_7, %dma_wait3A] : memref<10240x128xf32, #tpu.memory_space<vmem_shared>> -> memref<128x128xf32, #tpu.memory_space<vmem_shared>>
      %dma_wait3A_62 = arith.constant 0 : i32
      %dma_wait3A_63 = tpu.memref_slice %arg10[%add3A_7, %dma_wait3A_62] : memref<10240x128xf32, #tpu.memory_space<vmem_shared>> -> memref<128x128xf32, #tpu.memory_space<vmem_shared>>
      tpu.wait_dma2 semaphore(%run_scoped3A : memref<!tpu.dma_semaphore, #tpu.memory_space<semaphore_mem>>) src(%arg9 : memref<128x128xf32, #tpu.memory_space<vmem>>) dst(%dma_wait3A_63 : memref<128x128xf32, #tpu.memory_space<vmem_shared>>)
      tpu.yield
    }) : () -> ()
    %add3A_8 = arith.constant 512 : i32
    %add3A_9 = arith.addi %mul3A_0, %add3A_8 : i32
    "tpu.region"() ({
      %run_scoped3A = tpu.sem_alloc : memref<!tpu.dma_semaphore, #tpu.memory_space<semaphore_mem>>
      %dma_start3A = arith.constant 0 : i32
      %dma_start3A_58 = tpu.memref_slice %arg10[%add3A_9, %dma_start3A] : memref<10240x128xf32, #tpu.memory_space<vmem_shared>> -> memref<128x128xf32, #tpu.memory_space<vmem_shared>>
      %dma_start3A_59 = arith.constant 0 : i32
      %dma_start3A_60 = tpu.memref_slice %arg10[%add3A_9, %dma_start3A_59] : memref<10240x128xf32, #tpu.memory_space<vmem_shared>> -> memref<128x128xf32, #tpu.memory_space<vmem_shared>>
      tpu.enqueue_dma source(%arg9 : memref<128x128xf32, #tpu.memory_space<vmem>>) target(%dma_start3A_60 : memref<128x128xf32, #tpu.memory_space<vmem_shared>>) target_semaphore(%run_scoped3A : memref<!tpu.dma_semaphore, #tpu.memory_space<semaphore_mem>>)
      %dma_wait3A = arith.constant 0 : i32
      %dma_wait3A_61 = tpu.memref_slice %arg10[%add3A_9, %dma_wait3A] : memref<10240x128xf32, #tpu.memory_space<vmem_shared>> -> memref<128x128xf32, #tpu.memory_space<vmem_shared>>
      %dma_wait3A_62 = arith.constant 0 : i32
      %dma_wait3A_63 = tpu.memref_slice %arg10[%add3A_9, %dma_wait3A_62] : memref<10240x128xf32, #tpu.memory_space<vmem_shared>> -> memref<128x128xf32, #tpu.memory_space<vmem_shared>>
      tpu.wait_dma2 semaphore(%run_scoped3A : memref<!tpu.dma_semaphore, #tpu.memory_space<semaphore_mem>>) src(%arg9 : memref<128x128xf32, #tpu.memory_space<vmem>>) dst(%dma_wait3A_63 : memref<128x128xf32, #tpu.memory_space<vmem_shared>>)
      tpu.yield
    }) : () -> ()
    %barrier3A = arith.constant 0 : index
    tpu.barrier barrier_id(%barrier3A)
    %eq3A = arith.constant 0 : i32
    %eq3A_10 = arith.cmpi eq, %arg0, %eq3A : i32
    %jit3A = arith.constant 62 : i32
    %jit3A_11 = arith.constant 96 : i32
    %select_n3A = arith.select %eq3A_10, %jit3A, %jit3A_11 : i32
    %eq3A_12 = arith.constant 0 : i32
    %eq3A_13 = arith.cmpi eq, %arg0, %eq3A_12 : i32
    %mul3A_14 = arith.constant 62 : i32
    %mul3A_15 = arith.muli %arg1, %mul3A_14 : i32
    %mul3A_16 = arith.constant 96 : i32
    %mul3A_17 = arith.muli %arg1, %mul3A_16 : i32
    %add3A_18 = arith.constant 992 : i32
    %add3A_19 = arith.addi %add3A_18, %mul3A_17 : i32
    %select_n3A_20 = arith.select %eq3A_13, %mul3A_15, %add3A_19 : i32
    %mul3A_21 = arith.constant 128 : i32
    %mul3A_22 = arith.muli %select_n3A_20, %mul3A_21 : i32
    %while3A = arith.constant 0 : i32
    %while3A_23 = arith.constant 0 : i32
    %while3A_24 = arith.subi %select_n3A, %while3A_23 : i32
    %while3A_25 = arith.addi %while3A_23, %while3A_24 : i32
    %while3A_26 = arith.constant 1 : i32
    %while3A_27 = arith.divsi %while3A_24, %while3A_26 : i32
    %while3A_28 = arith.muli %while3A_27, %while3A_26 : i32
    %while3A_29 = arith.addi %while3A_23, %while3A_28 : i32
    %while3A_30 = arith.constant 1 : i32
    scf.for %while3A_58 = %while3A_23 to %while3A_29 step %while3A_30  : i32 {
      %mul3A_59 = arith.constant 128 : i32
      %mul3A_60 = arith.muli %while3A_58, %mul3A_59 : i32
      %add3A_61 = arith.addi %mul3A_22, %mul3A_60 : i32
      "tpu.region"() ({
        %run_scoped3A = tpu.sem_alloc : memref<!tpu.dma_semaphore, #tpu.memory_space<semaphore_mem>>
        %dma_start3A_66 = tpu.memref_slice %arg3[%add3A_61] : memref<323584xi32, #tpu.memory_space<hbm>> -> memref<128xi32, #tpu.memory_space<hbm>>
        %dma_start3A_67 = tpu.memref_slice %arg3[%add3A_61] : memref<323584xi32, #tpu.memory_space<hbm>> -> memref<128xi32, #tpu.memory_space<hbm>>
        tpu.enqueue_dma source(%dma_start3A_67 : memref<128xi32, #tpu.memory_space<hbm>>) target(%arg7 : memref<128xi32, #tpu.memory_space<vmem>>) target_semaphore(%run_scoped3A : memref<!tpu.dma_semaphore, #tpu.memory_space<semaphore_mem>>)
        %dma_wait3A_68 = tpu.memref_slice %arg3[%add3A_61] : memref<323584xi32, #tpu.memory_space<hbm>> -> memref<128xi32, #tpu.memory_space<hbm>>
        %dma_wait3A_69 = tpu.memref_slice %arg3[%add3A_61] : memref<323584xi32, #tpu.memory_space<hbm>> -> memref<128xi32, #tpu.memory_space<hbm>>
        tpu.wait_dma2 semaphore(%run_scoped3A : memref<!tpu.dma_semaphore, #tpu.memory_space<semaphore_mem>>) src(%dma_wait3A_69 : memref<128xi32, #tpu.memory_space<hbm>>) dst(%arg7 : memref<128xi32, #tpu.memory_space<vmem>>)
        tpu.yield
      }) : () -> ()
      "tpu.region"() ({
        %run_scoped3A = tpu.sem_alloc : memref<!tpu.dma_semaphore, #tpu.memory_space<semaphore_mem>>
        %dma_start3A_66 = tpu.memref_slice %arg4[%add3A_61] : memref<323584xi32, #tpu.memory_space<hbm>> -> memref<128xi32, #tpu.memory_space<hbm>>
        %dma_start3A_67 = tpu.memref_slice %arg4[%add3A_61] : memref<323584xi32, #tpu.memory_space<hbm>> -> memref<128xi32, #tpu.memory_space<hbm>>
        tpu.enqueue_dma source(%dma_start3A_67 : memref<128xi32, #tpu.memory_space<hbm>>) target(%arg8 : memref<128xi32, #tpu.memory_space<vmem>>) target_semaphore(%run_scoped3A : memref<!tpu.dma_semaphore, #tpu.memory_space<semaphore_mem>>)
        %dma_wait3A_68 = tpu.memref_slice %arg4[%add3A_61] : memref<323584xi32, #tpu.memory_space<hbm>> -> memref<128xi32, #tpu.memory_space<hbm>>
        %dma_wait3A_69 = tpu.memref_slice %arg4[%add3A_61] : memref<323584xi32, #tpu.memory_space<hbm>> -> memref<128xi32, #tpu.memory_space<hbm>>
        tpu.wait_dma2 semaphore(%run_scoped3A : memref<!tpu.dma_semaphore, #tpu.memory_space<semaphore_mem>>) src(%dma_wait3A_69 : memref<128xi32, #tpu.memory_space<hbm>>) dst(%arg8 : memref<128xi32, #tpu.memory_space<vmem>>)
        tpu.yield
      }) : () -> ()
      %dma_start3A = arith.constant 0 : i32
      %dma_start3A_62 = arith.constant 0 : i32
      %dma_start3A_63 = tpu.memref_slice %arg2[%dma_start3A, %dma_start3A_62] : memref<10000x128xf32, #tpu.memory_space<hbm>> -> memref<10000x128xf32, #tpu.memory_space<hbm>>
      tpu.enqueue_indirect_dma source(%dma_start3A_63 : memref<10000x128xf32, #tpu.memory_space<hbm>>) target(%arg9 : memref<128x128xf32, #tpu.memory_space<vmem>>) offsets(%arg7 : memref<128xi32, #tpu.memory_space<vmem>>) semaphore(%arg11 : memref<!tpu.dma_semaphore, #tpu.memory_space<semaphore_mem>>)
      %dma_wait3A = arith.constant 0 : i32
      %dma_wait3A_64 = arith.constant 0 : i32
      %dma_wait3A_65 = tpu.memref_slice %arg2[%dma_wait3A, %dma_wait3A_64] : memref<10000x128xf32, #tpu.memory_space<hbm>> -> memref<10000x128xf32, #tpu.memory_space<hbm>>
      tpu.wait_indirect_dma semaphore(%arg11 : memref<!tpu.dma_semaphore, #tpu.memory_space<semaphore_mem>>) src(%dma_wait3A_65 : memref<10000x128xf32, #tpu.memory_space<hbm>>) dst(%arg9 : memref<128x128xf32, #tpu.memory_space<vmem>>)
      "tpu.region"() ({
        %run_scoped3A = tpu.sem_alloc : memref<!tpu.dma_semaphore, #tpu.memory_space<semaphore_mem>>
        %dma_start3A_66 = arith.constant 0 : i32
        %dma_start3A_67 = arith.constant 0 : i32
        %dma_start3A_68 = tpu.memref_slice %arg10[%dma_start3A_66, %dma_start3A_67] : memref<10240x128xf32, #tpu.memory_space<vmem_shared>> -> memref<10240x128xf32, #tpu.memory_space<vmem_shared>>
        tpu.enqueue_indirect_dma source(%arg9 : memref<128x128xf32, #tpu.memory_space<vmem>>) target(%dma_start3A_68 : memref<10240x128xf32, #tpu.memory_space<vmem_shared>>) offsets(%arg8 : memref<128xi32, #tpu.memory_space<vmem>>) semaphore(%run_scoped3A : memref<!tpu.dma_semaphore, #tpu.memory_space<semaphore_mem>>) {add = true}
        %dma_wait3A_69 = arith.constant 0 : i32
        %dma_wait3A_70 = arith.constant 0 : i32
        %dma_wait3A_71 = tpu.memref_slice %arg10[%dma_wait3A_69, %dma_wait3A_70] : memref<10240x128xf32, #tpu.memory_space<vmem_shared>> -> memref<10240x128xf32, #tpu.memory_space<vmem_shared>>
        tpu.wait_indirect_dma semaphore(%run_scoped3A : memref<!tpu.dma_semaphore, #tpu.memory_space<semaphore_mem>>) src(%arg9 : memref<128x128xf32, #tpu.memory_space<vmem>>) dst(%dma_wait3A_71 : memref<10240x128xf32, #tpu.memory_space<vmem_shared>>)
        tpu.yield
      }) : () -> ()
    }
    %while3A_31 = arith.constant 1 : i32
    scf.for %while3A_58 = %while3A_29 to %while3A_25 step %while3A_31  : i32 {
      %mul3A_59 = arith.constant 128 : i32
      %mul3A_60 = arith.muli %while3A_58, %mul3A_59 : i32
      %add3A_61 = arith.addi %mul3A_22, %mul3A_60 : i32
      "tpu.region"() ({
        %run_scoped3A = tpu.sem_alloc : memref<!tpu.dma_semaphore, #tpu.memory_space<semaphore_mem>>
        %dma_start3A_66 = tpu.memref_slice %arg3[%add3A_61] : memref<323584xi32, #tpu.memory_space<hbm>> -> memref<128xi32, #tpu.memory_space<hbm>>
        %dma_start3A_67 = tpu.memref_slice %arg3[%add3A_61] : memref<323584xi32, #tpu.memory_space<hbm>> -> memref<128xi32, #tpu.memory_space<hbm>>
        tpu.enqueue_dma source(%dma_start3A_67 : memref<128xi32, #tpu.memory_space<hbm>>) target(%arg7 : memref<128xi32, #tpu.memory_space<vmem>>) target_semaphore(%run_scoped3A : memref<!tpu.dma_semaphore, #tpu.memory_space<semaphore_mem>>)
        %dma_wait3A_68 = tpu.memref_slice %arg3[%add3A_61] : memref<323584xi32, #tpu.memory_space<hbm>> -> memref<128xi32, #tpu.memory_space<hbm>>
        %dma_wait3A_69 = tpu.memref_slice %arg3[%add3A_61] : memref<323584xi32, #tpu.memory_space<hbm>> -> memref<128xi32, #tpu.memory_space<hbm>>
        tpu.wait_dma2 semaphore(%run_scoped3A : memref<!tpu.dma_semaphore, #tpu.memory_space<semaphore_mem>>) src(%dma_wait3A_69 : memref<128xi32, #tpu.memory_space<hbm>>) dst(%arg7 : memref<128xi32, #tpu.memory_space<vmem>>)
        tpu.yield
      }) : () -> ()
      "tpu.region"() ({
        %run_scoped3A = tpu.sem_alloc : memref<!tpu.dma_semaphore, #tpu.memory_space<semaphore_mem>>
        %dma_start3A_66 = tpu.memref_slice %arg4[%add3A_61] : memref<323584xi32, #tpu.memory_space<hbm>> -> memref<128xi32, #tpu.memory_space<hbm>>
        %dma_start3A_67 = tpu.memref_slice %arg4[%add3A_61] : memref<323584xi32, #tpu.memory_space<hbm>> -> memref<128xi32, #tpu.memory_space<hbm>>
        tpu.enqueue_dma source(%dma_start3A_67 : memref<128xi32, #tpu.memory_space<hbm>>) target(%arg8 : memref<128xi32, #tpu.memory_space<vmem>>) target_semaphore(%run_scoped3A : memref<!tpu.dma_semaphore, #tpu.memory_space<semaphore_mem>>)
        %dma_wait3A_68 = tpu.memref_slice %arg4[%add3A_61] : memref<323584xi32, #tpu.memory_space<hbm>> -> memref<128xi32, #tpu.memory_space<hbm>>
        %dma_wait3A_69 = tpu.memref_slice %arg4[%add3A_61] : memref<323584xi32, #tpu.memory_space<hbm>> -> memref<128xi32, #tpu.memory_space<hbm>>
        tpu.wait_dma2 semaphore(%run_scoped3A : memref<!tpu.dma_semaphore, #tpu.memory_space<semaphore_mem>>) src(%dma_wait3A_69 : memref<128xi32, #tpu.memory_space<hbm>>) dst(%arg8 : memref<128xi32, #tpu.memory_space<vmem>>)
        tpu.yield
      }) : () -> ()
      %dma_start3A = arith.constant 0 : i32
      %dma_start3A_62 = arith.constant 0 : i32
      %dma_start3A_63 = tpu.memref_slice %arg2[%dma_start3A, %dma_start3A_62] : memref<10000x128xf32, #tpu.memory_space<hbm>> -> memref<10000x128xf32, #tpu.memory_space<hbm>>
      tpu.enqueue_indirect_dma source(%dma_start3A_63 : memref<10000x128xf32, #tpu.memory_space<hbm>>) target(%arg9 : memref<128x128xf32, #tpu.memory_space<vmem>>) offsets(%arg7 : memref<128xi32, #tpu.memory_space<vmem>>) semaphore(%arg11 : memref<!tpu.dma_semaphore, #tpu.memory_space<semaphore_mem>>)
      %dma_wait3A = arith.constant 0 : i32
      %dma_wait3A_64 = arith.constant 0 : i32
      %dma_wait3A_65 = tpu.memref_slice %arg2[%dma_wait3A, %dma_wait3A_64] : memref<10000x128xf32, #tpu.memory_space<hbm>> -> memref<10000x128xf32, #tpu.memory_space<hbm>>
      tpu.wait_indirect_dma semaphore(%arg11 : memref<!tpu.dma_semaphore, #tpu.memory_space<semaphore_mem>>) src(%dma_wait3A_65 : memref<10000x128xf32, #tpu.memory_space<hbm>>) dst(%arg9 : memref<128x128xf32, #tpu.memory_space<vmem>>)
      "tpu.region"() ({
        %run_scoped3A = tpu.sem_alloc : memref<!tpu.dma_semaphore, #tpu.memory_space<semaphore_mem>>
        %dma_start3A_66 = arith.constant 0 : i32
        %dma_start3A_67 = arith.constant 0 : i32
        %dma_start3A_68 = tpu.memref_slice %arg10[%dma_start3A_66, %dma_start3A_67] : memref<10240x128xf32, #tpu.memory_space<vmem_shared>> -> memref<10240x128xf32, #tpu.memory_space<vmem_shared>>
        tpu.enqueue_indirect_dma source(%arg9 : memref<128x128xf32, #tpu.memory_space<vmem>>) target(%dma_start3A_68 : memref<10240x128xf32, #tpu.memory_space<vmem_shared>>) offsets(%arg8 : memref<128xi32, #tpu.memory_space<vmem>>) semaphore(%run_scoped3A : memref<!tpu.dma_semaphore, #tpu.memory_space<semaphore_mem>>) {add = true}
        %dma_wait3A_69 = arith.constant 0 : i32
        %dma_wait3A_70 = arith.constant 0 : i32
        %dma_wait3A_71 = tpu.memref_slice %arg10[%dma_wait3A_69, %dma_wait3A_70] : memref<10240x128xf32, #tpu.memory_space<vmem_shared>> -> memref<10240x128xf32, #tpu.memory_space<vmem_shared>>
        tpu.wait_indirect_dma semaphore(%run_scoped3A : memref<!tpu.dma_semaphore, #tpu.memory_space<semaphore_mem>>) src(%arg9 : memref<128x128xf32, #tpu.memory_space<vmem>>) dst(%dma_wait3A_71 : memref<10240x128xf32, #tpu.memory_space<vmem_shared>>)
        tpu.yield
      }) : () -> ()
    }
    %barrier3A_32 = arith.constant 0 : index
    tpu.barrier barrier_id(%barrier3A_32)
    %add3A_33 = arith.constant 0 : i32
    %add3A_34 = arith.addi %mul3A_0, %add3A_33 : i32
    "tpu.region"() ({
      %run_scoped3A = tpu.sem_alloc : memref<!tpu.dma_semaphore, #tpu.memory_space<semaphore_mem>>
      %dma_start3A = arith.constant 0 : i32
      %dma_start3A_58 = tpu.memref_slice %arg10[%add3A_34, %dma_start3A] : memref<10240x128xf32, #tpu.memory_space<vmem_shared>> -> memref<128x128xf32, #tpu.memory_space<vmem_shared>>
      %dma_start3A_59 = arith.constant 0 : i32
      %dma_start3A_60 = tpu.memref_slice %arg10[%add3A_34, %dma_start3A_59] : memref<10240x128xf32, #tpu.memory_space<vmem_shared>> -> memref<128x128xf32, #tpu.memory_space<vmem_shared>>
      tpu.enqueue_dma source(%dma_start3A_60 : memref<128x128xf32, #tpu.memory_space<vmem_shared>>) target(%arg9 : memref<128x128xf32, #tpu.memory_space<vmem>>) target_semaphore(%run_scoped3A : memref<!tpu.dma_semaphore, #tpu.memory_space<semaphore_mem>>)
      %dma_wait3A = arith.constant 0 : i32
      %dma_wait3A_61 = tpu.memref_slice %arg10[%add3A_34, %dma_wait3A] : memref<10240x128xf32, #tpu.memory_space<vmem_shared>> -> memref<128x128xf32, #tpu.memory_space<vmem_shared>>
      %dma_wait3A_62 = arith.constant 0 : i32
      %dma_wait3A_63 = tpu.memref_slice %arg10[%add3A_34, %dma_wait3A_62] : memref<10240x128xf32, #tpu.memory_space<vmem_shared>> -> memref<128x128xf32, #tpu.memory_space<vmem_shared>>
      tpu.wait_dma2 semaphore(%run_scoped3A : memref<!tpu.dma_semaphore, #tpu.memory_space<semaphore_mem>>) src(%dma_wait3A_63 : memref<128x128xf32, #tpu.memory_space<vmem_shared>>) dst(%arg9 : memref<128x128xf32, #tpu.memory_space<vmem>>)
      tpu.yield
    }) : () -> ()
    %mul3A_35 = arith.constant 10240 : i32
    %mul3A_36 = arith.muli %arg0, %mul3A_35 : i32
    %add3A_37 = arith.addi %mul3A_36, %add3A_34 : i32
    "tpu.region"() ({
      %run_scoped3A = tpu.sem_alloc : memref<!tpu.dma_semaphore, #tpu.memory_space<semaphore_mem>>
      %dma_start3A = arith.constant 0 : i32
      %dma_start3A_58 = tpu.memref_slice %arg6[%add3A_37, %dma_start3A] : memref<20480x128xf32, #tpu.memory_space<hbm>> -> memref<128x128xf32, #tpu.memory_space<hbm>>
      %dma_start3A_59 = arith.constant 0 : i32
      %dma_start3A_60 = tpu.memref_slice %arg6[%add3A_37, %dma_start3A_59] : memref<20480x128xf32, #tpu.memory_space<hbm>> -> memref<128x128xf32, #tpu.memory_space<hbm>>
      tpu.enqueue_dma source(%arg9 : memref<128x128xf32, #tpu.memory_space<vmem>>) target(%dma_start3A_60 : memref<128x128xf32, #tpu.memory_space<hbm>>) target_semaphore(%run_scoped3A : memref<!tpu.dma_semaphore, #tpu.memory_space<semaphore_mem>>)
      %dma_wait3A = arith.constant 0 : i32
      %dma_wait3A_61 = tpu.memref_slice %arg6[%add3A_37, %dma_wait3A] : memref<20480x128xf32, #tpu.memory_space<hbm>> -> memref<128x128xf32, #tpu.memory_space<hbm>>
      %dma_wait3A_62 = arith.constant 0 : i32
      %dma_wait3A_63 = tpu.memref_slice %arg6[%add3A_37, %dma_wait3A_62] : memref<20480x128xf32, #tpu.memory_space<hbm>> -> memref<128x128xf32, #tpu.memory_space<hbm>>
      tpu.wait_dma2 semaphore(%run_scoped3A : memref<!tpu.dma_semaphore, #tpu.memory_space<semaphore_mem>>) src(%arg9 : memref<128x128xf32, #tpu.memory_space<vmem>>) dst(%dma_wait3A_63 : memref<128x128xf32, #tpu.memory_space<hbm>>)
      tpu.yield
    }) : () -> ()
    %add3A_38 = arith.constant 128 : i32
    %add3A_39 = arith.addi %mul3A_0, %add3A_38 : i32
    "tpu.region"() ({
      %run_scoped3A = tpu.sem_alloc : memref<!tpu.dma_semaphore, #tpu.memory_space<semaphore_mem>>
      %dma_start3A = arith.constant 0 : i32
      %dma_start3A_58 = tpu.memref_slice %arg10[%add3A_39, %dma_start3A] : memref<10240x128xf32, #tpu.memory_space<vmem_shared>> -> memref<128x128xf32, #tpu.memory_space<vmem_shared>>
      %dma_start3A_59 = arith.constant 0 : i32
      %dma_start3A_60 = tpu.memref_slice %arg10[%add3A_39, %dma_start3A_59] : memref<10240x128xf32, #tpu.memory_space<vmem_shared>> -> memref<128x128xf32, #tpu.memory_space<vmem_shared>>
      tpu.enqueue_dma source(%dma_start3A_60 : memref<128x128xf32, #tpu.memory_space<vmem_shared>>) target(%arg9 : memref<128x128xf32, #tpu.memory_space<vmem>>) target_semaphore(%run_scoped3A : memref<!tpu.dma_semaphore, #tpu.memory_space<semaphore_mem>>)
      %dma_wait3A = arith.constant 0 : i32
      %dma_wait3A_61 = tpu.memref_slice %arg10[%add3A_39, %dma_wait3A] : memref<10240x128xf32, #tpu.memory_space<vmem_shared>> -> memref<128x128xf32, #tpu.memory_space<vmem_shared>>
      %dma_wait3A_62 = arith.constant 0 : i32
      %dma_wait3A_63 = tpu.memref_slice %arg10[%add3A_39, %dma_wait3A_62] : memref<10240x128xf32, #tpu.memory_space<vmem_shared>> -> memref<128x128xf32, #tpu.memory_space<vmem_shared>>
      tpu.wait_dma2 semaphore(%run_scoped3A : memref<!tpu.dma_semaphore, #tpu.memory_space<semaphore_mem>>) src(%dma_wait3A_63 : memref<128x128xf32, #tpu.memory_space<vmem_shared>>) dst(%arg9 : memref<128x128xf32, #tpu.memory_space<vmem>>)
      tpu.yield
    }) : () -> ()
    %mul3A_40 = arith.constant 10240 : i32
    %mul3A_41 = arith.muli %arg0, %mul3A_40 : i32
    %add3A_42 = arith.addi %mul3A_41, %add3A_39 : i32
    "tpu.region"() ({
      %run_scoped3A = tpu.sem_alloc : memref<!tpu.dma_semaphore, #tpu.memory_space<semaphore_mem>>
      %dma_start3A = arith.constant 0 : i32
      %dma_start3A_58 = tpu.memref_slice %arg6[%add3A_42, %dma_start3A] : memref<20480x128xf32, #tpu.memory_space<hbm>> -> memref<128x128xf32, #tpu.memory_space<hbm>>
      %dma_start3A_59 = arith.constant 0 : i32
      %dma_start3A_60 = tpu.memref_slice %arg6[%add3A_42, %dma_start3A_59] : memref<20480x128xf32, #tpu.memory_space<hbm>> -> memref<128x128xf32, #tpu.memory_space<hbm>>
      tpu.enqueue_dma source(%arg9 : memref<128x128xf32, #tpu.memory_space<vmem>>) target(%dma_start3A_60 : memref<128x128xf32, #tpu.memory_space<hbm>>) target_semaphore(%run_scoped3A : memref<!tpu.dma_semaphore, #tpu.memory_space<semaphore_mem>>)
      %dma_wait3A = arith.constant 0 : i32
      %dma_wait3A_61 = tpu.memref_slice %arg6[%add3A_42, %dma_wait3A] : memref<20480x128xf32, #tpu.memory_space<hbm>> -> memref<128x128xf32, #tpu.memory_space<hbm>>
      %dma_wait3A_62 = arith.constant 0 : i32
      %dma_wait3A_63 = tpu.memref_slice %arg6[%add3A_42, %dma_wait3A_62] : memref<20480x128xf32, #tpu.memory_space<hbm>> -> memref<128x128xf32, #tpu.memory_space<hbm>>
      tpu.wait_dma2 semaphore(%run_scoped3A : memref<!tpu.dma_semaphore, #tpu.memory_space<semaphore_mem>>) src(%arg9 : memref<128x128xf32, #tpu.memory_space<vmem>>) dst(%dma_wait3A_63 : memref<128x128xf32, #tpu.memory_space<hbm>>)
      tpu.yield
    }) : () -> ()
    %add3A_43 = arith.constant 256 : i32
    %add3A_44 = arith.addi %mul3A_0, %add3A_43 : i32
    "tpu.region"() ({
      %run_scoped3A = tpu.sem_alloc : memref<!tpu.dma_semaphore, #tpu.memory_space<semaphore_mem>>
      %dma_start3A = arith.constant 0 : i32
      %dma_start3A_58 = tpu.memref_slice %arg10[%add3A_44, %dma_start3A] : memref<10240x128xf32, #tpu.memory_space<vmem_shared>> -> memref<128x128xf32, #tpu.memory_space<vmem_shared>>
      %dma_start3A_59 = arith.constant 0 : i32
      %dma_start3A_60 = tpu.memref_slice %arg10[%add3A_44, %dma_start3A_59] : memref<10240x128xf32, #tpu.memory_space<vmem_shared>> -> memref<128x128xf32, #tpu.memory_space<vmem_shared>>
      tpu.enqueue_dma source(%dma_start3A_60 : memref<128x128xf32, #tpu.memory_space<vmem_shared>>) target(%arg9 : memref<128x128xf32, #tpu.memory_space<vmem>>) target_semaphore(%run_scoped3A : memref<!tpu.dma_semaphore, #tpu.memory_space<semaphore_mem>>)
      %dma_wait3A = arith.constant 0 : i32
      %dma_wait3A_61 = tpu.memref_slice %arg10[%add3A_44, %dma_wait3A] : memref<10240x128xf32, #tpu.memory_space<vmem_shared>> -> memref<128x128xf32, #tpu.memory_space<vmem_shared>>
      %dma_wait3A_62 = arith.constant 0 : i32
      %dma_wait3A_63 = tpu.memref_slice %arg10[%add3A_44, %dma_wait3A_62] : memref<10240x128xf32, #tpu.memory_space<vmem_shared>> -> memref<128x128xf32, #tpu.memory_space<vmem_shared>>
      tpu.wait_dma2 semaphore(%run_scoped3A : memref<!tpu.dma_semaphore, #tpu.memory_space<semaphore_mem>>) src(%dma_wait3A_63 : memref<128x128xf32, #tpu.memory_space<vmem_shared>>) dst(%arg9 : memref<128x128xf32, #tpu.memory_space<vmem>>)
      tpu.yield
    }) : () -> ()
    %mul3A_45 = arith.constant 10240 : i32
    %mul3A_46 = arith.muli %arg0, %mul3A_45 : i32
    %add3A_47 = arith.addi %mul3A_46, %add3A_44 : i32
    "tpu.region"() ({
      %run_scoped3A = tpu.sem_alloc : memref<!tpu.dma_semaphore, #tpu.memory_space<semaphore_mem>>
      %dma_start3A = arith.constant 0 : i32
      %dma_start3A_58 = tpu.memref_slice %arg6[%add3A_47, %dma_start3A] : memref<20480x128xf32, #tpu.memory_space<hbm>> -> memref<128x128xf32, #tpu.memory_space<hbm>>
      %dma_start3A_59 = arith.constant 0 : i32
      %dma_start3A_60 = tpu.memref_slice %arg6[%add3A_47, %dma_start3A_59] : memref<20480x128xf32, #tpu.memory_space<hbm>> -> memref<128x128xf32, #tpu.memory_space<hbm>>
      tpu.enqueue_dma source(%arg9 : memref<128x128xf32, #tpu.memory_space<vmem>>) target(%dma_start3A_60 : memref<128x128xf32, #tpu.memory_space<hbm>>) target_semaphore(%run_scoped3A : memref<!tpu.dma_semaphore, #tpu.memory_space<semaphore_mem>>)
      %dma_wait3A = arith.constant 0 : i32
      %dma_wait3A_61 = tpu.memref_slice %arg6[%add3A_47, %dma_wait3A] : memref<20480x128xf32, #tpu.memory_space<hbm>> -> memref<128x128xf32, #tpu.memory_space<hbm>>
      %dma_wait3A_62 = arith.constant 0 : i32
      %dma_wait3A_63 = tpu.memref_slice %arg6[%add3A_47, %dma_wait3A_62] : memref<20480x128xf32, #tpu.memory_space<hbm>> -> memref<128x128xf32, #tpu.memory_space<hbm>>
      tpu.wait_dma2 semaphore(%run_scoped3A : memref<!tpu.dma_semaphore, #tpu.memory_space<semaphore_mem>>) src(%arg9 : memref<128x128xf32, #tpu.memory_space<vmem>>) dst(%dma_wait3A_63 : memref<128x128xf32, #tpu.memory_space<hbm>>)
      tpu.yield
    }) : () -> ()
    %add3A_48 = arith.constant 384 : i32
    %add3A_49 = arith.addi %mul3A_0, %add3A_48 : i32
    "tpu.region"() ({
      %run_scoped3A = tpu.sem_alloc : memref<!tpu.dma_semaphore, #tpu.memory_space<semaphore_mem>>
      %dma_start3A = arith.constant 0 : i32
      %dma_start3A_58 = tpu.memref_slice %arg10[%add3A_49, %dma_start3A] : memref<10240x128xf32, #tpu.memory_space<vmem_shared>> -> memref<128x128xf32, #tpu.memory_space<vmem_shared>>
      %dma_start3A_59 = arith.constant 0 : i32
      %dma_start3A_60 = tpu.memref_slice %arg10[%add3A_49, %dma_start3A_59] : memref<10240x128xf32, #tpu.memory_space<vmem_shared>> -> memref<128x128xf32, #tpu.memory_space<vmem_shared>>
      tpu.enqueue_dma source(%dma_start3A_60 : memref<128x128xf32, #tpu.memory_space<vmem_shared>>) target(%arg9 : memref<128x128xf32, #tpu.memory_space<vmem>>) target_semaphore(%run_scoped3A : memref<!tpu.dma_semaphore, #tpu.memory_space<semaphore_mem>>)
      %dma_wait3A = arith.constant 0 : i32
      %dma_wait3A_61 = tpu.memref_slice %arg10[%add3A_49, %dma_wait3A] : memref<10240x128xf32, #tpu.memory_space<vmem_shared>> -> memref<128x128xf32, #tpu.memory_space<vmem_shared>>
      %dma_wait3A_62 = arith.constant 0 : i32
      %dma_wait3A_63 = tpu.memref_slice %arg10[%add3A_49, %dma_wait3A_62] : memref<10240x128xf32, #tpu.memory_space<vmem_shared>> -> memref<128x128xf32, #tpu.memory_space<vmem_shared>>
      tpu.wait_dma2 semaphore(%run_scoped3A : memref<!tpu.dma_semaphore, #tpu.memory_space<semaphore_mem>>) src(%dma_wait3A_63 : memref<128x128xf32, #tpu.memory_space<vmem_shared>>) dst(%arg9 : memref<128x128xf32, #tpu.memory_space<vmem>>)
      tpu.yield
    }) : () -> ()
    %mul3A_50 = arith.constant 10240 : i32
    %mul3A_51 = arith.muli %arg0, %mul3A_50 : i32
    %add3A_52 = arith.addi %mul3A_51, %add3A_49 : i32
    "tpu.region"() ({
      %run_scoped3A = tpu.sem_alloc : memref<!tpu.dma_semaphore, #tpu.memory_space<semaphore_mem>>
      %dma_start3A = arith.constant 0 : i32
      %dma_start3A_58 = tpu.memref_slice %arg6[%add3A_52, %dma_start3A] : memref<20480x128xf32, #tpu.memory_space<hbm>> -> memref<128x128xf32, #tpu.memory_space<hbm>>
      %dma_start3A_59 = arith.constant 0 : i32
      %dma_start3A_60 = tpu.memref_slice %arg6[%add3A_52, %dma_start3A_59] : memref<20480x128xf32, #tpu.memory_space<hbm>> -> memref<128x128xf32, #tpu.memory_space<hbm>>
      tpu.enqueue_dma source(%arg9 : memref<128x128xf32, #tpu.memory_space<vmem>>) target(%dma_start3A_60 : memref<128x128xf32, #tpu.memory_space<hbm>>) target_semaphore(%run_scoped3A : memref<!tpu.dma_semaphore, #tpu.memory_space<semaphore_mem>>)
      %dma_wait3A = arith.constant 0 : i32
      %dma_wait3A_61 = tpu.memref_slice %arg6[%add3A_52, %dma_wait3A] : memref<20480x128xf32, #tpu.memory_space<hbm>> -> memref<128x128xf32, #tpu.memory_space<hbm>>
      %dma_wait3A_62 = arith.constant 0 : i32
      %dma_wait3A_63 = tpu.memref_slice %arg6[%add3A_52, %dma_wait3A_62] : memref<20480x128xf32, #tpu.memory_space<hbm>> -> memref<128x128xf32, #tpu.memory_space<hbm>>
      tpu.wait_dma2 semaphore(%run_scoped3A : memref<!tpu.dma_semaphore, #tpu.memory_space<semaphore_mem>>) src(%arg9 : memref<128x128xf32, #tpu.memory_space<vmem>>) dst(%dma_wait3A_63 : memref<128x128xf32, #tpu.memory_space<hbm>>)
      tpu.yield
    }) : () -> ()
    %add3A_53 = arith.constant 512 : i32
    %add3A_54 = arith.addi %mul3A_0, %add3A_53 : i32
    "tpu.region"() ({
      %run_scoped3A = tpu.sem_alloc : memref<!tpu.dma_semaphore, #tpu.memory_space<semaphore_mem>>
      %dma_start3A = arith.constant 0 : i32
      %dma_start3A_58 = tpu.memref_slice %arg10[%add3A_54, %dma_start3A] : memref<10240x128xf32, #tpu.memory_space<vmem_shared>> -> memref<128x128xf32, #tpu.memory_space<vmem_shared>>
      %dma_start3A_59 = arith.constant 0 : i32
      %dma_start3A_60 = tpu.memref_slice %arg10[%add3A_54, %dma_start3A_59] : memref<10240x128xf32, #tpu.memory_space<vmem_shared>> -> memref<128x128xf32, #tpu.memory_space<vmem_shared>>
      tpu.enqueue_dma source(%dma_start3A_60 : memref<128x128xf32, #tpu.memory_space<vmem_shared>>) target(%arg9 : memref<128x128xf32, #tpu.memory_space<vmem>>) target_semaphore(%run_scoped3A : memref<!tpu.dma_semaphore, #tpu.memory_space<semaphore_mem>>)
      %dma_wait3A = arith.constant 0 : i32
      %dma_wait3A_61 = tpu.memref_slice %arg10[%add3A_54, %dma_wait3A] : memref<10240x128xf32, #tpu.memory_space<vmem_shared>> -> memref<128x128xf32, #tpu.memory_space<vmem_shared>>
      %dma_wait3A_62 = arith.constant 0 : i32
      %dma_wait3A_63 = tpu.memref_slice %arg10[%add3A_54, %dma_wait3A_62] : memref<10240x128xf32, #tpu.memory_space<vmem_shared>> -> memref<128x128xf32, #tpu.memory_space<vmem_shared>>
      tpu.wait_dma2 semaphore(%run_scoped3A : memref<!tpu.dma_semaphore, #tpu.memory_space<semaphore_mem>>) src(%dma_wait3A_63 : memref<128x128xf32, #tpu.memory_space<vmem_shared>>) dst(%arg9 : memref<128x128xf32, #tpu.memory_space<vmem>>)
      tpu.yield
    }) : () -> ()
    %mul3A_55 = arith.constant 10240 : i32
    %mul3A_56 = arith.muli %arg0, %mul3A_55 : i32
    %add3A_57 = arith.addi %mul3A_56, %add3A_54 : i32
    "tpu.region"() ({
      %run_scoped3A = tpu.sem_alloc : memref<!tpu.dma_semaphore, #tpu.memory_space<semaphore_mem>>
      %dma_start3A = arith.constant 0 : i32
      %dma_start3A_58 = tpu.memref_slice %arg6[%add3A_57, %dma_start3A] : memref<20480x128xf32, #tpu.memory_space<hbm>> -> memref<128x128xf32, #tpu.memory_space<hbm>>
      %dma_start3A_59 = arith.constant 0 : i32
      %dma_start3A_60 = tpu.memref_slice %arg6[%add3A_57, %dma_start3A_59] : memref<20480x128xf32, #tpu.memory_space<hbm>> -> memref<128x128xf32, #tpu.memory_space<hbm>>
      tpu.enqueue_dma source(%arg9 : memref<128x128xf32, #tpu.memory_space<vmem>>) target(%dma_start3A_60 : memref<128x128xf32, #tpu.memory_space<hbm>>) target_semaphore(%run_scoped3A : memref<!tpu.dma_semaphore, #tpu.memory_space<semaphore_mem>>)
      %dma_wait3A = arith.constant 0 : i32
      %dma_wait3A_61 = tpu.memref_slice %arg6[%add3A_57, %dma_wait3A] : memref<20480x128xf32, #tpu.memory_space<hbm>> -> memref<128x128xf32, #tpu.memory_space<hbm>>
      %dma_wait3A_62 = arith.constant 0 : i32
      %dma_wait3A_63 = tpu.memref_slice %arg6[%add3A_57, %dma_wait3A_62] : memref<20480x128xf32, #tpu.memory_space<hbm>> -> memref<128x128xf32, #tpu.memory_space<hbm>>
      tpu.wait_dma2 semaphore(%run_scoped3A : memref<!tpu.dma_semaphore, #tpu.memory_space<semaphore_mem>>) src(%arg9 : memref<128x128xf32, #tpu.memory_space<vmem>>) dst(%dma_wait3A_63 : memref<128x128xf32, #tpu.memory_space<hbm>>)
      tpu.yield
    }) : () -> ()
    return
  }
}

#map = affine_map<(d0, d1) -> (0, 0)>
#map1 = affine_map<(d0, d1) -> (0)>
module attributes {stable_mosaic.version = 14 : i64} {
  func.func @segsum(%arg0: i32, %arg1: i32, %arg2: memref<10000x128xf32, #tpu.memory_space<hbm>>, %arg3: memref<323584xi32, #tpu.memory_space<hbm>>, %arg4: memref<323584xi32, #tpu.memory_space<hbm>>, %arg5: memref<128x128xf32, #tpu.memory_space<hbm>>, %arg6: memref<20480x128xf32, #tpu.memory_space<hbm>>, %arg7: memref<128xi32, #tpu.memory_space<vmem>>, %arg8: memref<128xi32, #tpu.memory_space<vmem>>, %arg9: memref<128x128xf32, #tpu.memory_space<vmem>>, %arg10: memref<10240x128xf32, #tpu.memory_space<vmem_shared>>, %arg11: memref<!tpu.dma_semaphore, #tpu.memory_space<semaphore_mem>>) attributes {dimension_semantics = [#tpu.dimension_semantics<core_parallel>, #tpu.dimension_semantics<subcore_parallel>], iteration_bounds = array<i64: 2, 16>, scalar_prefetch = 0 : i64, scratch_operands = 5 : i64, tpu.core_type = #tpu.core_type<sc_vector_subcore>, window_params = [{transform_indices = #map}, {transform_indices = #map1}, {transform_indices = #map1}, {transform_indices = #map}, {transform_indices = #map}]} {
    %mul3A = arith.constant 640 : i32
    %mul3A_0 = arith.muli %arg1, %mul3A : i32
    "tpu.region"() ({
      %run_scoped3A = tpu.sem_alloc : memref<!tpu.dma_semaphore, #tpu.memory_space<semaphore_mem>>
      tpu.enqueue_dma source(%arg5 : memref<128x128xf32, #tpu.memory_space<hbm>>) target(%arg9 : memref<128x128xf32, #tpu.memory_space<vmem>>) target_semaphore(%run_scoped3A : memref<!tpu.dma_semaphore, #tpu.memory_space<semaphore_mem>>)
      tpu.wait_dma2 semaphore(%run_scoped3A : memref<!tpu.dma_semaphore, #tpu.memory_space<semaphore_mem>>) src(%arg5 : memref<128x128xf32, #tpu.memory_space<hbm>>) dst(%arg9 : memref<128x128xf32, #tpu.memory_space<vmem>>)
      tpu.yield
    }) : () -> ()
    %add3A = arith.constant 0 : i32
    %add3A_1 = arith.addi %mul3A_0, %add3A : i32
    "tpu.region"() ({
      %run_scoped3A = tpu.sem_alloc : memref<!tpu.dma_semaphore, #tpu.memory_space<semaphore_mem>>
      %dma_start3A = arith.constant 0 : i32
      %dma_start3A_58 = tpu.memref_slice %arg10[%add3A_1, %dma_start3A] : memref<10240x128xf32, #tpu.memory_space<vmem_shared>> -> memref<128x128xf32, #tpu.memory_space<vmem_shared>>
      %dma_start3A_59 = arith.constant 0 : i32
      %dma_start3A_60 = tpu.memref_slice %arg10[%add3A_1, %dma_start3A_59] : memref<10240x128xf32, #tpu.memory_space<vmem_shared>> -> memref<128x128xf32, #tpu.memory_space<vmem_shared>>
      tpu.enqueue_dma source(%arg9 : memref<128x128xf32, #tpu.memory_space<vmem>>) target(%dma_start3A_60 : memref<128x128xf32, #tpu.memory_space<vmem_shared>>) target_semaphore(%run_scoped3A : memref<!tpu.dma_semaphore, #tpu.memory_space<semaphore_mem>>)
      %dma_wait3A = arith.constant 0 : i32
      %dma_wait3A_61 = tpu.memref_slice %arg10[%add3A_1, %dma_wait3A] : memref<10240x128xf32, #tpu.memory_space<vmem_shared>> -> memref<128x128xf32, #tpu.memory_space<vmem_shared>>
      %dma_wait3A_62 = arith.constant 0 : i32
      %dma_wait3A_63 = tpu.memref_slice %arg10[%add3A_1, %dma_wait3A_62] : memref<10240x128xf32, #tpu.memory_space<vmem_shared>> -> memref<128x128xf32, #tpu.memory_space<vmem_shared>>
      tpu.wait_dma2 semaphore(%run_scoped3A : memref<!tpu.dma_semaphore, #tpu.memory_space<semaphore_mem>>) src(%arg9 : memref<128x128xf32, #tpu.memory_space<vmem>>) dst(%dma_wait3A_63 : memref<128x128xf32, #tpu.memory_space<vmem_shared>>)
      tpu.yield
    }) : () -> ()
    %add3A_2 = arith.constant 128 : i32
    %add3A_3 = arith.addi %mul3A_0, %add3A_2 : i32
    "tpu.region"() ({
      %run_scoped3A = tpu.sem_alloc : memref<!tpu.dma_semaphore, #tpu.memory_space<semaphore_mem>>
      %dma_start3A = arith.constant 0 : i32
      %dma_start3A_58 = tpu.memref_slice %arg10[%add3A_3, %dma_start3A] : memref<10240x128xf32, #tpu.memory_space<vmem_shared>> -> memref<128x128xf32, #tpu.memory_space<vmem_shared>>
      %dma_start3A_59 = arith.constant 0 : i32
      %dma_start3A_60 = tpu.memref_slice %arg10[%add3A_3, %dma_start3A_59] : memref<10240x128xf32, #tpu.memory_space<vmem_shared>> -> memref<128x128xf32, #tpu.memory_space<vmem_shared>>
      tpu.enqueue_dma source(%arg9 : memref<128x128xf32, #tpu.memory_space<vmem>>) target(%dma_start3A_60 : memref<128x128xf32, #tpu.memory_space<vmem_shared>>) target_semaphore(%run_scoped3A : memref<!tpu.dma_semaphore, #tpu.memory_space<semaphore_mem>>)
      %dma_wait3A = arith.constant 0 : i32
      %dma_wait3A_61 = tpu.memref_slice %arg10[%add3A_3, %dma_wait3A] : memref<10240x128xf32, #tpu.memory_space<vmem_shared>> -> memref<128x128xf32, #tpu.memory_space<vmem_shared>>
      %dma_wait3A_62 = arith.constant 0 : i32
      %dma_wait3A_63 = tpu.memref_slice %arg10[%add3A_3, %dma_wait3A_62] : memref<10240x128xf32, #tpu.memory_space<vmem_shared>> -> memref<128x128xf32, #tpu.memory_space<vmem_shared>>
      tpu.wait_dma2 semaphore(%run_scoped3A : memref<!tpu.dma_semaphore, #tpu.memory_space<semaphore_mem>>) src(%arg9 : memref<128x128xf32, #tpu.memory_space<vmem>>) dst(%dma_wait3A_63 : memref<128x128xf32, #tpu.memory_space<vmem_shared>>)
      tpu.yield
    }) : () -> ()
    %add3A_4 = arith.constant 256 : i32
    %add3A_5 = arith.addi %mul3A_0, %add3A_4 : i32
    "tpu.region"() ({
      %run_scoped3A = tpu.sem_alloc : memref<!tpu.dma_semaphore, #tpu.memory_space<semaphore_mem>>
      %dma_start3A = arith.constant 0 : i32
      %dma_start3A_58 = tpu.memref_slice %arg10[%add3A_5, %dma_start3A] : memref<10240x128xf32, #tpu.memory_space<vmem_shared>> -> memref<128x128xf32, #tpu.memory_space<vmem_shared>>
      %dma_start3A_59 = arith.constant 0 : i32
      %dma_start3A_60 = tpu.memref_slice %arg10[%add3A_5, %dma_start3A_59] : memref<10240x128xf32, #tpu.memory_space<vmem_shared>> -> memref<128x128xf32, #tpu.memory_space<vmem_shared>>
      tpu.enqueue_dma source(%arg9 : memref<128x128xf32, #tpu.memory_space<vmem>>) target(%dma_start3A_60 : memref<128x128xf32, #tpu.memory_space<vmem_shared>>) target_semaphore(%run_scoped3A : memref<!tpu.dma_semaphore, #tpu.memory_space<semaphore_mem>>)
      %dma_wait3A = arith.constant 0 : i32
      %dma_wait3A_61 = tpu.memref_slice %arg10[%add3A_5, %dma_wait3A] : memref<10240x128xf32, #tpu.memory_space<vmem_shared>> -> memref<128x128xf32, #tpu.memory_space<vmem_shared>>
      %dma_wait3A_62 = arith.constant 0 : i32
      %dma_wait3A_63 = tpu.memref_slice %arg10[%add3A_5, %dma_wait3A_62] : memref<10240x128xf32, #tpu.memory_space<vmem_shared>> -> memref<128x128xf32, #tpu.memory_space<vmem_shared>>
      tpu.wait_dma2 semaphore(%run_scoped3A : memref<!tpu.dma_semaphore, #tpu.memory_space<semaphore_mem>>) src(%arg9 : memref<128x128xf32, #tpu.memory_space<vmem>>) dst(%dma_wait3A_63 : memref<128x128xf32, #tpu.memory_space<vmem_shared>>)
      tpu.yield
    }) : () -> ()
    %add3A_6 = arith.constant 384 : i32
    %add3A_7 = arith.addi %mul3A_0, %add3A_6 : i32
    "tpu.region"() ({
      %run_scoped3A = tpu.sem_alloc : memref<!tpu.dma_semaphore, #tpu.memory_space<semaphore_mem>>
      %dma_start3A = arith.constant 0 : i32
      %dma_start3A_58 = tpu.memref_slice %arg10[%add3A_7, %dma_start3A] : memref<10240x128xf32, #tpu.memory_space<vmem_shared>> -> memref<128x128xf32, #tpu.memory_space<vmem_shared>>
      %dma_start3A_59 = arith.constant 0 : i32
      %dma_start3A_60 = tpu.memref_slice %arg10[%add3A_7, %dma_start3A_59] : memref<10240x128xf32, #tpu.memory_space<vmem_shared>> -> memref<128x128xf32, #tpu.memory_space<vmem_shared>>
      tpu.enqueue_dma source(%arg9 : memref<128x128xf32, #tpu.memory_space<vmem>>) target(%dma_start3A_60 : memref<128x128xf32, #tpu.memory_space<vmem_shared>>) target_semaphore(%run_scoped3A : memref<!tpu.dma_semaphore, #tpu.memory_space<semaphore_mem>>)
      %dma_wait3A = arith.constant 0 : i32
      %dma_wait3A_61 = tpu.memref_slice %arg10[%add3A_7, %dma_wait3A] : memref<10240x128xf32, #tpu.memory_space<vmem_shared>> -> memref<128x128xf32, #tpu.memory_space<vmem_shared>>
      %dma_wait3A_62 = arith.constant 0 : i32
      %dma_wait3A_63 = tpu.memref_slice %arg10[%add3A_7, %dma_wait3A_62] : memref<10240x128xf32, #tpu.memory_space<vmem_shared>> -> memref<128x128xf32, #tpu.memory_space<vmem_shared>>
      tpu.wait_dma2 semaphore(%run_scoped3A : memref<!tpu.dma_semaphore, #tpu.memory_space<semaphore_mem>>) src(%arg9 : memref<128x128xf32, #tpu.memory_space<vmem>>) dst(%dma_wait3A_63 : memref<128x128xf32, #tpu.memory_space<vmem_shared>>)
      tpu.yield
    }) : () -> ()
    %add3A_8 = arith.constant 512 : i32
    %add3A_9 = arith.addi %mul3A_0, %add3A_8 : i32
    "tpu.region"() ({
      %run_scoped3A = tpu.sem_alloc : memref<!tpu.dma_semaphore, #tpu.memory_space<semaphore_mem>>
      %dma_start3A = arith.constant 0 : i32
      %dma_start3A_58 = tpu.memref_slice %arg10[%add3A_9, %dma_start3A] : memref<10240x128xf32, #tpu.memory_space<vmem_shared>> -> memref<128x128xf32, #tpu.memory_space<vmem_shared>>
      %dma_start3A_59 = arith.constant 0 : i32
      %dma_start3A_60 = tpu.memref_slice %arg10[%add3A_9, %dma_start3A_59] : memref<10240x128xf32, #tpu.memory_space<vmem_shared>> -> memref<128x128xf32, #tpu.memory_space<vmem_shared>>
      tpu.enqueue_dma source(%arg9 : memref<128x128xf32, #tpu.memory_space<vmem>>) target(%dma_start3A_60 : memref<128x128xf32, #tpu.memory_space<vmem_shared>>) target_semaphore(%run_scoped3A : memref<!tpu.dma_semaphore, #tpu.memory_space<semaphore_mem>>)
      %dma_wait3A = arith.constant 0 : i32
      %dma_wait3A_61 = tpu.memref_slice %arg10[%add3A_9, %dma_wait3A] : memref<10240x128xf32, #tpu.memory_space<vmem_shared>> -> memref<128x128xf32, #tpu.memory_space<vmem_shared>>
      %dma_wait3A_62 = arith.constant 0 : i32
      %dma_wait3A_63 = tpu.memref_slice %arg10[%add3A_9, %dma_wait3A_62] : memref<10240x128xf32, #tpu.memory_space<vmem_shared>> -> memref<128x128xf32, #tpu.memory_space<vmem_shared>>
      tpu.wait_dma2 semaphore(%run_scoped3A : memref<!tpu.dma_semaphore, #tpu.memory_space<semaphore_mem>>) src(%arg9 : memref<128x128xf32, #tpu.memory_space<vmem>>) dst(%dma_wait3A_63 : memref<128x128xf32, #tpu.memory_space<vmem_shared>>)
      tpu.yield
    }) : () -> ()
    %barrier3A = arith.constant 0 : index
    tpu.barrier barrier_id(%barrier3A)
    %eq3A = arith.constant 0 : i32
    %eq3A_10 = arith.cmpi eq, %arg0, %eq3A : i32
    %jit3A = arith.constant 62 : i32
    %jit3A_11 = arith.constant 96 : i32
    %select_n3A = arith.select %eq3A_10, %jit3A, %jit3A_11 : i32
    %eq3A_12 = arith.constant 0 : i32
    %eq3A_13 = arith.cmpi eq, %arg0, %eq3A_12 : i32
    %mul3A_14 = arith.constant 62 : i32
    %mul3A_15 = arith.muli %arg1, %mul3A_14 : i32
    %mul3A_16 = arith.constant 96 : i32
    %mul3A_17 = arith.muli %arg1, %mul3A_16 : i32
    %add3A_18 = arith.constant 992 : i32
    %add3A_19 = arith.addi %add3A_18, %mul3A_17 : i32
    %select_n3A_20 = arith.select %eq3A_13, %mul3A_15, %add3A_19 : i32
    %mul3A_21 = arith.constant 128 : i32
    %mul3A_22 = arith.muli %select_n3A_20, %mul3A_21 : i32
    %while3A = arith.constant 0 : i32
    %while3A_23 = arith.constant 0 : i32
    %while3A_24 = arith.subi %select_n3A, %while3A_23 : i32
    %while3A_25 = arith.addi %while3A_23, %while3A_24 : i32
    %while3A_26 = arith.constant 1 : i32
    %while3A_27 = arith.divsi %while3A_24, %while3A_26 : i32
    %while3A_28 = arith.muli %while3A_27, %while3A_26 : i32
    %while3A_29 = arith.addi %while3A_23, %while3A_28 : i32
    %while3A_30 = arith.constant 1 : i32
    scf.for %while3A_58 = %while3A_23 to %while3A_29 step %while3A_30  : i32 {
      %mul3A_59 = arith.constant 128 : i32
      %mul3A_60 = arith.muli %while3A_58, %mul3A_59 : i32
      %add3A_61 = arith.addi %mul3A_22, %mul3A_60 : i32
      "tpu.region"() ({
        %run_scoped3A = tpu.sem_alloc : memref<!tpu.dma_semaphore, #tpu.memory_space<semaphore_mem>>
        %dma_start3A_66 = tpu.memref_slice %arg3[%add3A_61] : memref<323584xi32, #tpu.memory_space<hbm>> -> memref<128xi32, #tpu.memory_space<hbm>>
        %dma_start3A_67 = tpu.memref_slice %arg3[%add3A_61] : memref<323584xi32, #tpu.memory_space<hbm>> -> memref<128xi32, #tpu.memory_space<hbm>>
        tpu.enqueue_dma source(%dma_start3A_67 : memref<128xi32, #tpu.memory_space<hbm>>) target(%arg7 : memref<128xi32, #tpu.memory_space<vmem>>) target_semaphore(%run_scoped3A : memref<!tpu.dma_semaphore, #tpu.memory_space<semaphore_mem>>)
        %dma_wait3A_68 = tpu.memref_slice %arg3[%add3A_61] : memref<323584xi32, #tpu.memory_space<hbm>> -> memref<128xi32, #tpu.memory_space<hbm>>
        %dma_wait3A_69 = tpu.memref_slice %arg3[%add3A_61] : memref<323584xi32, #tpu.memory_space<hbm>> -> memref<128xi32, #tpu.memory_space<hbm>>
        tpu.wait_dma2 semaphore(%run_scoped3A : memref<!tpu.dma_semaphore, #tpu.memory_space<semaphore_mem>>) src(%dma_wait3A_69 : memref<128xi32, #tpu.memory_space<hbm>>) dst(%arg7 : memref<128xi32, #tpu.memory_space<vmem>>)
        tpu.yield
      }) : () -> ()
      "tpu.region"() ({
        %run_scoped3A = tpu.sem_alloc : memref<!tpu.dma_semaphore, #tpu.memory_space<semaphore_mem>>
        %dma_start3A_66 = tpu.memref_slice %arg4[%add3A_61] : memref<323584xi32, #tpu.memory_space<hbm>> -> memref<128xi32, #tpu.memory_space<hbm>>
        %dma_start3A_67 = tpu.memref_slice %arg4[%add3A_61] : memref<323584xi32, #tpu.memory_space<hbm>> -> memref<128xi32, #tpu.memory_space<hbm>>
        tpu.enqueue_dma source(%dma_start3A_67 : memref<128xi32, #tpu.memory_space<hbm>>) target(%arg8 : memref<128xi32, #tpu.memory_space<vmem>>) target_semaphore(%run_scoped3A : memref<!tpu.dma_semaphore, #tpu.memory_space<semaphore_mem>>)
        %dma_wait3A_68 = tpu.memref_slice %arg4[%add3A_61] : memref<323584xi32, #tpu.memory_space<hbm>> -> memref<128xi32, #tpu.memory_space<hbm>>
        %dma_wait3A_69 = tpu.memref_slice %arg4[%add3A_61] : memref<323584xi32, #tpu.memory_space<hbm>> -> memref<128xi32, #tpu.memory_space<hbm>>
        tpu.wait_dma2 semaphore(%run_scoped3A : memref<!tpu.dma_semaphore, #tpu.memory_space<semaphore_mem>>) src(%dma_wait3A_69 : memref<128xi32, #tpu.memory_space<hbm>>) dst(%arg8 : memref<128xi32, #tpu.memory_space<vmem>>)
        tpu.yield
      }) : () -> ()
      %dma_start3A = arith.constant 0 : i32
      %dma_start3A_62 = arith.constant 0 : i32
      %dma_start3A_63 = tpu.memref_slice %arg2[%dma_start3A, %dma_start3A_62] : memref<10000x128xf32, #tpu.memory_space<hbm>> -> memref<10000x128xf32, #tpu.memory_space<hbm>>
      tpu.enqueue_indirect_dma source(%dma_start3A_63 : memref<10000x128xf32, #tpu.memory_space<hbm>>) target(%arg9 : memref<128x128xf32, #tpu.memory_space<vmem>>) offsets(%arg7 : memref<128xi32, #tpu.memory_space<vmem>>) semaphore(%arg11 : memref<!tpu.dma_semaphore, #tpu.memory_space<semaphore_mem>>)
      %dma_wait3A = arith.constant 0 : i32
      %dma_wait3A_64 = arith.constant 0 : i32
      %dma_wait3A_65 = tpu.memref_slice %arg2[%dma_wait3A, %dma_wait3A_64] : memref<10000x128xf32, #tpu.memory_space<hbm>> -> memref<10000x128xf32, #tpu.memory_space<hbm>>
      tpu.wait_indirect_dma semaphore(%arg11 : memref<!tpu.dma_semaphore, #tpu.memory_space<semaphore_mem>>) src(%dma_wait3A_65 : memref<10000x128xf32, #tpu.memory_space<hbm>>) dst(%arg9 : memref<128x128xf32, #tpu.memory_space<vmem>>)
      "tpu.region"() ({
        %run_scoped3A = tpu.sem_alloc : memref<!tpu.dma_semaphore, #tpu.memory_space<semaphore_mem>>
        %dma_start3A_66 = arith.constant 0 : i32
        %dma_start3A_67 = arith.constant 0 : i32
        %dma_start3A_68 = tpu.memref_slice %arg10[%dma_start3A_66, %dma_start3A_67] : memref<10240x128xf32, #tpu.memory_space<vmem_shared>> -> memref<10240x128xf32, #tpu.memory_space<vmem_shared>>
        tpu.enqueue_indirect_dma source(%arg9 : memref<128x128xf32, #tpu.memory_space<vmem>>) target(%dma_start3A_68 : memref<10240x128xf32, #tpu.memory_space<vmem_shared>>) offsets(%arg8 : memref<128xi32, #tpu.memory_space<vmem>>) semaphore(%run_scoped3A : memref<!tpu.dma_semaphore, #tpu.memory_space<semaphore_mem>>) {add = true}
        %dma_wait3A_69 = arith.constant 0 : i32
        %dma_wait3A_70 = arith.constant 0 : i32
        %dma_wait3A_71 = tpu.memref_slice %arg10[%dma_wait3A_69, %dma_wait3A_70] : memref<10240x128xf32, #tpu.memory_space<vmem_shared>> -> memref<10240x128xf32, #tpu.memory_space<vmem_shared>>
        tpu.wait_indirect_dma semaphore(%run_scoped3A : memref<!tpu.dma_semaphore, #tpu.memory_space<semaphore_mem>>) src(%arg9 : memref<128x128xf32, #tpu.memory_space<vmem>>) dst(%dma_wait3A_71 : memref<10240x128xf32, #tpu.memory_space<vmem_shared>>)
        tpu.yield
      }) : () -> ()
    }
    %while3A_31 = arith.constant 1 : i32
    scf.for %while3A_58 = %while3A_29 to %while3A_25 step %while3A_31  : i32 {
      %mul3A_59 = arith.constant 128 : i32
      %mul3A_60 = arith.muli %while3A_58, %mul3A_59 : i32
      %add3A_61 = arith.addi %mul3A_22, %mul3A_60 : i32
      "tpu.region"() ({
        %run_scoped3A = tpu.sem_alloc : memref<!tpu.dma_semaphore, #tpu.memory_space<semaphore_mem>>
        %dma_start3A_66 = tpu.memref_slice %arg3[%add3A_61] : memref<323584xi32, #tpu.memory_space<hbm>> -> memref<128xi32, #tpu.memory_space<hbm>>
        %dma_start3A_67 = tpu.memref_slice %arg3[%add3A_61] : memref<323584xi32, #tpu.memory_space<hbm>> -> memref<128xi32, #tpu.memory_space<hbm>>
        tpu.enqueue_dma source(%dma_start3A_67 : memref<128xi32, #tpu.memory_space<hbm>>) target(%arg7 : memref<128xi32, #tpu.memory_space<vmem>>) target_semaphore(%run_scoped3A : memref<!tpu.dma_semaphore, #tpu.memory_space<semaphore_mem>>)
        %dma_wait3A_68 = tpu.memref_slice %arg3[%add3A_61] : memref<323584xi32, #tpu.memory_space<hbm>> -> memref<128xi32, #tpu.memory_space<hbm>>
        %dma_wait3A_69 = tpu.memref_slice %arg3[%add3A_61] : memref<323584xi32, #tpu.memory_space<hbm>> -> memref<128xi32, #tpu.memory_space<hbm>>
        tpu.wait_dma2 semaphore(%run_scoped3A : memref<!tpu.dma_semaphore, #tpu.memory_space<semaphore_mem>>) src(%dma_wait3A_69 : memref<128xi32, #tpu.memory_space<hbm>>) dst(%arg7 : memref<128xi32, #tpu.memory_space<vmem>>)
        tpu.yield
      }) : () -> ()
      "tpu.region"() ({
        %run_scoped3A = tpu.sem_alloc : memref<!tpu.dma_semaphore, #tpu.memory_space<semaphore_mem>>
        %dma_start3A_66 = tpu.memref_slice %arg4[%add3A_61] : memref<323584xi32, #tpu.memory_space<hbm>> -> memref<128xi32, #tpu.memory_space<hbm>>
        %dma_start3A_67 = tpu.memref_slice %arg4[%add3A_61] : memref<323584xi32, #tpu.memory_space<hbm>> -> memref<128xi32, #tpu.memory_space<hbm>>
        tpu.enqueue_dma source(%dma_start3A_67 : memref<128xi32, #tpu.memory_space<hbm>>) target(%arg8 : memref<128xi32, #tpu.memory_space<vmem>>) target_semaphore(%run_scoped3A : memref<!tpu.dma_semaphore, #tpu.memory_space<semaphore_mem>>)
        %dma_wait3A_68 = tpu.memref_slice %arg4[%add3A_61] : memref<323584xi32, #tpu.memory_space<hbm>> -> memref<128xi32, #tpu.memory_space<hbm>>
        %dma_wait3A_69 = tpu.memref_slice %arg4[%add3A_61] : memref<323584xi32, #tpu.memory_space<hbm>> -> memref<128xi32, #tpu.memory_space<hbm>>
        tpu.wait_dma2 semaphore(%run_scoped3A : memref<!tpu.dma_semaphore, #tpu.memory_space<semaphore_mem>>) src(%dma_wait3A_69 : memref<128xi32, #tpu.memory_space<hbm>>) dst(%arg8 : memref<128xi32, #tpu.memory_space<vmem>>)
        tpu.yield
      }) : () -> ()
      %dma_start3A = arith.constant 0 : i32
      %dma_start3A_62 = arith.constant 0 : i32
      %dma_start3A_63 = tpu.memref_slice %arg2[%dma_start3A, %dma_start3A_62] : memref<10000x128xf32, #tpu.memory_space<hbm>> -> memref<10000x128xf32, #tpu.memory_space<hbm>>
      tpu.enqueue_indirect_dma source(%dma_start3A_63 : memref<10000x128xf32, #tpu.memory_space<hbm>>) target(%arg9 : memref<128x128xf32, #tpu.memory_space<vmem>>) offsets(%arg7 : memref<128xi32, #tpu.memory_space<vmem>>) semaphore(%arg11 : memref<!tpu.dma_semaphore, #tpu.memory_space<semaphore_mem>>)
      %dma_wait3A = arith.constant 0 : i32
      %dma_wait3A_64 = arith.constant 0 : i32
      %dma_wait3A_65 = tpu.memref_slice %arg2[%dma_wait3A, %dma_wait3A_64] : memref<10000x128xf32, #tpu.memory_space<hbm>> -> memref<10000x128xf32, #tpu.memory_space<hbm>>
      tpu.wait_indirect_dma semaphore(%arg11 : memref<!tpu.dma_semaphore, #tpu.memory_space<semaphore_mem>>) src(%dma_wait3A_65 : memref<10000x128xf32, #tpu.memory_space<hbm>>) dst(%arg9 : memref<128x128xf32, #tpu.memory_space<vmem>>)
      "tpu.region"() ({
        %run_scoped3A = tpu.sem_alloc : memref<!tpu.dma_semaphore, #tpu.memory_space<semaphore_mem>>
        %dma_start3A_66 = arith.constant 0 : i32
        %dma_start3A_67 = arith.constant 0 : i32
        %dma_start3A_68 = tpu.memref_slice %arg10[%dma_start3A_66, %dma_start3A_67] : memref<10240x128xf32, #tpu.memory_space<vmem_shared>> -> memref<10240x128xf32, #tpu.memory_space<vmem_shared>>
        tpu.enqueue_indirect_dma source(%arg9 : memref<128x128xf32, #tpu.memory_space<vmem>>) target(%dma_start3A_68 : memref<10240x128xf32, #tpu.memory_space<vmem_shared>>) offsets(%arg8 : memref<128xi32, #tpu.memory_space<vmem>>) semaphore(%run_scoped3A : memref<!tpu.dma_semaphore, #tpu.memory_space<semaphore_mem>>) {add = true}
        %dma_wait3A_69 = arith.constant 0 : i32
        %dma_wait3A_70 = arith.constant 0 : i32
        %dma_wait3A_71 = tpu.memref_slice %arg10[%dma_wait3A_69, %dma_wait3A_70] : memref<10240x128xf32, #tpu.memory_space<vmem_shared>> -> memref<10240x128xf32, #tpu.memory_space<vmem_shared>>
        tpu.wait_indirect_dma semaphore(%run_scoped3A : memref<!tpu.dma_semaphore, #tpu.memory_space<semaphore_mem>>) src(%arg9 : memref<128x128xf32, #tpu.memory_space<vmem>>) dst(%dma_wait3A_71 : memref<10240x128xf32, #tpu.memory_space<vmem_shared>>)
        tpu.yield
      }) : () -> ()
    }
    %barrier3A_32 = arith.constant 0 : index
    tpu.barrier barrier_id(%barrier3A_32)
    %add3A_33 = arith.constant 0 : i32
    %add3A_34 = arith.addi %mul3A_0, %add3A_33 : i32
    "tpu.region"() ({
      %run_scoped3A = tpu.sem_alloc : memref<!tpu.dma_semaphore, #tpu.memory_space<semaphore_mem>>
      %dma_start3A = arith.constant 0 : i32
      %dma_start3A_58 = tpu.memref_slice %arg10[%add3A_34, %dma_start3A] : memref<10240x128xf32, #tpu.memory_space<vmem_shared>> -> memref<128x128xf32, #tpu.memory_space<vmem_shared>>
      %dma_start3A_59 = arith.constant 0 : i32
      %dma_start3A_60 = tpu.memref_slice %arg10[%add3A_34, %dma_start3A_59] : memref<10240x128xf32, #tpu.memory_space<vmem_shared>> -> memref<128x128xf32, #tpu.memory_space<vmem_shared>>
      tpu.enqueue_dma source(%dma_start3A_60 : memref<128x128xf32, #tpu.memory_space<vmem_shared>>) target(%arg9 : memref<128x128xf32, #tpu.memory_space<vmem>>) target_semaphore(%run_scoped3A : memref<!tpu.dma_semaphore, #tpu.memory_space<semaphore_mem>>)
      %dma_wait3A = arith.constant 0 : i32
      %dma_wait3A_61 = tpu.memref_slice %arg10[%add3A_34, %dma_wait3A] : memref<10240x128xf32, #tpu.memory_space<vmem_shared>> -> memref<128x128xf32, #tpu.memory_space<vmem_shared>>
      %dma_wait3A_62 = arith.constant 0 : i32
      %dma_wait3A_63 = tpu.memref_slice %arg10[%add3A_34, %dma_wait3A_62] : memref<10240x128xf32, #tpu.memory_space<vmem_shared>> -> memref<128x128xf32, #tpu.memory_space<vmem_shared>>
      tpu.wait_dma2 semaphore(%run_scoped3A : memref<!tpu.dma_semaphore, #tpu.memory_space<semaphore_mem>>) src(%dma_wait3A_63 : memref<128x128xf32, #tpu.memory_space<vmem_shared>>) dst(%arg9 : memref<128x128xf32, #tpu.memory_space<vmem>>)
      tpu.yield
    }) : () -> ()
    %mul3A_35 = arith.constant 10240 : i32
    %mul3A_36 = arith.muli %arg0, %mul3A_35 : i32
    %add3A_37 = arith.addi %mul3A_36, %add3A_34 : i32
    "tpu.region"() ({
      %run_scoped3A = tpu.sem_alloc : memref<!tpu.dma_semaphore, #tpu.memory_space<semaphore_mem>>
      %dma_start3A = arith.constant 0 : i32
      %dma_start3A_58 = tpu.memref_slice %arg6[%add3A_37, %dma_start3A] : memref<20480x128xf32, #tpu.memory_space<hbm>> -> memref<128x128xf32, #tpu.memory_space<hbm>>
      %dma_start3A_59 = arith.constant 0 : i32
      %dma_start3A_60 = tpu.memref_slice %arg6[%add3A_37, %dma_start3A_59] : memref<20480x128xf32, #tpu.memory_space<hbm>> -> memref<128x128xf32, #tpu.memory_space<hbm>>
      tpu.enqueue_dma source(%arg9 : memref<128x128xf32, #tpu.memory_space<vmem>>) target(%dma_start3A_60 : memref<128x128xf32, #tpu.memory_space<hbm>>) target_semaphore(%run_scoped3A : memref<!tpu.dma_semaphore, #tpu.memory_space<semaphore_mem>>)
      %dma_wait3A = arith.constant 0 : i32
      %dma_wait3A_61 = tpu.memref_slice %arg6[%add3A_37, %dma_wait3A] : memref<20480x128xf32, #tpu.memory_space<hbm>> -> memref<128x128xf32, #tpu.memory_space<hbm>>
      %dma_wait3A_62 = arith.constant 0 : i32
      %dma_wait3A_63 = tpu.memref_slice %arg6[%add3A_37, %dma_wait3A_62] : memref<20480x128xf32, #tpu.memory_space<hbm>> -> memref<128x128xf32, #tpu.memory_space<hbm>>
      tpu.wait_dma2 semaphore(%run_scoped3A : memref<!tpu.dma_semaphore, #tpu.memory_space<semaphore_mem>>) src(%arg9 : memref<128x128xf32, #tpu.memory_space<vmem>>) dst(%dma_wait3A_63 : memref<128x128xf32, #tpu.memory_space<hbm>>)
      tpu.yield
    }) : () -> ()
    %add3A_38 = arith.constant 128 : i32
    %add3A_39 = arith.addi %mul3A_0, %add3A_38 : i32
    "tpu.region"() ({
      %run_scoped3A = tpu.sem_alloc : memref<!tpu.dma_semaphore, #tpu.memory_space<semaphore_mem>>
      %dma_start3A = arith.constant 0 : i32
      %dma_start3A_58 = tpu.memref_slice %arg10[%add3A_39, %dma_start3A] : memref<10240x128xf32, #tpu.memory_space<vmem_shared>> -> memref<128x128xf32, #tpu.memory_space<vmem_shared>>
      %dma_start3A_59 = arith.constant 0 : i32
      %dma_start3A_60 = tpu.memref_slice %arg10[%add3A_39, %dma_start3A_59] : memref<10240x128xf32, #tpu.memory_space<vmem_shared>> -> memref<128x128xf32, #tpu.memory_space<vmem_shared>>
      tpu.enqueue_dma source(%dma_start3A_60 : memref<128x128xf32, #tpu.memory_space<vmem_shared>>) target(%arg9 : memref<128x128xf32, #tpu.memory_space<vmem>>) target_semaphore(%run_scoped3A : memref<!tpu.dma_semaphore, #tpu.memory_space<semaphore_mem>>)
      %dma_wait3A = arith.constant 0 : i32
      %dma_wait3A_61 = tpu.memref_slice %arg10[%add3A_39, %dma_wait3A] : memref<10240x128xf32, #tpu.memory_space<vmem_shared>> -> memref<128x128xf32, #tpu.memory_space<vmem_shared>>
      %dma_wait3A_62 = arith.constant 0 : i32
      %dma_wait3A_63 = tpu.memref_slice %arg10[%add3A_39, %dma_wait3A_62] : memref<10240x128xf32, #tpu.memory_space<vmem_shared>> -> memref<128x128xf32, #tpu.memory_space<vmem_shared>>
      tpu.wait_dma2 semaphore(%run_scoped3A : memref<!tpu.dma_semaphore, #tpu.memory_space<semaphore_mem>>) src(%dma_wait3A_63 : memref<128x128xf32, #tpu.memory_space<vmem_shared>>) dst(%arg9 : memref<128x128xf32, #tpu.memory_space<vmem>>)
      tpu.yield
    }) : () -> ()
    %mul3A_40 = arith.constant 10240 : i32
    %mul3A_41 = arith.muli %arg0, %mul3A_40 : i32
    %add3A_42 = arith.addi %mul3A_41, %add3A_39 : i32
    "tpu.region"() ({
      %run_scoped3A = tpu.sem_alloc : memref<!tpu.dma_semaphore, #tpu.memory_space<semaphore_mem>>
      %dma_start3A = arith.constant 0 : i32
      %dma_start3A_58 = tpu.memref_slice %arg6[%add3A_42, %dma_start3A] : memref<20480x128xf32, #tpu.memory_space<hbm>> -> memref<128x128xf32, #tpu.memory_space<hbm>>
      %dma_start3A_59 = arith.constant 0 : i32
      %dma_start3A_60 = tpu.memref_slice %arg6[%add3A_42, %dma_start3A_59] : memref<20480x128xf32, #tpu.memory_space<hbm>> -> memref<128x128xf32, #tpu.memory_space<hbm>>
      tpu.enqueue_dma source(%arg9 : memref<128x128xf32, #tpu.memory_space<vmem>>) target(%dma_start3A_60 : memref<128x128xf32, #tpu.memory_space<hbm>>) target_semaphore(%run_scoped3A : memref<!tpu.dma_semaphore, #tpu.memory_space<semaphore_mem>>)
      %dma_wait3A = arith.constant 0 : i32
      %dma_wait3A_61 = tpu.memref_slice %arg6[%add3A_42, %dma_wait3A] : memref<20480x128xf32, #tpu.memory_space<hbm>> -> memref<128x128xf32, #tpu.memory_space<hbm>>
      %dma_wait3A_62 = arith.constant 0 : i32
      %dma_wait3A_63 = tpu.memref_slice %arg6[%add3A_42, %dma_wait3A_62] : memref<20480x128xf32, #tpu.memory_space<hbm>> -> memref<128x128xf32, #tpu.memory_space<hbm>>
      tpu.wait_dma2 semaphore(%run_scoped3A : memref<!tpu.dma_semaphore, #tpu.memory_space<semaphore_mem>>) src(%arg9 : memref<128x128xf32, #tpu.memory_space<vmem>>) dst(%dma_wait3A_63 : memref<128x128xf32, #tpu.memory_space<hbm>>)
      tpu.yield
    }) : () -> ()
    %add3A_43 = arith.constant 256 : i32
    %add3A_44 = arith.addi %mul3A_0, %add3A_43 : i32
    "tpu.region"() ({
      %run_scoped3A = tpu.sem_alloc : memref<!tpu.dma_semaphore, #tpu.memory_space<semaphore_mem>>
      %dma_start3A = arith.constant 0 : i32
      %dma_start3A_58 = tpu.memref_slice %arg10[%add3A_44, %dma_start3A] : memref<10240x128xf32, #tpu.memory_space<vmem_shared>> -> memref<128x128xf32, #tpu.memory_space<vmem_shared>>
      %dma_start3A_59 = arith.constant 0 : i32
      %dma_start3A_60 = tpu.memref_slice %arg10[%add3A_44, %dma_start3A_59] : memref<10240x128xf32, #tpu.memory_space<vmem_shared>> -> memref<128x128xf32, #tpu.memory_space<vmem_shared>>
      tpu.enqueue_dma source(%dma_start3A_60 : memref<128x128xf32, #tpu.memory_space<vmem_shared>>) target(%arg9 : memref<128x128xf32, #tpu.memory_space<vmem>>) target_semaphore(%run_scoped3A : memref<!tpu.dma_semaphore, #tpu.memory_space<semaphore_mem>>)
      %dma_wait3A = arith.constant 0 : i32
      %dma_wait3A_61 = tpu.memref_slice %arg10[%add3A_44, %dma_wait3A] : memref<10240x128xf32, #tpu.memory_space<vmem_shared>> -> memref<128x128xf32, #tpu.memory_space<vmem_shared>>
      %dma_wait3A_62 = arith.constant 0 : i32
      %dma_wait3A_63 = tpu.memref_slice %arg10[%add3A_44, %dma_wait3A_62] : memref<10240x128xf32, #tpu.memory_space<vmem_shared>> -> memref<128x128xf32, #tpu.memory_space<vmem_shared>>
      tpu.wait_dma2 semaphore(%run_scoped3A : memref<!tpu.dma_semaphore, #tpu.memory_space<semaphore_mem>>) src(%dma_wait3A_63 : memref<128x128xf32, #tpu.memory_space<vmem_shared>>) dst(%arg9 : memref<128x128xf32, #tpu.memory_space<vmem>>)
      tpu.yield
    }) : () -> ()
    %mul3A_45 = arith.constant 10240 : i32
    %mul3A_46 = arith.muli %arg0, %mul3A_45 : i32
    %add3A_47 = arith.addi %mul3A_46, %add3A_44 : i32
    "tpu.region"() ({
      %run_scoped3A = tpu.sem_alloc : memref<!tpu.dma_semaphore, #tpu.memory_space<semaphore_mem>>
      %dma_start3A = arith.constant 0 : i32
      %dma_start3A_58 = tpu.memref_slice %arg6[%add3A_47, %dma_start3A] : memref<20480x128xf32, #tpu.memory_space<hbm>> -> memref<128x128xf32, #tpu.memory_space<hbm>>
      %dma_start3A_59 = arith.constant 0 : i32
      %dma_start3A_60 = tpu.memref_slice %arg6[%add3A_47, %dma_start3A_59] : memref<20480x128xf32, #tpu.memory_space<hbm>> -> memref<128x128xf32, #tpu.memory_space<hbm>>
      tpu.enqueue_dma source(%arg9 : memref<128x128xf32, #tpu.memory_space<vmem>>) target(%dma_start3A_60 : memref<128x128xf32, #tpu.memory_space<hbm>>) target_semaphore(%run_scoped3A : memref<!tpu.dma_semaphore, #tpu.memory_space<semaphore_mem>>)
      %dma_wait3A = arith.constant 0 : i32
      %dma_wait3A_61 = tpu.memref_slice %arg6[%add3A_47, %dma_wait3A] : memref<20480x128xf32, #tpu.memory_space<hbm>> -> memref<128x128xf32, #tpu.memory_space<hbm>>
      %dma_wait3A_62 = arith.constant 0 : i32
      %dma_wait3A_63 = tpu.memref_slice %arg6[%add3A_47, %dma_wait3A_62] : memref<20480x128xf32, #tpu.memory_space<hbm>> -> memref<128x128xf32, #tpu.memory_space<hbm>>
      tpu.wait_dma2 semaphore(%run_scoped3A : memref<!tpu.dma_semaphore, #tpu.memory_space<semaphore_mem>>) src(%arg9 : memref<128x128xf32, #tpu.memory_space<vmem>>) dst(%dma_wait3A_63 : memref<128x128xf32, #tpu.memory_space<hbm>>)
      tpu.yield
    }) : () -> ()
    %add3A_48 = arith.constant 384 : i32
    %add3A_49 = arith.addi %mul3A_0, %add3A_48 : i32
    "tpu.region"() ({
      %run_scoped3A = tpu.sem_alloc : memref<!tpu.dma_semaphore, #tpu.memory_space<semaphore_mem>>
      %dma_start3A = arith.constant 0 : i32
      %dma_start3A_58 = tpu.memref_slice %arg10[%add3A_49, %dma_start3A] : memref<10240x128xf32, #tpu.memory_space<vmem_shared>> -> memref<128x128xf32, #tpu.memory_space<vmem_shared>>
      %dma_start3A_59 = arith.constant 0 : i32
      %dma_start3A_60 = tpu.memref_slice %arg10[%add3A_49, %dma_start3A_59] : memref<10240x128xf32, #tpu.memory_space<vmem_shared>> -> memref<128x128xf32, #tpu.memory_space<vmem_shared>>
      tpu.enqueue_dma source(%dma_start3A_60 : memref<128x128xf32, #tpu.memory_space<vmem_shared>>) target(%arg9 : memref<128x128xf32, #tpu.memory_space<vmem>>) target_semaphore(%run_scoped3A : memref<!tpu.dma_semaphore, #tpu.memory_space<semaphore_mem>>)
      %dma_wait3A = arith.constant 0 : i32
      %dma_wait3A_61 = tpu.memref_slice %arg10[%add3A_49, %dma_wait3A] : memref<10240x128xf32, #tpu.memory_space<vmem_shared>> -> memref<128x128xf32, #tpu.memory_space<vmem_shared>>
      %dma_wait3A_62 = arith.constant 0 : i32
      %dma_wait3A_63 = tpu.memref_slice %arg10[%add3A_49, %dma_wait3A_62] : memref<10240x128xf32, #tpu.memory_space<vmem_shared>> -> memref<128x128xf32, #tpu.memory_space<vmem_shared>>
      tpu.wait_dma2 semaphore(%run_scoped3A : memref<!tpu.dma_semaphore, #tpu.memory_space<semaphore_mem>>) src(%dma_wait3A_63 : memref<128x128xf32, #tpu.memory_space<vmem_shared>>) dst(%arg9 : memref<128x128xf32, #tpu.memory_space<vmem>>)
      tpu.yield
    }) : () -> ()
    %mul3A_50 = arith.constant 10240 : i32
    %mul3A_51 = arith.muli %arg0, %mul3A_50 : i32
    %add3A_52 = arith.addi %mul3A_51, %add3A_49 : i32
    "tpu.region"() ({
      %run_scoped3A = tpu.sem_alloc : memref<!tpu.dma_semaphore, #tpu.memory_space<semaphore_mem>>
      %dma_start3A = arith.constant 0 : i32
      %dma_start3A_58 = tpu.memref_slice %arg6[%add3A_52, %dma_start3A] : memref<20480x128xf32, #tpu.memory_space<hbm>> -> memref<128x128xf32, #tpu.memory_space<hbm>>
      %dma_start3A_59 = arith.constant 0 : i32
      %dma_start3A_60 = tpu.memref_slice %arg6[%add3A_52, %dma_start3A_59] : memref<20480x128xf32, #tpu.memory_space<hbm>> -> memref<128x128xf32, #tpu.memory_space<hbm>>
      tpu.enqueue_dma source(%arg9 : memref<128x128xf32, #tpu.memory_space<vmem>>) target(%dma_start3A_60 : memref<128x128xf32, #tpu.memory_space<hbm>>) target_semaphore(%run_scoped3A : memref<!tpu.dma_semaphore, #tpu.memory_space<semaphore_mem>>)
      %dma_wait3A = arith.constant 0 : i32
      %dma_wait3A_61 = tpu.memref_slice %arg6[%add3A_52, %dma_wait3A] : memref<20480x128xf32, #tpu.memory_space<hbm>> -> memref<128x128xf32, #tpu.memory_space<hbm>>
      %dma_wait3A_62 = arith.constant 0 : i32
      %dma_wait3A_63 = tpu.memref_slice %arg6[%add3A_52, %dma_wait3A_62] : memref<20480x128xf32, #tpu.memory_space<hbm>> -> memref<128x128xf32, #tpu.memory_space<hbm>>
      tpu.wait_dma2 semaphore(%run_scoped3A : memref<!tpu.dma_semaphore, #tpu.memory_space<semaphore_mem>>) src(%arg9 : memref<128x128xf32, #tpu.memory_space<vmem>>) dst(%dma_wait3A_63 : memref<128x128xf32, #tpu.memory_space<hbm>>)
      tpu.yield
    }) : () -> ()
    %add3A_53 = arith.constant 512 : i32
    %add3A_54 = arith.addi %mul3A_0, %add3A_53 : i32
    "tpu.region"() ({
      %run_scoped3A = tpu.sem_alloc : memref<!tpu.dma_semaphore, #tpu.memory_space<semaphore_mem>>
      %dma_start3A = arith.constant 0 : i32
      %dma_start3A_58 = tpu.memref_slice %arg10[%add3A_54, %dma_start3A] : memref<10240x128xf32, #tpu.memory_space<vmem_shared>> -> memref<128x128xf32, #tpu.memory_space<vmem_shared>>
      %dma_start3A_59 = arith.constant 0 : i32
      %dma_start3A_60 = tpu.memref_slice %arg10[%add3A_54, %dma_start3A_59] : memref<10240x128xf32, #tpu.memory_space<vmem_shared>> -> memref<128x128xf32, #tpu.memory_space<vmem_shared>>
      tpu.enqueue_dma source(%dma_start3A_60 : memref<128x128xf32, #tpu.memory_space<vmem_shared>>) target(%arg9 : memref<128x128xf32, #tpu.memory_space<vmem>>) target_semaphore(%run_scoped3A : memref<!tpu.dma_semaphore, #tpu.memory_space<semaphore_mem>>)
      %dma_wait3A = arith.constant 0 : i32
      %dma_wait3A_61 = tpu.memref_slice %arg10[%add3A_54, %dma_wait3A] : memref<10240x128xf32, #tpu.memory_space<vmem_shared>> -> memref<128x128xf32, #tpu.memory_space<vmem_shared>>
      %dma_wait3A_62 = arith.constant 0 : i32
      %dma_wait3A_63 = tpu.memref_slice %arg10[%add3A_54, %dma_wait3A_62] : memref<10240x128xf32, #tpu.memory_space<vmem_shared>> -> memref<128x128xf32, #tpu.memory_space<vmem_shared>>
      tpu.wait_dma2 semaphore(%run_scoped3A : memref<!tpu.dma_semaphore, #tpu.memory_space<semaphore_mem>>) src(%dma_wait3A_63 : memref<128x128xf32, #tpu.memory_space<vmem_shared>>) dst(%arg9 : memref<128x128xf32, #tpu.memory_space<vmem>>)
      tpu.yield
    }) : () -> ()
    %mul3A_55 = arith.constant 10240 : i32
    %mul3A_56 = arith.muli %arg0, %mul3A_55 : i32
    %add3A_57 = arith.addi %mul3A_56, %add3A_54 : i32
    "tpu.region"() ({
      %run_scoped3A = tpu.sem_alloc : memref<!tpu.dma_semaphore, #tpu.memory_space<semaphore_mem>>
      %dma_start3A = arith.constant 0 : i32
      %dma_start3A_58 = tpu.memref_slice %arg6[%add3A_57, %dma_start3A] : memref<20480x128xf32, #tpu.memory_space<hbm>> -> memref<128x128xf32, #tpu.memory_space<hbm>>
      %dma_start3A_59 = arith.constant 0 : i32
      %dma_start3A_60 = tpu.memref_slice %arg6[%add3A_57, %dma_start3A_59] : memref<20480x128xf32, #tpu.memory_space<hbm>> -> memref<128x128xf32, #tpu.memory_space<hbm>>
      tpu.enqueue_dma source(%arg9 : memref<128x128xf32, #tpu.memory_space<vmem>>) target(%dma_start3A_60 : memref<128x128xf32, #tpu.memory_space<hbm>>) target_semaphore(%run_scoped3A : memref<!tpu.dma_semaphore, #tpu.memory_space<semaphore_mem>>)
      %dma_wait3A = arith.constant 0 : i32
      %dma_wait3A_61 = tpu.memref_slice %arg6[%add3A_57, %dma_wait3A] : memref<20480x128xf32, #tpu.memory_space<hbm>> -> memref<128x128xf32, #tpu.memory_space<hbm>>
      %dma_wait3A_62 = arith.constant 0 : i32
      %dma_wait3A_63 = tpu.memref_slice %arg6[%add3A_57, %dma_wait3A_62] : memref<20480x128xf32, #tpu.memory_space<hbm>> -> memref<128x128xf32, #tpu.memory_space<hbm>>
      tpu.wait_dma2 semaphore(%run_scoped3A : memref<!tpu.dma_semaphore, #tpu.memory_space<semaphore_mem>>) src(%arg9 : memref<128x128xf32, #tpu.memory_space<vmem>>) dst(%dma_wait3A_63 : memref<128x128xf32, #tpu.memory_space<hbm>>)
      tpu.yield
    }) : () -> ()
    return
  }
}

#map = affine_map<(d0, d1) -> (0)>
#map1 = affine_map<(d0, d1) -> (0, 0)>
module attributes {stable_mosaic.version = 14 : i64} {
  func.func @segdeg(%arg0: i32, %arg1: i32, %arg2: memref<323584xi32, #tpu.memory_space<hbm>>, %arg3: memref<128x16xf32, #tpu.memory_space<hbm>>, %arg4: memref<20480x16xf32, #tpu.memory_space<hbm>>, %arg5: memref<128xi32, #tpu.memory_space<vmem>>, %arg6: memref<640x16xf32, #tpu.memory_space<vmem>>) attributes {dimension_semantics = [#tpu.dimension_semantics<core_parallel>, #tpu.dimension_semantics<subcore_parallel>], iteration_bounds = array<i64: 2, 16>, scalar_prefetch = 0 : i64, scratch_operands = 2 : i64, tpu.core_type = #tpu.core_type<sc_vector_subcore>, window_params = [{transform_indices = #map}, {transform_indices = #map1}, {transform_indices = #map1}]} {
    %mul3A = arith.constant 16 : i32
    %mul3A_0 = arith.muli %arg0, %mul3A : i32
    %add3A = arith.addi %mul3A_0, %arg1 : i32
    "tpu.region"() ({
      %run_scoped3A = tpu.sem_alloc : memref<!tpu.dma_semaphore, #tpu.memory_space<semaphore_mem>>
      %dma_start3A = arith.constant 0 : i32
      %dma_start3A_31 = arith.constant 0 : i32
      %dma_start3A_32 = tpu.memref_slice %arg6[%dma_start3A, %dma_start3A_31] : memref<640x16xf32, #tpu.memory_space<vmem>> -> memref<128x16xf32, #tpu.memory_space<vmem>>
      %dma_start3A_33 = arith.constant 0 : i32
      %dma_start3A_34 = arith.constant 0 : i32
      %dma_start3A_35 = tpu.memref_slice %arg6[%dma_start3A_33, %dma_start3A_34] : memref<640x16xf32, #tpu.memory_space<vmem>> -> memref<128x16xf32, #tpu.memory_space<vmem>>
      tpu.enqueue_dma source(%arg3 : memref<128x16xf32, #tpu.memory_space<hbm>>) target(%dma_start3A_35 : memref<128x16xf32, #tpu.memory_space<vmem>>) target_semaphore(%run_scoped3A : memref<!tpu.dma_semaphore, #tpu.memory_space<semaphore_mem>>)
      %dma_wait3A = arith.constant 0 : i32
      %dma_wait3A_36 = arith.constant 0 : i32
      %dma_wait3A_37 = tpu.memref_slice %arg6[%dma_wait3A, %dma_wait3A_36] : memref<640x16xf32, #tpu.memory_space<vmem>> -> memref<128x16xf32, #tpu.memory_space<vmem>>
      %dma_wait3A_38 = arith.constant 0 : i32
      %dma_wait3A_39 = arith.constant 0 : i32
      %dma_wait3A_40 = tpu.memref_slice %arg6[%dma_wait3A_38, %dma_wait3A_39] : memref<640x16xf32, #tpu.memory_space<vmem>> -> memref<128x16xf32, #tpu.memory_space<vmem>>
      tpu.wait_dma2 semaphore(%run_scoped3A : memref<!tpu.dma_semaphore, #tpu.memory_space<semaphore_mem>>) src(%arg3 : memref<128x16xf32, #tpu.memory_space<hbm>>) dst(%dma_wait3A_40 : memref<128x16xf32, #tpu.memory_space<vmem>>)
      tpu.yield
    }) : () -> ()
    "tpu.region"() ({
      %run_scoped3A = tpu.sem_alloc : memref<!tpu.dma_semaphore, #tpu.memory_space<semaphore_mem>>
      %dma_start3A = arith.constant 128 : i32
      %dma_start3A_31 = arith.constant 0 : i32
      %dma_start3A_32 = tpu.memref_slice %arg6[%dma_start3A, %dma_start3A_31] : memref<640x16xf32, #tpu.memory_space<vmem>> -> memref<128x16xf32, #tpu.memory_space<vmem>>
      %dma_start3A_33 = arith.constant 128 : i32
      %dma_start3A_34 = arith.constant 0 : i32
      %dma_start3A_35 = tpu.memref_slice %arg6[%dma_start3A_33, %dma_start3A_34] : memref<640x16xf32, #tpu.memory_space<vmem>> -> memref<128x16xf32, #tpu.memory_space<vmem>>
      tpu.enqueue_dma source(%arg3 : memref<128x16xf32, #tpu.memory_space<hbm>>) target(%dma_start3A_35 : memref<128x16xf32, #tpu.memory_space<vmem>>) target_semaphore(%run_scoped3A : memref<!tpu.dma_semaphore, #tpu.memory_space<semaphore_mem>>)
      %dma_wait3A = arith.constant 128 : i32
      %dma_wait3A_36 = arith.constant 0 : i32
      %dma_wait3A_37 = tpu.memref_slice %arg6[%dma_wait3A, %dma_wait3A_36] : memref<640x16xf32, #tpu.memory_space<vmem>> -> memref<128x16xf32, #tpu.memory_space<vmem>>
      %dma_wait3A_38 = arith.constant 128 : i32
      %dma_wait3A_39 = arith.constant 0 : i32
      %dma_wait3A_40 = tpu.memref_slice %arg6[%dma_wait3A_38, %dma_wait3A_39] : memref<640x16xf32, #tpu.memory_space<vmem>> -> memref<128x16xf32, #tpu.memory_space<vmem>>
      tpu.wait_dma2 semaphore(%run_scoped3A : memref<!tpu.dma_semaphore, #tpu.memory_space<semaphore_mem>>) src(%arg3 : memref<128x16xf32, #tpu.memory_space<hbm>>) dst(%dma_wait3A_40 : memref<128x16xf32, #tpu.memory_space<vmem>>)
      tpu.yield
    }) : () -> ()
    "tpu.region"() ({
      %run_scoped3A = tpu.sem_alloc : memref<!tpu.dma_semaphore, #tpu.memory_space<semaphore_mem>>
      %dma_start3A = arith.constant 256 : i32
      %dma_start3A_31 = arith.constant 0 : i32
      %dma_start3A_32 = tpu.memref_slice %arg6[%dma_start3A, %dma_start3A_31] : memref<640x16xf32, #tpu.memory_space<vmem>> -> memref<128x16xf32, #tpu.memory_space<vmem>>
      %dma_start3A_33 = arith.constant 256 : i32
      %dma_start3A_34 = arith.constant 0 : i32
      %dma_start3A_35 = tpu.memref_slice %arg6[%dma_start3A_33, %dma_start3A_34] : memref<640x16xf32, #tpu.memory_space<vmem>> -> memref<128x16xf32, #tpu.memory_space<vmem>>
      tpu.enqueue_dma source(%arg3 : memref<128x16xf32, #tpu.memory_space<hbm>>) target(%dma_start3A_35 : memref<128x16xf32, #tpu.memory_space<vmem>>) target_semaphore(%run_scoped3A : memref<!tpu.dma_semaphore, #tpu.memory_space<semaphore_mem>>)
      %dma_wait3A = arith.constant 256 : i32
      %dma_wait3A_36 = arith.constant 0 : i32
      %dma_wait3A_37 = tpu.memref_slice %arg6[%dma_wait3A, %dma_wait3A_36] : memref<640x16xf32, #tpu.memory_space<vmem>> -> memref<128x16xf32, #tpu.memory_space<vmem>>
      %dma_wait3A_38 = arith.constant 256 : i32
      %dma_wait3A_39 = arith.constant 0 : i32
      %dma_wait3A_40 = tpu.memref_slice %arg6[%dma_wait3A_38, %dma_wait3A_39] : memref<640x16xf32, #tpu.memory_space<vmem>> -> memref<128x16xf32, #tpu.memory_space<vmem>>
      tpu.wait_dma2 semaphore(%run_scoped3A : memref<!tpu.dma_semaphore, #tpu.memory_space<semaphore_mem>>) src(%arg3 : memref<128x16xf32, #tpu.memory_space<hbm>>) dst(%dma_wait3A_40 : memref<128x16xf32, #tpu.memory_space<vmem>>)
      tpu.yield
    }) : () -> ()
    "tpu.region"() ({
      %run_scoped3A = tpu.sem_alloc : memref<!tpu.dma_semaphore, #tpu.memory_space<semaphore_mem>>
      %dma_start3A = arith.constant 384 : i32
      %dma_start3A_31 = arith.constant 0 : i32
      %dma_start3A_32 = tpu.memref_slice %arg6[%dma_start3A, %dma_start3A_31] : memref<640x16xf32, #tpu.memory_space<vmem>> -> memref<128x16xf32, #tpu.memory_space<vmem>>
      %dma_start3A_33 = arith.constant 384 : i32
      %dma_start3A_34 = arith.constant 0 : i32
      %dma_start3A_35 = tpu.memref_slice %arg6[%dma_start3A_33, %dma_start3A_34] : memref<640x16xf32, #tpu.memory_space<vmem>> -> memref<128x16xf32, #tpu.memory_space<vmem>>
      tpu.enqueue_dma source(%arg3 : memref<128x16xf32, #tpu.memory_space<hbm>>) target(%dma_start3A_35 : memref<128x16xf32, #tpu.memory_space<vmem>>) target_semaphore(%run_scoped3A : memref<!tpu.dma_semaphore, #tpu.memory_space<semaphore_mem>>)
      %dma_wait3A = arith.constant 384 : i32
      %dma_wait3A_36 = arith.constant 0 : i32
      %dma_wait3A_37 = tpu.memref_slice %arg6[%dma_wait3A, %dma_wait3A_36] : memref<640x16xf32, #tpu.memory_space<vmem>> -> memref<128x16xf32, #tpu.memory_space<vmem>>
      %dma_wait3A_38 = arith.constant 384 : i32
      %dma_wait3A_39 = arith.constant 0 : i32
      %dma_wait3A_40 = tpu.memref_slice %arg6[%dma_wait3A_38, %dma_wait3A_39] : memref<640x16xf32, #tpu.memory_space<vmem>> -> memref<128x16xf32, #tpu.memory_space<vmem>>
      tpu.wait_dma2 semaphore(%run_scoped3A : memref<!tpu.dma_semaphore, #tpu.memory_space<semaphore_mem>>) src(%arg3 : memref<128x16xf32, #tpu.memory_space<hbm>>) dst(%dma_wait3A_40 : memref<128x16xf32, #tpu.memory_space<vmem>>)
      tpu.yield
    }) : () -> ()
    "tpu.region"() ({
      %run_scoped3A = tpu.sem_alloc : memref<!tpu.dma_semaphore, #tpu.memory_space<semaphore_mem>>
      %dma_start3A = arith.constant 512 : i32
      %dma_start3A_31 = arith.constant 0 : i32
      %dma_start3A_32 = tpu.memref_slice %arg6[%dma_start3A, %dma_start3A_31] : memref<640x16xf32, #tpu.memory_space<vmem>> -> memref<128x16xf32, #tpu.memory_space<vmem>>
      %dma_start3A_33 = arith.constant 512 : i32
      %dma_start3A_34 = arith.constant 0 : i32
      %dma_start3A_35 = tpu.memref_slice %arg6[%dma_start3A_33, %dma_start3A_34] : memref<640x16xf32, #tpu.memory_space<vmem>> -> memref<128x16xf32, #tpu.memory_space<vmem>>
      tpu.enqueue_dma source(%arg3 : memref<128x16xf32, #tpu.memory_space<hbm>>) target(%dma_start3A_35 : memref<128x16xf32, #tpu.memory_space<vmem>>) target_semaphore(%run_scoped3A : memref<!tpu.dma_semaphore, #tpu.memory_space<semaphore_mem>>)
      %dma_wait3A = arith.constant 512 : i32
      %dma_wait3A_36 = arith.constant 0 : i32
      %dma_wait3A_37 = tpu.memref_slice %arg6[%dma_wait3A, %dma_wait3A_36] : memref<640x16xf32, #tpu.memory_space<vmem>> -> memref<128x16xf32, #tpu.memory_space<vmem>>
      %dma_wait3A_38 = arith.constant 512 : i32
      %dma_wait3A_39 = arith.constant 0 : i32
      %dma_wait3A_40 = tpu.memref_slice %arg6[%dma_wait3A_38, %dma_wait3A_39] : memref<640x16xf32, #tpu.memory_space<vmem>> -> memref<128x16xf32, #tpu.memory_space<vmem>>
      tpu.wait_dma2 semaphore(%run_scoped3A : memref<!tpu.dma_semaphore, #tpu.memory_space<semaphore_mem>>) src(%arg3 : memref<128x16xf32, #tpu.memory_space<hbm>>) dst(%dma_wait3A_40 : memref<128x16xf32, #tpu.memory_space<vmem>>)
      tpu.yield
    }) : () -> ()
    %mul3A_1 = arith.constant 79 : i32
    %mul3A_2 = arith.muli %add3A, %mul3A_1 : i32
    %mul3A_3 = arith.constant 128 : i32
    %mul3A_4 = arith.muli %mul3A_2, %mul3A_3 : i32
    %broadcast_in_dim3A = arith.constant 1.000000e+00 : f32
    %broadcast_in_dim3A_5 = vector.broadcast %broadcast_in_dim3A : f32 to vector<16xf32>
    %scan3A = arith.constant 0 : i32
    %scan3A_6 = arith.constant 0 : i32
    %scan3A_7 = arith.constant 79 : i32
    %scan3A_8 = arith.addi %scan3A_6, %scan3A_7 : i32
    %scan3A_9 = arith.constant 1 : i32
    scf.for %scan3A_31 = %scan3A_6 to %scan3A_8 step %scan3A_9  : i32 {
      %mul3A_32 = arith.constant 128 : i32
      %mul3A_33 = arith.muli %scan3A_31, %mul3A_32 : i32
      %add3A_34 = arith.addi %mul3A_4, %mul3A_33 : i32
      "tpu.region"() ({
        %run_scoped3A = tpu.sem_alloc : memref<!tpu.dma_semaphore, #tpu.memory_space<semaphore_mem>>
        %dma_start3A = tpu.memref_slice %arg2[%add3A_34] : memref<323584xi32, #tpu.memory_space<hbm>> -> memref<128xi32, #tpu.memory_space<hbm>>
        %dma_start3A_96 = tpu.memref_slice %arg2[%add3A_34] : memref<323584xi32, #tpu.memory_space<hbm>> -> memref<128xi32, #tpu.memory_space<hbm>>
        tpu.enqueue_dma source(%dma_start3A_96 : memref<128xi32, #tpu.memory_space<hbm>>) target(%arg5 : memref<128xi32, #tpu.memory_space<vmem>>) target_semaphore(%run_scoped3A : memref<!tpu.dma_semaphore, #tpu.memory_space<semaphore_mem>>)
        %dma_wait3A = tpu.memref_slice %arg2[%add3A_34] : memref<323584xi32, #tpu.memory_space<hbm>> -> memref<128xi32, #tpu.memory_space<hbm>>
        %dma_wait3A_97 = tpu.memref_slice %arg2[%add3A_34] : memref<323584xi32, #tpu.memory_space<hbm>> -> memref<128xi32, #tpu.memory_space<hbm>>
        tpu.wait_dma2 semaphore(%run_scoped3A : memref<!tpu.dma_semaphore, #tpu.memory_space<semaphore_mem>>) src(%dma_wait3A_97 : memref<128xi32, #tpu.memory_space<hbm>>) dst(%arg5 : memref<128xi32, #tpu.memory_space<vmem>>)
        tpu.yield
      }) : () -> ()
      %get3A = arith.constant 0 : index
      %get3A_35 = tpu.vector_load %arg5[%get3A] {strides = array<i32>} : memref<128xi32, #tpu.memory_space<vmem>>, vector<16xi32>,
      %shift_right_logical3A = arith.constant 4 : i32
      %shift_right_logical3A_36 = vector.broadcast %shift_right_logical3A : i32 to vector<16xi32>
      %shift_right_logical3A_37 = arith.shrui %get3A_35, %shift_right_logical3A_36 : vector<16xi32>
      %and3A = arith.constant 15 : i32
      %and3A_38 = vector.broadcast %and3A : i32 to vector<16xi32>
      %and3A_39 = arith.andi %get3A_35, %and3A_38 : vector<16xi32>
      tpu.vector_store_idx %arg6[%shift_right_logical3A_37, %and3A_39], %broadcast_in_dim3A_5 {add = true} : memref<640x16xf32, #tpu.memory_space<vmem>>[vector<16xi32>, vector<16xi32>], vector<16xf32>,
      %get3A_40 = arith.constant 16 : index
      %get3A_41 = tpu.vector_load %arg5[%get3A_40] {strides = array<i32>} : memref<128xi32, #tpu.memory_space<vmem>>, vector<16xi32>,
      %shift_right_logical3A_42 = arith.constant 4 : i32
      %shift_right_logical3A_43 = vector.broadcast %shift_right_logical3A_42 : i32 to vector<16xi32>
      %shift_right_logical3A_44 = arith.shrui %get3A_41, %shift_right_logical3A_43 : vector<16xi32>
      %and3A_45 = arith.constant 15 : i32
      %and3A_46 = vector.broadcast %and3A_45 : i32 to vector<16xi32>
      %and3A_47 = arith.andi %get3A_41, %and3A_46 : vector<16xi32>
      tpu.vector_store_idx %arg6[%shift_right_logical3A_44, %and3A_47], %broadcast_in_dim3A_5 {add = true} : memref<640x16xf32, #tpu.memory_space<vmem>>[vector<16xi32>, vector<16xi32>], vector<16xf32>,
      %get3A_48 = arith.constant 32 : index
      %get3A_49 = tpu.vector_load %arg5[%get3A_48] {strides = array<i32>} : memref<128xi32, #tpu.memory_space<vmem>>, vector<16xi32>,
      %shift_right_logical3A_50 = arith.constant 4 : i32
      %shift_right_logical3A_51 = vector.broadcast %shift_right_logical3A_50 : i32 to vector<16xi32>
      %shift_right_logical3A_52 = arith.shrui %get3A_49, %shift_right_logical3A_51 : vector<16xi32>
      %and3A_53 = arith.constant 15 : i32
      %and3A_54 = vector.broadcast %and3A_53 : i32 to vector<16xi32>
      %and3A_55 = arith.andi %get3A_49, %and3A_54 : vector<16xi32>
      tpu.vector_store_idx %arg6[%shift_right_logical3A_52, %and3A_55], %broadcast_in_dim3A_5 {add = true} : memref<640x16xf32, #tpu.memory_space<vmem>>[vector<16xi32>, vector<16xi32>], vector<16xf32>,
      %get3A_56 = arith.constant 48 : index
      %get3A_57 = tpu.vector_load %arg5[%get3A_56] {strides = array<i32>} : memref<128xi32, #tpu.memory_space<vmem>>, vector<16xi32>,
      %shift_right_logical3A_58 = arith.constant 4 : i32
      %shift_right_logical3A_59 = vector.broadcast %shift_right_logical3A_58 : i32 to vector<16xi32>
      %shift_right_logical3A_60 = arith.shrui %get3A_57, %shift_right_logical3A_59 : vector<16xi32>
      %and3A_61 = arith.constant 15 : i32
      %and3A_62 = vector.broadcast %and3A_61 : i32 to vector<16xi32>
      %and3A_63 = arith.andi %get3A_57, %and3A_62 : vector<16xi32>
      tpu.vector_store_idx %arg6[%shift_right_logical3A_60, %and3A_63], %broadcast_in_dim3A_5 {add = true} : memref<640x16xf32, #tpu.memory_space<vmem>>[vector<16xi32>, vector<16xi32>], vector<16xf32>,
      %get3A_64 = arith.constant 64 : index
      %get3A_65 = tpu.vector_load %arg5[%get3A_64] {strides = array<i32>} : memref<128xi32, #tpu.memory_space<vmem>>, vector<16xi32>,
      %shift_right_logical3A_66 = arith.constant 4 : i32
      %shift_right_logical3A_67 = vector.broadcast %shift_right_logical3A_66 : i32 to vector<16xi32>
      %shift_right_logical3A_68 = arith.shrui %get3A_65, %shift_right_logical3A_67 : vector<16xi32>
      %and3A_69 = arith.constant 15 : i32
      %and3A_70 = vector.broadcast %and3A_69 : i32 to vector<16xi32>
      %and3A_71 = arith.andi %get3A_65, %and3A_70 : vector<16xi32>
      tpu.vector_store_idx %arg6[%shift_right_logical3A_68, %and3A_71], %broadcast_in_dim3A_5 {add = true} : memref<640x16xf32, #tpu.memory_space<vmem>>[vector<16xi32>, vector<16xi32>], vector<16xf32>,
      %get3A_72 = arith.constant 80 : index
      %get3A_73 = tpu.vector_load %arg5[%get3A_72] {strides = array<i32>} : memref<128xi32, #tpu.memory_space<vmem>>, vector<16xi32>,
      %shift_right_logical3A_74 = arith.constant 4 : i32
      %shift_right_logical3A_75 = vector.broadcast %shift_right_logical3A_74 : i32 to vector<16xi32>
      %shift_right_logical3A_76 = arith.shrui %get3A_73, %shift_right_logical3A_75 : vector<16xi32>
      %and3A_77 = arith.constant 15 : i32
      %and3A_78 = vector.broadcast %and3A_77 : i32 to vector<16xi32>
      %and3A_79 = arith.andi %get3A_73, %and3A_78 : vector<16xi32>
      tpu.vector_store_idx %arg6[%shift_right_logical3A_76, %and3A_79], %broadcast_in_dim3A_5 {add = true} : memref<640x16xf32, #tpu.memory_space<vmem>>[vector<16xi32>, vector<16xi32>], vector<16xf32>,
      %get3A_80 = arith.constant 96 : index
      %get3A_81 = tpu.vector_load %arg5[%get3A_80] {strides = array<i32>} : memref<128xi32, #tpu.memory_space<vmem>>, vector<16xi32>,
      %shift_right_logical3A_82 = arith.constant 4 : i32
      %shift_right_logical3A_83 = vector.broadcast %shift_right_logical3A_82 : i32 to vector<16xi32>
      %shift_right_logical3A_84 = arith.shrui %get3A_81, %shift_right_logical3A_83 : vector<16xi32>
      %and3A_85 = arith.constant 15 : i32
      %and3A_86 = vector.broadcast %and3A_85 : i32 to vector<16xi32>
      %and3A_87 = arith.andi %get3A_81, %and3A_86 : vector<16xi32>
      tpu.vector_store_idx %arg6[%shift_right_logical3A_84, %and3A_87], %broadcast_in_dim3A_5 {add = true} : memref<640x16xf32, #tpu.memory_space<vmem>>[vector<16xi32>, vector<16xi32>], vector<16xf32>,
      %get3A_88 = arith.constant 112 : index
      %get3A_89 = tpu.vector_load %arg5[%get3A_88] {strides = array<i32>} : memref<128xi32, #tpu.memory_space<vmem>>, vector<16xi32>,
      %shift_right_logical3A_90 = arith.constant 4 : i32
      %shift_right_logical3A_91 = vector.broadcast %shift_right_logical3A_90 : i32 to vector<16xi32>
      %shift_right_logical3A_92 = arith.shrui %get3A_89, %shift_right_logical3A_91 : vector<16xi32>
      %and3A_93 = arith.constant 15 : i32
      %and3A_94 = vector.broadcast %and3A_93 : i32 to vector<16xi32>
      %and3A_95 = arith.andi %get3A_89, %and3A_94 : vector<16xi32>
      tpu.vector_store_idx %arg6[%shift_right_logical3A_92, %and3A_95], %broadcast_in_dim3A_5 {add = true} : memref<640x16xf32, #tpu.memory_space<vmem>>[vector<16xi32>, vector<16xi32>], vector<16xf32>,
    }
    %scan3A_10 = arith.constant 79 : i32
    %mul3A_11 = arith.constant 640 : i32
    %mul3A_12 = arith.muli %add3A, %mul3A_11 : i32
    %add3A_13 = arith.constant 0 : i32
    %add3A_14 = arith.addi %mul3A_12, %add3A_13 : i32
    "tpu.region"() ({
      %run_scoped3A = tpu.sem_alloc : memref<!tpu.dma_semaphore, #tpu.memory_space<semaphore_mem>>
      %dma_start3A = arith.constant 0 : i32
      %dma_start3A_31 = arith.constant 0 : i32
      %dma_start3A_32 = tpu.memref_slice %arg6[%dma_start3A, %dma_start3A_31] : memref<640x16xf32, #tpu.memory_space<vmem>> -> memref<128x16xf32, #tpu.memory_space<vmem>>
      %dma_start3A_33 = arith.constant 0 : i32
      %dma_start3A_34 = tpu.memref_slice %arg4[%add3A_14, %dma_start3A_33] : memref<20480x16xf32, #tpu.memory_space<hbm>> -> memref<128x16xf32, #tpu.memory_space<hbm>>
      %dma_start3A_35 = arith.constant 0 : i32
      %dma_start3A_36 = tpu.memref_slice %arg4[%add3A_14, %dma_start3A_35] : memref<20480x16xf32, #tpu.memory_space<hbm>> -> memref<128x16xf32, #tpu.memory_space<hbm>>
      %dma_start3A_37 = arith.constant 0 : i32
      %dma_start3A_38 = arith.constant 0 : i32
      %dma_start3A_39 = tpu.memref_slice %arg6[%dma_start3A_37, %dma_start3A_38] : memref<640x16xf32, #tpu.memory_space<vmem>> -> memref<128x16xf32, #tpu.memory_space<vmem>>
      tpu.enqueue_dma source(%dma_start3A_39 : memref<128x16xf32, #tpu.memory_space<vmem>>) target(%dma_start3A_36 : memref<128x16xf32, #tpu.memory_space<hbm>>) target_semaphore(%run_scoped3A : memref<!tpu.dma_semaphore, #tpu.memory_space<semaphore_mem>>)
      %dma_wait3A = arith.constant 0 : i32
      %dma_wait3A_40 = arith.constant 0 : i32
      %dma_wait3A_41 = tpu.memref_slice %arg6[%dma_wait3A, %dma_wait3A_40] : memref<640x16xf32, #tpu.memory_space<vmem>> -> memref<128x16xf32, #tpu.memory_space<vmem>>
      %dma_wait3A_42 = arith.constant 0 : i32
      %dma_wait3A_43 = tpu.memref_slice %arg4[%add3A_14, %dma_wait3A_42] : memref<20480x16xf32, #tpu.memory_space<hbm>> -> memref<128x16xf32, #tpu.memory_space<hbm>>
      %dma_wait3A_44 = arith.constant 0 : i32
      %dma_wait3A_45 = tpu.memref_slice %arg4[%add3A_14, %dma_wait3A_44] : memref<20480x16xf32, #tpu.memory_space<hbm>> -> memref<128x16xf32, #tpu.memory_space<hbm>>
      %dma_wait3A_46 = arith.constant 0 : i32
      %dma_wait3A_47 = arith.constant 0 : i32
      %dma_wait3A_48 = tpu.memref_slice %arg6[%dma_wait3A_46, %dma_wait3A_47] : memref<640x16xf32, #tpu.memory_space<vmem>> -> memref<128x16xf32, #tpu.memory_space<vmem>>
      tpu.wait_dma2 semaphore(%run_scoped3A : memref<!tpu.dma_semaphore, #tpu.memory_space<semaphore_mem>>) src(%dma_wait3A_48 : memref<128x16xf32, #tpu.memory_space<vmem>>) dst(%dma_wait3A_45 : memref<128x16xf32, #tpu.memory_space<hbm>>)
      tpu.yield
    }) : () -> ()
    %mul3A_15 = arith.constant 640 : i32
    %mul3A_16 = arith.muli %add3A, %mul3A_15 : i32
    %add3A_17 = arith.constant 128 : i32
    %add3A_18 = arith.addi %mul3A_16, %add3A_17 : i32
    "tpu.region"() ({
      %run_scoped3A = tpu.sem_alloc : memref<!tpu.dma_semaphore, #tpu.memory_space<semaphore_mem>>
      %dma_start3A = arith.constant 128 : i32
      %dma_start3A_31 = arith.constant 0 : i32
      %dma_start3A_32 = tpu.memref_slice %arg6[%dma_start3A, %dma_start3A_31] : memref<640x16xf32, #tpu.memory_space<vmem>> -> memref<128x16xf32, #tpu.memory_space<vmem>>
      %dma_start3A_33 = arith.constant 0 : i32
      %dma_start3A_34 = tpu.memref_slice %arg4[%add3A_18, %dma_start3A_33] : memref<20480x16xf32, #tpu.memory_space<hbm>> -> memref<128x16xf32, #tpu.memory_space<hbm>>
      %dma_start3A_35 = arith.constant 0 : i32
      %dma_start3A_36 = tpu.memref_slice %arg4[%add3A_18, %dma_start3A_35] : memref<20480x16xf32, #tpu.memory_space<hbm>> -> memref<128x16xf32, #tpu.memory_space<hbm>>
      %dma_start3A_37 = arith.constant 128 : i32
      %dma_start3A_38 = arith.constant 0 : i32
      %dma_start3A_39 = tpu.memref_slice %arg6[%dma_start3A_37, %dma_start3A_38] : memref<640x16xf32, #tpu.memory_space<vmem>> -> memref<128x16xf32, #tpu.memory_space<vmem>>
      tpu.enqueue_dma source(%dma_start3A_39 : memref<128x16xf32, #tpu.memory_space<vmem>>) target(%dma_start3A_36 : memref<128x16xf32, #tpu.memory_space<hbm>>) target_semaphore(%run_scoped3A : memref<!tpu.dma_semaphore, #tpu.memory_space<semaphore_mem>>)
      %dma_wait3A = arith.constant 128 : i32
      %dma_wait3A_40 = arith.constant 0 : i32
      %dma_wait3A_41 = tpu.memref_slice %arg6[%dma_wait3A, %dma_wait3A_40] : memref<640x16xf32, #tpu.memory_space<vmem>> -> memref<128x16xf32, #tpu.memory_space<vmem>>
      %dma_wait3A_42 = arith.constant 0 : i32
      %dma_wait3A_43 = tpu.memref_slice %arg4[%add3A_18, %dma_wait3A_42] : memref<20480x16xf32, #tpu.memory_space<hbm>> -> memref<128x16xf32, #tpu.memory_space<hbm>>
      %dma_wait3A_44 = arith.constant 0 : i32
      %dma_wait3A_45 = tpu.memref_slice %arg4[%add3A_18, %dma_wait3A_44] : memref<20480x16xf32, #tpu.memory_space<hbm>> -> memref<128x16xf32, #tpu.memory_space<hbm>>
      %dma_wait3A_46 = arith.constant 128 : i32
      %dma_wait3A_47 = arith.constant 0 : i32
      %dma_wait3A_48 = tpu.memref_slice %arg6[%dma_wait3A_46, %dma_wait3A_47] : memref<640x16xf32, #tpu.memory_space<vmem>> -> memref<128x16xf32, #tpu.memory_space<vmem>>
      tpu.wait_dma2 semaphore(%run_scoped3A : memref<!tpu.dma_semaphore, #tpu.memory_space<semaphore_mem>>) src(%dma_wait3A_48 : memref<128x16xf32, #tpu.memory_space<vmem>>) dst(%dma_wait3A_45 : memref<128x16xf32, #tpu.memory_space<hbm>>)
      tpu.yield
    }) : () -> ()
    %mul3A_19 = arith.constant 640 : i32
    %mul3A_20 = arith.muli %add3A, %mul3A_19 : i32
    %add3A_21 = arith.constant 256 : i32
    %add3A_22 = arith.addi %mul3A_20, %add3A_21 : i32
    "tpu.region"() ({
      %run_scoped3A = tpu.sem_alloc : memref<!tpu.dma_semaphore, #tpu.memory_space<semaphore_mem>>
      %dma_start3A = arith.constant 256 : i32
      %dma_start3A_31 = arith.constant 0 : i32
      %dma_start3A_32 = tpu.memref_slice %arg6[%dma_start3A, %dma_start3A_31] : memref<640x16xf32, #tpu.memory_space<vmem>> -> memref<128x16xf32, #tpu.memory_space<vmem>>
      %dma_start3A_33 = arith.constant 0 : i32
      %dma_start3A_34 = tpu.memref_slice %arg4[%add3A_22, %dma_start3A_33] : memref<20480x16xf32, #tpu.memory_space<hbm>> -> memref<128x16xf32, #tpu.memory_space<hbm>>
      %dma_start3A_35 = arith.constant 0 : i32
      %dma_start3A_36 = tpu.memref_slice %arg4[%add3A_22, %dma_start3A_35] : memref<20480x16xf32, #tpu.memory_space<hbm>> -> memref<128x16xf32, #tpu.memory_space<hbm>>
      %dma_start3A_37 = arith.constant 256 : i32
      %dma_start3A_38 = arith.constant 0 : i32
      %dma_start3A_39 = tpu.memref_slice %arg6[%dma_start3A_37, %dma_start3A_38] : memref<640x16xf32, #tpu.memory_space<vmem>> -> memref<128x16xf32, #tpu.memory_space<vmem>>
      tpu.enqueue_dma source(%dma_start3A_39 : memref<128x16xf32, #tpu.memory_space<vmem>>) target(%dma_start3A_36 : memref<128x16xf32, #tpu.memory_space<hbm>>) target_semaphore(%run_scoped3A : memref<!tpu.dma_semaphore, #tpu.memory_space<semaphore_mem>>)
      %dma_wait3A = arith.constant 256 : i32
      %dma_wait3A_40 = arith.constant 0 : i32
      %dma_wait3A_41 = tpu.memref_slice %arg6[%dma_wait3A, %dma_wait3A_40] : memref<640x16xf32, #tpu.memory_space<vmem>> -> memref<128x16xf32, #tpu.memory_space<vmem>>
      %dma_wait3A_42 = arith.constant 0 : i32
      %dma_wait3A_43 = tpu.memref_slice %arg4[%add3A_22, %dma_wait3A_42] : memref<20480x16xf32, #tpu.memory_space<hbm>> -> memref<128x16xf32, #tpu.memory_space<hbm>>
      %dma_wait3A_44 = arith.constant 0 : i32
      %dma_wait3A_45 = tpu.memref_slice %arg4[%add3A_22, %dma_wait3A_44] : memref<20480x16xf32, #tpu.memory_space<hbm>> -> memref<128x16xf32, #tpu.memory_space<hbm>>
      %dma_wait3A_46 = arith.constant 256 : i32
      %dma_wait3A_47 = arith.constant 0 : i32
      %dma_wait3A_48 = tpu.memref_slice %arg6[%dma_wait3A_46, %dma_wait3A_47] : memref<640x16xf32, #tpu.memory_space<vmem>> -> memref<128x16xf32, #tpu.memory_space<vmem>>
      tpu.wait_dma2 semaphore(%run_scoped3A : memref<!tpu.dma_semaphore, #tpu.memory_space<semaphore_mem>>) src(%dma_wait3A_48 : memref<128x16xf32, #tpu.memory_space<vmem>>) dst(%dma_wait3A_45 : memref<128x16xf32, #tpu.memory_space<hbm>>)
      tpu.yield
    }) : () -> ()
    %mul3A_23 = arith.constant 640 : i32
    %mul3A_24 = arith.muli %add3A, %mul3A_23 : i32
    %add3A_25 = arith.constant 384 : i32
    %add3A_26 = arith.addi %mul3A_24, %add3A_25 : i32
    "tpu.region"() ({
      %run_scoped3A = tpu.sem_alloc : memref<!tpu.dma_semaphore, #tpu.memory_space<semaphore_mem>>
      %dma_start3A = arith.constant 384 : i32
      %dma_start3A_31 = arith.constant 0 : i32
      %dma_start3A_32 = tpu.memref_slice %arg6[%dma_start3A, %dma_start3A_31] : memref<640x16xf32, #tpu.memory_space<vmem>> -> memref<128x16xf32, #tpu.memory_space<vmem>>
      %dma_start3A_33 = arith.constant 0 : i32
      %dma_start3A_34 = tpu.memref_slice %arg4[%add3A_26, %dma_start3A_33] : memref<20480x16xf32, #tpu.memory_space<hbm>> -> memref<128x16xf32, #tpu.memory_space<hbm>>
      %dma_start3A_35 = arith.constant 0 : i32
      %dma_start3A_36 = tpu.memref_slice %arg4[%add3A_26, %dma_start3A_35] : memref<20480x16xf32, #tpu.memory_space<hbm>> -> memref<128x16xf32, #tpu.memory_space<hbm>>
      %dma_start3A_37 = arith.constant 384 : i32
      %dma_start3A_38 = arith.constant 0 : i32
      %dma_start3A_39 = tpu.memref_slice %arg6[%dma_start3A_37, %dma_start3A_38] : memref<640x16xf32, #tpu.memory_space<vmem>> -> memref<128x16xf32, #tpu.memory_space<vmem>>
      tpu.enqueue_dma source(%dma_start3A_39 : memref<128x16xf32, #tpu.memory_space<vmem>>) target(%dma_start3A_36 : memref<128x16xf32, #tpu.memory_space<hbm>>) target_semaphore(%run_scoped3A : memref<!tpu.dma_semaphore, #tpu.memory_space<semaphore_mem>>)
      %dma_wait3A = arith.constant 384 : i32
      %dma_wait3A_40 = arith.constant 0 : i32
      %dma_wait3A_41 = tpu.memref_slice %arg6[%dma_wait3A, %dma_wait3A_40] : memref<640x16xf32, #tpu.memory_space<vmem>> -> memref<128x16xf32, #tpu.memory_space<vmem>>
      %dma_wait3A_42 = arith.constant 0 : i32
      %dma_wait3A_43 = tpu.memref_slice %arg4[%add3A_26, %dma_wait3A_42] : memref<20480x16xf32, #tpu.memory_space<hbm>> -> memref<128x16xf32, #tpu.memory_space<hbm>>
      %dma_wait3A_44 = arith.constant 0 : i32
      %dma_wait3A_45 = tpu.memref_slice %arg4[%add3A_26, %dma_wait3A_44] : memref<20480x16xf32, #tpu.memory_space<hbm>> -> memref<128x16xf32, #tpu.memory_space<hbm>>
      %dma_wait3A_46 = arith.constant 384 : i32
      %dma_wait3A_47 = arith.constant 0 : i32
      %dma_wait3A_48 = tpu.memref_slice %arg6[%dma_wait3A_46, %dma_wait3A_47] : memref<640x16xf32, #tpu.memory_space<vmem>> -> memref<128x16xf32, #tpu.memory_space<vmem>>
      tpu.wait_dma2 semaphore(%run_scoped3A : memref<!tpu.dma_semaphore, #tpu.memory_space<semaphore_mem>>) src(%dma_wait3A_48 : memref<128x16xf32, #tpu.memory_space<vmem>>) dst(%dma_wait3A_45 : memref<128x16xf32, #tpu.memory_space<hbm>>)
      tpu.yield
    }) : () -> ()
    %mul3A_27 = arith.constant 640 : i32
    %mul3A_28 = arith.muli %add3A, %mul3A_27 : i32
    %add3A_29 = arith.constant 512 : i32
    %add3A_30 = arith.addi %mul3A_28, %add3A_29 : i32
    "tpu.region"() ({
      %run_scoped3A = tpu.sem_alloc : memref<!tpu.dma_semaphore, #tpu.memory_space<semaphore_mem>>
      %dma_start3A = arith.constant 512 : i32
      %dma_start3A_31 = arith.constant 0 : i32
      %dma_start3A_32 = tpu.memref_slice %arg6[%dma_start3A, %dma_start3A_31] : memref<640x16xf32, #tpu.memory_space<vmem>> -> memref<128x16xf32, #tpu.memory_space<vmem>>
      %dma_start3A_33 = arith.constant 0 : i32
      %dma_start3A_34 = tpu.memref_slice %arg4[%add3A_30, %dma_start3A_33] : memref<20480x16xf32, #tpu.memory_space<hbm>> -> memref<128x16xf32, #tpu.memory_space<hbm>>
      %dma_start3A_35 = arith.constant 0 : i32
      %dma_start3A_36 = tpu.memref_slice %arg4[%add3A_30, %dma_start3A_35] : memref<20480x16xf32, #tpu.memory_space<hbm>> -> memref<128x16xf32, #tpu.memory_space<hbm>>
      %dma_start3A_37 = arith.constant 512 : i32
      %dma_start3A_38 = arith.constant 0 : i32
      %dma_start3A_39 = tpu.memref_slice %arg6[%dma_start3A_37, %dma_start3A_38] : memref<640x16xf32, #tpu.memory_space<vmem>> -> memref<128x16xf32, #tpu.memory_space<vmem>>
      tpu.enqueue_dma source(%dma_start3A_39 : memref<128x16xf32, #tpu.memory_space<vmem>>) target(%dma_start3A_36 : memref<128x16xf32, #tpu.memory_space<hbm>>) target_semaphore(%run_scoped3A : memref<!tpu.dma_semaphore, #tpu.memory_space<semaphore_mem>>)
      %dma_wait3A = arith.constant 512 : i32
      %dma_wait3A_40 = arith.constant 0 : i32
      %dma_wait3A_41 = tpu.memref_slice %arg6[%dma_wait3A, %dma_wait3A_40] : memref<640x16xf32, #tpu.memory_space<vmem>> -> memref<128x16xf32, #tpu.memory_space<vmem>>
      %dma_wait3A_42 = arith.constant 0 : i32
      %dma_wait3A_43 = tpu.memref_slice %arg4[%add3A_30, %dma_wait3A_42] : memref<20480x16xf32, #tpu.memory_space<hbm>> -> memref<128x16xf32, #tpu.memory_space<hbm>>
      %dma_wait3A_44 = arith.constant 0 : i32
      %dma_wait3A_45 = tpu.memref_slice %arg4[%add3A_30, %dma_wait3A_44] : memref<20480x16xf32, #tpu.memory_space<hbm>> -> memref<128x16xf32, #tpu.memory_space<hbm>>
      %dma_wait3A_46 = arith.constant 512 : i32
      %dma_wait3A_47 = arith.constant 0 : i32
      %dma_wait3A_48 = tpu.memref_slice %arg6[%dma_wait3A_46, %dma_wait3A_47] : memref<640x16xf32, #tpu.memory_space<vmem>> -> memref<128x16xf32, #tpu.memory_space<vmem>>
      tpu.wait_dma2 semaphore(%run_scoped3A : memref<!tpu.dma_semaphore, #tpu.memory_space<semaphore_mem>>) src(%dma_wait3A_48 : memref<128x16xf32, #tpu.memory_space<vmem>>) dst(%dma_wait3A_45 : memref<128x16xf32, #tpu.memory_space<hbm>>)
      tpu.yield
    }) : () -> ()
    return
  }
}

#map = affine_map<(d0, d1) -> (0, 0)>
#map1 = affine_map<(d0, d1) -> (0)>
module attributes {stable_mosaic.version = 14 : i64} {
  func.func @segsum(%arg0: i32, %arg1: i32, %arg2: memref<10000x128xf32, #tpu.memory_space<hbm>>, %arg3: memref<323584xi32, #tpu.memory_space<hbm>>, %arg4: memref<323584xi32, #tpu.memory_space<hbm>>, %arg5: memref<128x128xf32, #tpu.memory_space<hbm>>, %arg6: memref<20480x128xf32, #tpu.memory_space<hbm>>, %arg7: memref<128xi32, #tpu.memory_space<vmem>>, %arg8: memref<128xi32, #tpu.memory_space<vmem>>, %arg9: memref<128x128xf32, #tpu.memory_space<vmem>>, %arg10: memref<10240x128xf32, #tpu.memory_space<vmem_shared>>, %arg11: memref<!tpu.dma_semaphore, #tpu.memory_space<semaphore_mem>>) attributes {dimension_semantics = [#tpu.dimension_semantics<core_parallel>, #tpu.dimension_semantics<subcore_parallel>], iteration_bounds = array<i64: 2, 16>, scalar_prefetch = 0 : i64, scratch_operands = 5 : i64, tpu.core_type = #tpu.core_type<sc_vector_subcore>, window_params = [{transform_indices = #map}, {transform_indices = #map1}, {transform_indices = #map1}, {transform_indices = #map}, {transform_indices = #map}]} {
    %mul3A = arith.constant 640 : i32
    %mul3A_0 = arith.muli %arg1, %mul3A : i32
    "tpu.region"() ({
      %run_scoped3A = tpu.sem_alloc : memref<!tpu.dma_semaphore, #tpu.memory_space<semaphore_mem>>
      tpu.enqueue_dma source(%arg5 : memref<128x128xf32, #tpu.memory_space<hbm>>) target(%arg9 : memref<128x128xf32, #tpu.memory_space<vmem>>) target_semaphore(%run_scoped3A : memref<!tpu.dma_semaphore, #tpu.memory_space<semaphore_mem>>)
      tpu.wait_dma2 semaphore(%run_scoped3A : memref<!tpu.dma_semaphore, #tpu.memory_space<semaphore_mem>>) src(%arg5 : memref<128x128xf32, #tpu.memory_space<hbm>>) dst(%arg9 : memref<128x128xf32, #tpu.memory_space<vmem>>)
      tpu.yield
    }) : () -> ()
    %add3A = arith.constant 0 : i32
    %add3A_1 = arith.addi %mul3A_0, %add3A : i32
    "tpu.region"() ({
      %run_scoped3A = tpu.sem_alloc : memref<!tpu.dma_semaphore, #tpu.memory_space<semaphore_mem>>
      %dma_start3A = arith.constant 0 : i32
      %dma_start3A_58 = tpu.memref_slice %arg10[%add3A_1, %dma_start3A] : memref<10240x128xf32, #tpu.memory_space<vmem_shared>> -> memref<128x128xf32, #tpu.memory_space<vmem_shared>>
      %dma_start3A_59 = arith.constant 0 : i32
      %dma_start3A_60 = tpu.memref_slice %arg10[%add3A_1, %dma_start3A_59] : memref<10240x128xf32, #tpu.memory_space<vmem_shared>> -> memref<128x128xf32, #tpu.memory_space<vmem_shared>>
      tpu.enqueue_dma source(%arg9 : memref<128x128xf32, #tpu.memory_space<vmem>>) target(%dma_start3A_60 : memref<128x128xf32, #tpu.memory_space<vmem_shared>>) target_semaphore(%run_scoped3A : memref<!tpu.dma_semaphore, #tpu.memory_space<semaphore_mem>>)
      %dma_wait3A = arith.constant 0 : i32
      %dma_wait3A_61 = tpu.memref_slice %arg10[%add3A_1, %dma_wait3A] : memref<10240x128xf32, #tpu.memory_space<vmem_shared>> -> memref<128x128xf32, #tpu.memory_space<vmem_shared>>
      %dma_wait3A_62 = arith.constant 0 : i32
      %dma_wait3A_63 = tpu.memref_slice %arg10[%add3A_1, %dma_wait3A_62] : memref<10240x128xf32, #tpu.memory_space<vmem_shared>> -> memref<128x128xf32, #tpu.memory_space<vmem_shared>>
      tpu.wait_dma2 semaphore(%run_scoped3A : memref<!tpu.dma_semaphore, #tpu.memory_space<semaphore_mem>>) src(%arg9 : memref<128x128xf32, #tpu.memory_space<vmem>>) dst(%dma_wait3A_63 : memref<128x128xf32, #tpu.memory_space<vmem_shared>>)
      tpu.yield
    }) : () -> ()
    %add3A_2 = arith.constant 128 : i32
    %add3A_3 = arith.addi %mul3A_0, %add3A_2 : i32
    "tpu.region"() ({
      %run_scoped3A = tpu.sem_alloc : memref<!tpu.dma_semaphore, #tpu.memory_space<semaphore_mem>>
      %dma_start3A = arith.constant 0 : i32
      %dma_start3A_58 = tpu.memref_slice %arg10[%add3A_3, %dma_start3A] : memref<10240x128xf32, #tpu.memory_space<vmem_shared>> -> memref<128x128xf32, #tpu.memory_space<vmem_shared>>
      %dma_start3A_59 = arith.constant 0 : i32
      %dma_start3A_60 = tpu.memref_slice %arg10[%add3A_3, %dma_start3A_59] : memref<10240x128xf32, #tpu.memory_space<vmem_shared>> -> memref<128x128xf32, #tpu.memory_space<vmem_shared>>
      tpu.enqueue_dma source(%arg9 : memref<128x128xf32, #tpu.memory_space<vmem>>) target(%dma_start3A_60 : memref<128x128xf32, #tpu.memory_space<vmem_shared>>) target_semaphore(%run_scoped3A : memref<!tpu.dma_semaphore, #tpu.memory_space<semaphore_mem>>)
      %dma_wait3A = arith.constant 0 : i32
      %dma_wait3A_61 = tpu.memref_slice %arg10[%add3A_3, %dma_wait3A] : memref<10240x128xf32, #tpu.memory_space<vmem_shared>> -> memref<128x128xf32, #tpu.memory_space<vmem_shared>>
      %dma_wait3A_62 = arith.constant 0 : i32
      %dma_wait3A_63 = tpu.memref_slice %arg10[%add3A_3, %dma_wait3A_62] : memref<10240x128xf32, #tpu.memory_space<vmem_shared>> -> memref<128x128xf32, #tpu.memory_space<vmem_shared>>
      tpu.wait_dma2 semaphore(%run_scoped3A : memref<!tpu.dma_semaphore, #tpu.memory_space<semaphore_mem>>) src(%arg9 : memref<128x128xf32, #tpu.memory_space<vmem>>) dst(%dma_wait3A_63 : memref<128x128xf32, #tpu.memory_space<vmem_shared>>)
      tpu.yield
    }) : () -> ()
    %add3A_4 = arith.constant 256 : i32
    %add3A_5 = arith.addi %mul3A_0, %add3A_4 : i32
    "tpu.region"() ({
      %run_scoped3A = tpu.sem_alloc : memref<!tpu.dma_semaphore, #tpu.memory_space<semaphore_mem>>
      %dma_start3A = arith.constant 0 : i32
      %dma_start3A_58 = tpu.memref_slice %arg10[%add3A_5, %dma_start3A] : memref<10240x128xf32, #tpu.memory_space<vmem_shared>> -> memref<128x128xf32, #tpu.memory_space<vmem_shared>>
      %dma_start3A_59 = arith.constant 0 : i32
      %dma_start3A_60 = tpu.memref_slice %arg10[%add3A_5, %dma_start3A_59] : memref<10240x128xf32, #tpu.memory_space<vmem_shared>> -> memref<128x128xf32, #tpu.memory_space<vmem_shared>>
      tpu.enqueue_dma source(%arg9 : memref<128x128xf32, #tpu.memory_space<vmem>>) target(%dma_start3A_60 : memref<128x128xf32, #tpu.memory_space<vmem_shared>>) target_semaphore(%run_scoped3A : memref<!tpu.dma_semaphore, #tpu.memory_space<semaphore_mem>>)
      %dma_wait3A = arith.constant 0 : i32
      %dma_wait3A_61 = tpu.memref_slice %arg10[%add3A_5, %dma_wait3A] : memref<10240x128xf32, #tpu.memory_space<vmem_shared>> -> memref<128x128xf32, #tpu.memory_space<vmem_shared>>
      %dma_wait3A_62 = arith.constant 0 : i32
      %dma_wait3A_63 = tpu.memref_slice %arg10[%add3A_5, %dma_wait3A_62] : memref<10240x128xf32, #tpu.memory_space<vmem_shared>> -> memref<128x128xf32, #tpu.memory_space<vmem_shared>>
      tpu.wait_dma2 semaphore(%run_scoped3A : memref<!tpu.dma_semaphore, #tpu.memory_space<semaphore_mem>>) src(%arg9 : memref<128x128xf32, #tpu.memory_space<vmem>>) dst(%dma_wait3A_63 : memref<128x128xf32, #tpu.memory_space<vmem_shared>>)
      tpu.yield
    }) : () -> ()
    %add3A_6 = arith.constant 384 : i32
    %add3A_7 = arith.addi %mul3A_0, %add3A_6 : i32
    "tpu.region"() ({
      %run_scoped3A = tpu.sem_alloc : memref<!tpu.dma_semaphore, #tpu.memory_space<semaphore_mem>>
      %dma_start3A = arith.constant 0 : i32
      %dma_start3A_58 = tpu.memref_slice %arg10[%add3A_7, %dma_start3A] : memref<10240x128xf32, #tpu.memory_space<vmem_shared>> -> memref<128x128xf32, #tpu.memory_space<vmem_shared>>
      %dma_start3A_59 = arith.constant 0 : i32
      %dma_start3A_60 = tpu.memref_slice %arg10[%add3A_7, %dma_start3A_59] : memref<10240x128xf32, #tpu.memory_space<vmem_shared>> -> memref<128x128xf32, #tpu.memory_space<vmem_shared>>
      tpu.enqueue_dma source(%arg9 : memref<128x128xf32, #tpu.memory_space<vmem>>) target(%dma_start3A_60 : memref<128x128xf32, #tpu.memory_space<vmem_shared>>) target_semaphore(%run_scoped3A : memref<!tpu.dma_semaphore, #tpu.memory_space<semaphore_mem>>)
      %dma_wait3A = arith.constant 0 : i32
      %dma_wait3A_61 = tpu.memref_slice %arg10[%add3A_7, %dma_wait3A] : memref<10240x128xf32, #tpu.memory_space<vmem_shared>> -> memref<128x128xf32, #tpu.memory_space<vmem_shared>>
      %dma_wait3A_62 = arith.constant 0 : i32
      %dma_wait3A_63 = tpu.memref_slice %arg10[%add3A_7, %dma_wait3A_62] : memref<10240x128xf32, #tpu.memory_space<vmem_shared>> -> memref<128x128xf32, #tpu.memory_space<vmem_shared>>
      tpu.wait_dma2 semaphore(%run_scoped3A : memref<!tpu.dma_semaphore, #tpu.memory_space<semaphore_mem>>) src(%arg9 : memref<128x128xf32, #tpu.memory_space<vmem>>) dst(%dma_wait3A_63 : memref<128x128xf32, #tpu.memory_space<vmem_shared>>)
      tpu.yield
    }) : () -> ()
    %add3A_8 = arith.constant 512 : i32
    %add3A_9 = arith.addi %mul3A_0, %add3A_8 : i32
    "tpu.region"() ({
      %run_scoped3A = tpu.sem_alloc : memref<!tpu.dma_semaphore, #tpu.memory_space<semaphore_mem>>
      %dma_start3A = arith.constant 0 : i32
      %dma_start3A_58 = tpu.memref_slice %arg10[%add3A_9, %dma_start3A] : memref<10240x128xf32, #tpu.memory_space<vmem_shared>> -> memref<128x128xf32, #tpu.memory_space<vmem_shared>>
      %dma_start3A_59 = arith.constant 0 : i32
      %dma_start3A_60 = tpu.memref_slice %arg10[%add3A_9, %dma_start3A_59] : memref<10240x128xf32, #tpu.memory_space<vmem_shared>> -> memref<128x128xf32, #tpu.memory_space<vmem_shared>>
      tpu.enqueue_dma source(%arg9 : memref<128x128xf32, #tpu.memory_space<vmem>>) target(%dma_start3A_60 : memref<128x128xf32, #tpu.memory_space<vmem_shared>>) target_semaphore(%run_scoped3A : memref<!tpu.dma_semaphore, #tpu.memory_space<semaphore_mem>>)
      %dma_wait3A = arith.constant 0 : i32
      %dma_wait3A_61 = tpu.memref_slice %arg10[%add3A_9, %dma_wait3A] : memref<10240x128xf32, #tpu.memory_space<vmem_shared>> -> memref<128x128xf32, #tpu.memory_space<vmem_shared>>
      %dma_wait3A_62 = arith.constant 0 : i32
      %dma_wait3A_63 = tpu.memref_slice %arg10[%add3A_9, %dma_wait3A_62] : memref<10240x128xf32, #tpu.memory_space<vmem_shared>> -> memref<128x128xf32, #tpu.memory_space<vmem_shared>>
      tpu.wait_dma2 semaphore(%run_scoped3A : memref<!tpu.dma_semaphore, #tpu.memory_space<semaphore_mem>>) src(%arg9 : memref<128x128xf32, #tpu.memory_space<vmem>>) dst(%dma_wait3A_63 : memref<128x128xf32, #tpu.memory_space<vmem_shared>>)
      tpu.yield
    }) : () -> ()
    %barrier3A = arith.constant 0 : index
    tpu.barrier barrier_id(%barrier3A)
    %eq3A = arith.constant 0 : i32
    %eq3A_10 = arith.cmpi eq, %arg0, %eq3A : i32
    %jit3A = arith.constant 62 : i32
    %jit3A_11 = arith.constant 96 : i32
    %select_n3A = arith.select %eq3A_10, %jit3A, %jit3A_11 : i32
    %eq3A_12 = arith.constant 0 : i32
    %eq3A_13 = arith.cmpi eq, %arg0, %eq3A_12 : i32
    %mul3A_14 = arith.constant 62 : i32
    %mul3A_15 = arith.muli %arg1, %mul3A_14 : i32
    %mul3A_16 = arith.constant 96 : i32
    %mul3A_17 = arith.muli %arg1, %mul3A_16 : i32
    %add3A_18 = arith.constant 992 : i32
    %add3A_19 = arith.addi %add3A_18, %mul3A_17 : i32
    %select_n3A_20 = arith.select %eq3A_13, %mul3A_15, %add3A_19 : i32
    %mul3A_21 = arith.constant 128 : i32
    %mul3A_22 = arith.muli %select_n3A_20, %mul3A_21 : i32
    %while3A = arith.constant 0 : i32
    %while3A_23 = arith.constant 0 : i32
    %while3A_24 = arith.subi %select_n3A, %while3A_23 : i32
    %while3A_25 = arith.addi %while3A_23, %while3A_24 : i32
    %while3A_26 = arith.constant 1 : i32
    %while3A_27 = arith.divsi %while3A_24, %while3A_26 : i32
    %while3A_28 = arith.muli %while3A_27, %while3A_26 : i32
    %while3A_29 = arith.addi %while3A_23, %while3A_28 : i32
    %while3A_30 = arith.constant 1 : i32
    scf.for %while3A_58 = %while3A_23 to %while3A_29 step %while3A_30  : i32 {
      %mul3A_59 = arith.constant 128 : i32
      %mul3A_60 = arith.muli %while3A_58, %mul3A_59 : i32
      %add3A_61 = arith.addi %mul3A_22, %mul3A_60 : i32
      "tpu.region"() ({
        %run_scoped3A = tpu.sem_alloc : memref<!tpu.dma_semaphore, #tpu.memory_space<semaphore_mem>>
        %dma_start3A_66 = tpu.memref_slice %arg3[%add3A_61] : memref<323584xi32, #tpu.memory_space<hbm>> -> memref<128xi32, #tpu.memory_space<hbm>>
        %dma_start3A_67 = tpu.memref_slice %arg3[%add3A_61] : memref<323584xi32, #tpu.memory_space<hbm>> -> memref<128xi32, #tpu.memory_space<hbm>>
        tpu.enqueue_dma source(%dma_start3A_67 : memref<128xi32, #tpu.memory_space<hbm>>) target(%arg7 : memref<128xi32, #tpu.memory_space<vmem>>) target_semaphore(%run_scoped3A : memref<!tpu.dma_semaphore, #tpu.memory_space<semaphore_mem>>)
        %dma_wait3A_68 = tpu.memref_slice %arg3[%add3A_61] : memref<323584xi32, #tpu.memory_space<hbm>> -> memref<128xi32, #tpu.memory_space<hbm>>
        %dma_wait3A_69 = tpu.memref_slice %arg3[%add3A_61] : memref<323584xi32, #tpu.memory_space<hbm>> -> memref<128xi32, #tpu.memory_space<hbm>>
        tpu.wait_dma2 semaphore(%run_scoped3A : memref<!tpu.dma_semaphore, #tpu.memory_space<semaphore_mem>>) src(%dma_wait3A_69 : memref<128xi32, #tpu.memory_space<hbm>>) dst(%arg7 : memref<128xi32, #tpu.memory_space<vmem>>)
        tpu.yield
      }) : () -> ()
      "tpu.region"() ({
        %run_scoped3A = tpu.sem_alloc : memref<!tpu.dma_semaphore, #tpu.memory_space<semaphore_mem>>
        %dma_start3A_66 = tpu.memref_slice %arg4[%add3A_61] : memref<323584xi32, #tpu.memory_space<hbm>> -> memref<128xi32, #tpu.memory_space<hbm>>
        %dma_start3A_67 = tpu.memref_slice %arg4[%add3A_61] : memref<323584xi32, #tpu.memory_space<hbm>> -> memref<128xi32, #tpu.memory_space<hbm>>
        tpu.enqueue_dma source(%dma_start3A_67 : memref<128xi32, #tpu.memory_space<hbm>>) target(%arg8 : memref<128xi32, #tpu.memory_space<vmem>>) target_semaphore(%run_scoped3A : memref<!tpu.dma_semaphore, #tpu.memory_space<semaphore_mem>>)
        %dma_wait3A_68 = tpu.memref_slice %arg4[%add3A_61] : memref<323584xi32, #tpu.memory_space<hbm>> -> memref<128xi32, #tpu.memory_space<hbm>>
        %dma_wait3A_69 = tpu.memref_slice %arg4[%add3A_61] : memref<323584xi32, #tpu.memory_space<hbm>> -> memref<128xi32, #tpu.memory_space<hbm>>
        tpu.wait_dma2 semaphore(%run_scoped3A : memref<!tpu.dma_semaphore, #tpu.memory_space<semaphore_mem>>) src(%dma_wait3A_69 : memref<128xi32, #tpu.memory_space<hbm>>) dst(%arg8 : memref<128xi32, #tpu.memory_space<vmem>>)
        tpu.yield
      }) : () -> ()
      %dma_start3A = arith.constant 0 : i32
      %dma_start3A_62 = arith.constant 0 : i32
      %dma_start3A_63 = tpu.memref_slice %arg2[%dma_start3A, %dma_start3A_62] : memref<10000x128xf32, #tpu.memory_space<hbm>> -> memref<10000x128xf32, #tpu.memory_space<hbm>>
      tpu.enqueue_indirect_dma source(%dma_start3A_63 : memref<10000x128xf32, #tpu.memory_space<hbm>>) target(%arg9 : memref<128x128xf32, #tpu.memory_space<vmem>>) offsets(%arg7 : memref<128xi32, #tpu.memory_space<vmem>>) semaphore(%arg11 : memref<!tpu.dma_semaphore, #tpu.memory_space<semaphore_mem>>)
      %dma_wait3A = arith.constant 0 : i32
      %dma_wait3A_64 = arith.constant 0 : i32
      %dma_wait3A_65 = tpu.memref_slice %arg2[%dma_wait3A, %dma_wait3A_64] : memref<10000x128xf32, #tpu.memory_space<hbm>> -> memref<10000x128xf32, #tpu.memory_space<hbm>>
      tpu.wait_indirect_dma semaphore(%arg11 : memref<!tpu.dma_semaphore, #tpu.memory_space<semaphore_mem>>) src(%dma_wait3A_65 : memref<10000x128xf32, #tpu.memory_space<hbm>>) dst(%arg9 : memref<128x128xf32, #tpu.memory_space<vmem>>)
      "tpu.region"() ({
        %run_scoped3A = tpu.sem_alloc : memref<!tpu.dma_semaphore, #tpu.memory_space<semaphore_mem>>
        %dma_start3A_66 = arith.constant 0 : i32
        %dma_start3A_67 = arith.constant 0 : i32
        %dma_start3A_68 = tpu.memref_slice %arg10[%dma_start3A_66, %dma_start3A_67] : memref<10240x128xf32, #tpu.memory_space<vmem_shared>> -> memref<10240x128xf32, #tpu.memory_space<vmem_shared>>
        tpu.enqueue_indirect_dma source(%arg9 : memref<128x128xf32, #tpu.memory_space<vmem>>) target(%dma_start3A_68 : memref<10240x128xf32, #tpu.memory_space<vmem_shared>>) offsets(%arg8 : memref<128xi32, #tpu.memory_space<vmem>>) semaphore(%run_scoped3A : memref<!tpu.dma_semaphore, #tpu.memory_space<semaphore_mem>>) {add = true}
        %dma_wait3A_69 = arith.constant 0 : i32
        %dma_wait3A_70 = arith.constant 0 : i32
        %dma_wait3A_71 = tpu.memref_slice %arg10[%dma_wait3A_69, %dma_wait3A_70] : memref<10240x128xf32, #tpu.memory_space<vmem_shared>> -> memref<10240x128xf32, #tpu.memory_space<vmem_shared>>
        tpu.wait_indirect_dma semaphore(%run_scoped3A : memref<!tpu.dma_semaphore, #tpu.memory_space<semaphore_mem>>) src(%arg9 : memref<128x128xf32, #tpu.memory_space<vmem>>) dst(%dma_wait3A_71 : memref<10240x128xf32, #tpu.memory_space<vmem_shared>>)
        tpu.yield
      }) : () -> ()
    }
    %while3A_31 = arith.constant 1 : i32
    scf.for %while3A_58 = %while3A_29 to %while3A_25 step %while3A_31  : i32 {
      %mul3A_59 = arith.constant 128 : i32
      %mul3A_60 = arith.muli %while3A_58, %mul3A_59 : i32
      %add3A_61 = arith.addi %mul3A_22, %mul3A_60 : i32
      "tpu.region"() ({
        %run_scoped3A = tpu.sem_alloc : memref<!tpu.dma_semaphore, #tpu.memory_space<semaphore_mem>>
        %dma_start3A_66 = tpu.memref_slice %arg3[%add3A_61] : memref<323584xi32, #tpu.memory_space<hbm>> -> memref<128xi32, #tpu.memory_space<hbm>>
        %dma_start3A_67 = tpu.memref_slice %arg3[%add3A_61] : memref<323584xi32, #tpu.memory_space<hbm>> -> memref<128xi32, #tpu.memory_space<hbm>>
        tpu.enqueue_dma source(%dma_start3A_67 : memref<128xi32, #tpu.memory_space<hbm>>) target(%arg7 : memref<128xi32, #tpu.memory_space<vmem>>) target_semaphore(%run_scoped3A : memref<!tpu.dma_semaphore, #tpu.memory_space<semaphore_mem>>)
        %dma_wait3A_68 = tpu.memref_slice %arg3[%add3A_61] : memref<323584xi32, #tpu.memory_space<hbm>> -> memref<128xi32, #tpu.memory_space<hbm>>
        %dma_wait3A_69 = tpu.memref_slice %arg3[%add3A_61] : memref<323584xi32, #tpu.memory_space<hbm>> -> memref<128xi32, #tpu.memory_space<hbm>>
        tpu.wait_dma2 semaphore(%run_scoped3A : memref<!tpu.dma_semaphore, #tpu.memory_space<semaphore_mem>>) src(%dma_wait3A_69 : memref<128xi32, #tpu.memory_space<hbm>>) dst(%arg7 : memref<128xi32, #tpu.memory_space<vmem>>)
        tpu.yield
      }) : () -> ()
      "tpu.region"() ({
        %run_scoped3A = tpu.sem_alloc : memref<!tpu.dma_semaphore, #tpu.memory_space<semaphore_mem>>
        %dma_start3A_66 = tpu.memref_slice %arg4[%add3A_61] : memref<323584xi32, #tpu.memory_space<hbm>> -> memref<128xi32, #tpu.memory_space<hbm>>
        %dma_start3A_67 = tpu.memref_slice %arg4[%add3A_61] : memref<323584xi32, #tpu.memory_space<hbm>> -> memref<128xi32, #tpu.memory_space<hbm>>
        tpu.enqueue_dma source(%dma_start3A_67 : memref<128xi32, #tpu.memory_space<hbm>>) target(%arg8 : memref<128xi32, #tpu.memory_space<vmem>>) target_semaphore(%run_scoped3A : memref<!tpu.dma_semaphore, #tpu.memory_space<semaphore_mem>>)
        %dma_wait3A_68 = tpu.memref_slice %arg4[%add3A_61] : memref<323584xi32, #tpu.memory_space<hbm>> -> memref<128xi32, #tpu.memory_space<hbm>>
        %dma_wait3A_69 = tpu.memref_slice %arg4[%add3A_61] : memref<323584xi32, #tpu.memory_space<hbm>> -> memref<128xi32, #tpu.memory_space<hbm>>
        tpu.wait_dma2 semaphore(%run_scoped3A : memref<!tpu.dma_semaphore, #tpu.memory_space<semaphore_mem>>) src(%dma_wait3A_69 : memref<128xi32, #tpu.memory_space<hbm>>) dst(%arg8 : memref<128xi32, #tpu.memory_space<vmem>>)
        tpu.yield
      }) : () -> ()
      %dma_start3A = arith.constant 0 : i32
      %dma_start3A_62 = arith.constant 0 : i32
      %dma_start3A_63 = tpu.memref_slice %arg2[%dma_start3A, %dma_start3A_62] : memref<10000x128xf32, #tpu.memory_space<hbm>> -> memref<10000x128xf32, #tpu.memory_space<hbm>>
      tpu.enqueue_indirect_dma source(%dma_start3A_63 : memref<10000x128xf32, #tpu.memory_space<hbm>>) target(%arg9 : memref<128x128xf32, #tpu.memory_space<vmem>>) offsets(%arg7 : memref<128xi32, #tpu.memory_space<vmem>>) semaphore(%arg11 : memref<!tpu.dma_semaphore, #tpu.memory_space<semaphore_mem>>)
      %dma_wait3A = arith.constant 0 : i32
      %dma_wait3A_64 = arith.constant 0 : i32
      %dma_wait3A_65 = tpu.memref_slice %arg2[%dma_wait3A, %dma_wait3A_64] : memref<10000x128xf32, #tpu.memory_space<hbm>> -> memref<10000x128xf32, #tpu.memory_space<hbm>>
      tpu.wait_indirect_dma semaphore(%arg11 : memref<!tpu.dma_semaphore, #tpu.memory_space<semaphore_mem>>) src(%dma_wait3A_65 : memref<10000x128xf32, #tpu.memory_space<hbm>>) dst(%arg9 : memref<128x128xf32, #tpu.memory_space<vmem>>)
      "tpu.region"() ({
        %run_scoped3A = tpu.sem_alloc : memref<!tpu.dma_semaphore, #tpu.memory_space<semaphore_mem>>
        %dma_start3A_66 = arith.constant 0 : i32
        %dma_start3A_67 = arith.constant 0 : i32
        %dma_start3A_68 = tpu.memref_slice %arg10[%dma_start3A_66, %dma_start3A_67] : memref<10240x128xf32, #tpu.memory_space<vmem_shared>> -> memref<10240x128xf32, #tpu.memory_space<vmem_shared>>
        tpu.enqueue_indirect_dma source(%arg9 : memref<128x128xf32, #tpu.memory_space<vmem>>) target(%dma_start3A_68 : memref<10240x128xf32, #tpu.memory_space<vmem_shared>>) offsets(%arg8 : memref<128xi32, #tpu.memory_space<vmem>>) semaphore(%run_scoped3A : memref<!tpu.dma_semaphore, #tpu.memory_space<semaphore_mem>>) {add = true}
        %dma_wait3A_69 = arith.constant 0 : i32
        %dma_wait3A_70 = arith.constant 0 : i32
        %dma_wait3A_71 = tpu.memref_slice %arg10[%dma_wait3A_69, %dma_wait3A_70] : memref<10240x128xf32, #tpu.memory_space<vmem_shared>> -> memref<10240x128xf32, #tpu.memory_space<vmem_shared>>
        tpu.wait_indirect_dma semaphore(%run_scoped3A : memref<!tpu.dma_semaphore, #tpu.memory_space<semaphore_mem>>) src(%arg9 : memref<128x128xf32, #tpu.memory_space<vmem>>) dst(%dma_wait3A_71 : memref<10240x128xf32, #tpu.memory_space<vmem_shared>>)
        tpu.yield
      }) : () -> ()
    }
    %barrier3A_32 = arith.constant 0 : index
    tpu.barrier barrier_id(%barrier3A_32)
    %add3A_33 = arith.constant 0 : i32
    %add3A_34 = arith.addi %mul3A_0, %add3A_33 : i32
    "tpu.region"() ({
      %run_scoped3A = tpu.sem_alloc : memref<!tpu.dma_semaphore, #tpu.memory_space<semaphore_mem>>
      %dma_start3A = arith.constant 0 : i32
      %dma_start3A_58 = tpu.memref_slice %arg10[%add3A_34, %dma_start3A] : memref<10240x128xf32, #tpu.memory_space<vmem_shared>> -> memref<128x128xf32, #tpu.memory_space<vmem_shared>>
      %dma_start3A_59 = arith.constant 0 : i32
      %dma_start3A_60 = tpu.memref_slice %arg10[%add3A_34, %dma_start3A_59] : memref<10240x128xf32, #tpu.memory_space<vmem_shared>> -> memref<128x128xf32, #tpu.memory_space<vmem_shared>>
      tpu.enqueue_dma source(%dma_start3A_60 : memref<128x128xf32, #tpu.memory_space<vmem_shared>>) target(%arg9 : memref<128x128xf32, #tpu.memory_space<vmem>>) target_semaphore(%run_scoped3A : memref<!tpu.dma_semaphore, #tpu.memory_space<semaphore_mem>>)
      %dma_wait3A = arith.constant 0 : i32
      %dma_wait3A_61 = tpu.memref_slice %arg10[%add3A_34, %dma_wait3A] : memref<10240x128xf32, #tpu.memory_space<vmem_shared>> -> memref<128x128xf32, #tpu.memory_space<vmem_shared>>
      %dma_wait3A_62 = arith.constant 0 : i32
      %dma_wait3A_63 = tpu.memref_slice %arg10[%add3A_34, %dma_wait3A_62] : memref<10240x128xf32, #tpu.memory_space<vmem_shared>> -> memref<128x128xf32, #tpu.memory_space<vmem_shared>>
      tpu.wait_dma2 semaphore(%run_scoped3A : memref<!tpu.dma_semaphore, #tpu.memory_space<semaphore_mem>>) src(%dma_wait3A_63 : memref<128x128xf32, #tpu.memory_space<vmem_shared>>) dst(%arg9 : memref<128x128xf32, #tpu.memory_space<vmem>>)
      tpu.yield
    }) : () -> ()
    %mul3A_35 = arith.constant 10240 : i32
    %mul3A_36 = arith.muli %arg0, %mul3A_35 : i32
    %add3A_37 = arith.addi %mul3A_36, %add3A_34 : i32
    "tpu.region"() ({
      %run_scoped3A = tpu.sem_alloc : memref<!tpu.dma_semaphore, #tpu.memory_space<semaphore_mem>>
      %dma_start3A = arith.constant 0 : i32
      %dma_start3A_58 = tpu.memref_slice %arg6[%add3A_37, %dma_start3A] : memref<20480x128xf32, #tpu.memory_space<hbm>> -> memref<128x128xf32, #tpu.memory_space<hbm>>
      %dma_start3A_59 = arith.constant 0 : i32
      %dma_start3A_60 = tpu.memref_slice %arg6[%add3A_37, %dma_start3A_59] : memref<20480x128xf32, #tpu.memory_space<hbm>> -> memref<128x128xf32, #tpu.memory_space<hbm>>
      tpu.enqueue_dma source(%arg9 : memref<128x128xf32, #tpu.memory_space<vmem>>) target(%dma_start3A_60 : memref<128x128xf32, #tpu.memory_space<hbm>>) target_semaphore(%run_scoped3A : memref<!tpu.dma_semaphore, #tpu.memory_space<semaphore_mem>>)
      %dma_wait3A = arith.constant 0 : i32
      %dma_wait3A_61 = tpu.memref_slice %arg6[%add3A_37, %dma_wait3A] : memref<20480x128xf32, #tpu.memory_space<hbm>> -> memref<128x128xf32, #tpu.memory_space<hbm>>
      %dma_wait3A_62 = arith.constant 0 : i32
      %dma_wait3A_63 = tpu.memref_slice %arg6[%add3A_37, %dma_wait3A_62] : memref<20480x128xf32, #tpu.memory_space<hbm>> -> memref<128x128xf32, #tpu.memory_space<hbm>>
      tpu.wait_dma2 semaphore(%run_scoped3A : memref<!tpu.dma_semaphore, #tpu.memory_space<semaphore_mem>>) src(%arg9 : memref<128x128xf32, #tpu.memory_space<vmem>>) dst(%dma_wait3A_63 : memref<128x128xf32, #tpu.memory_space<hbm>>)
      tpu.yield
    }) : () -> ()
    %add3A_38 = arith.constant 128 : i32
    %add3A_39 = arith.addi %mul3A_0, %add3A_38 : i32
    "tpu.region"() ({
      %run_scoped3A = tpu.sem_alloc : memref<!tpu.dma_semaphore, #tpu.memory_space<semaphore_mem>>
      %dma_start3A = arith.constant 0 : i32
      %dma_start3A_58 = tpu.memref_slice %arg10[%add3A_39, %dma_start3A] : memref<10240x128xf32, #tpu.memory_space<vmem_shared>> -> memref<128x128xf32, #tpu.memory_space<vmem_shared>>
      %dma_start3A_59 = arith.constant 0 : i32
      %dma_start3A_60 = tpu.memref_slice %arg10[%add3A_39, %dma_start3A_59] : memref<10240x128xf32, #tpu.memory_space<vmem_shared>> -> memref<128x128xf32, #tpu.memory_space<vmem_shared>>
      tpu.enqueue_dma source(%dma_start3A_60 : memref<128x128xf32, #tpu.memory_space<vmem_shared>>) target(%arg9 : memref<128x128xf32, #tpu.memory_space<vmem>>) target_semaphore(%run_scoped3A : memref<!tpu.dma_semaphore, #tpu.memory_space<semaphore_mem>>)
      %dma_wait3A = arith.constant 0 : i32
      %dma_wait3A_61 = tpu.memref_slice %arg10[%add3A_39, %dma_wait3A] : memref<10240x128xf32, #tpu.memory_space<vmem_shared>> -> memref<128x128xf32, #tpu.memory_space<vmem_shared>>
      %dma_wait3A_62 = arith.constant 0 : i32
      %dma_wait3A_63 = tpu.memref_slice %arg10[%add3A_39, %dma_wait3A_62] : memref<10240x128xf32, #tpu.memory_space<vmem_shared>> -> memref<128x128xf32, #tpu.memory_space<vmem_shared>>
      tpu.wait_dma2 semaphore(%run_scoped3A : memref<!tpu.dma_semaphore, #tpu.memory_space<semaphore_mem>>) src(%dma_wait3A_63 : memref<128x128xf32, #tpu.memory_space<vmem_shared>>) dst(%arg9 : memref<128x128xf32, #tpu.memory_space<vmem>>)
      tpu.yield
    }) : () -> ()
    %mul3A_40 = arith.constant 10240 : i32
    %mul3A_41 = arith.muli %arg0, %mul3A_40 : i32
    %add3A_42 = arith.addi %mul3A_41, %add3A_39 : i32
    "tpu.region"() ({
      %run_scoped3A = tpu.sem_alloc : memref<!tpu.dma_semaphore, #tpu.memory_space<semaphore_mem>>
      %dma_start3A = arith.constant 0 : i32
      %dma_start3A_58 = tpu.memref_slice %arg6[%add3A_42, %dma_start3A] : memref<20480x128xf32, #tpu.memory_space<hbm>> -> memref<128x128xf32, #tpu.memory_space<hbm>>
      %dma_start3A_59 = arith.constant 0 : i32
      %dma_start3A_60 = tpu.memref_slice %arg6[%add3A_42, %dma_start3A_59] : memref<20480x128xf32, #tpu.memory_space<hbm>> -> memref<128x128xf32, #tpu.memory_space<hbm>>
      tpu.enqueue_dma source(%arg9 : memref<128x128xf32, #tpu.memory_space<vmem>>) target(%dma_start3A_60 : memref<128x128xf32, #tpu.memory_space<hbm>>) target_semaphore(%run_scoped3A : memref<!tpu.dma_semaphore, #tpu.memory_space<semaphore_mem>>)
      %dma_wait3A = arith.constant 0 : i32
      %dma_wait3A_61 = tpu.memref_slice %arg6[%add3A_42, %dma_wait3A] : memref<20480x128xf32, #tpu.memory_space<hbm>> -> memref<128x128xf32, #tpu.memory_space<hbm>>
      %dma_wait3A_62 = arith.constant 0 : i32
      %dma_wait3A_63 = tpu.memref_slice %arg6[%add3A_42, %dma_wait3A_62] : memref<20480x128xf32, #tpu.memory_space<hbm>> -> memref<128x128xf32, #tpu.memory_space<hbm>>
      tpu.wait_dma2 semaphore(%run_scoped3A : memref<!tpu.dma_semaphore, #tpu.memory_space<semaphore_mem>>) src(%arg9 : memref<128x128xf32, #tpu.memory_space<vmem>>) dst(%dma_wait3A_63 : memref<128x128xf32, #tpu.memory_space<hbm>>)
      tpu.yield
    }) : () -> ()
    %add3A_43 = arith.constant 256 : i32
    %add3A_44 = arith.addi %mul3A_0, %add3A_43 : i32
    "tpu.region"() ({
      %run_scoped3A = tpu.sem_alloc : memref<!tpu.dma_semaphore, #tpu.memory_space<semaphore_mem>>
      %dma_start3A = arith.constant 0 : i32
      %dma_start3A_58 = tpu.memref_slice %arg10[%add3A_44, %dma_start3A] : memref<10240x128xf32, #tpu.memory_space<vmem_shared>> -> memref<128x128xf32, #tpu.memory_space<vmem_shared>>
      %dma_start3A_59 = arith.constant 0 : i32
      %dma_start3A_60 = tpu.memref_slice %arg10[%add3A_44, %dma_start3A_59] : memref<10240x128xf32, #tpu.memory_space<vmem_shared>> -> memref<128x128xf32, #tpu.memory_space<vmem_shared>>
      tpu.enqueue_dma source(%dma_start3A_60 : memref<128x128xf32, #tpu.memory_space<vmem_shared>>) target(%arg9 : memref<128x128xf32, #tpu.memory_space<vmem>>) target_semaphore(%run_scoped3A : memref<!tpu.dma_semaphore, #tpu.memory_space<semaphore_mem>>)
      %dma_wait3A = arith.constant 0 : i32
      %dma_wait3A_61 = tpu.memref_slice %arg10[%add3A_44, %dma_wait3A] : memref<10240x128xf32, #tpu.memory_space<vmem_shared>> -> memref<128x128xf32, #tpu.memory_space<vmem_shared>>
      %dma_wait3A_62 = arith.constant 0 : i32
      %dma_wait3A_63 = tpu.memref_slice %arg10[%add3A_44, %dma_wait3A_62] : memref<10240x128xf32, #tpu.memory_space<vmem_shared>> -> memref<128x128xf32, #tpu.memory_space<vmem_shared>>
      tpu.wait_dma2 semaphore(%run_scoped3A : memref<!tpu.dma_semaphore, #tpu.memory_space<semaphore_mem>>) src(%dma_wait3A_63 : memref<128x128xf32, #tpu.memory_space<vmem_shared>>) dst(%arg9 : memref<128x128xf32, #tpu.memory_space<vmem>>)
      tpu.yield
    }) : () -> ()
    %mul3A_45 = arith.constant 10240 : i32
    %mul3A_46 = arith.muli %arg0, %mul3A_45 : i32
    %add3A_47 = arith.addi %mul3A_46, %add3A_44 : i32
    "tpu.region"() ({
      %run_scoped3A = tpu.sem_alloc : memref<!tpu.dma_semaphore, #tpu.memory_space<semaphore_mem>>
      %dma_start3A = arith.constant 0 : i32
      %dma_start3A_58 = tpu.memref_slice %arg6[%add3A_47, %dma_start3A] : memref<20480x128xf32, #tpu.memory_space<hbm>> -> memref<128x128xf32, #tpu.memory_space<hbm>>
      %dma_start3A_59 = arith.constant 0 : i32
      %dma_start3A_60 = tpu.memref_slice %arg6[%add3A_47, %dma_start3A_59] : memref<20480x128xf32, #tpu.memory_space<hbm>> -> memref<128x128xf32, #tpu.memory_space<hbm>>
      tpu.enqueue_dma source(%arg9 : memref<128x128xf32, #tpu.memory_space<vmem>>) target(%dma_start3A_60 : memref<128x128xf32, #tpu.memory_space<hbm>>) target_semaphore(%run_scoped3A : memref<!tpu.dma_semaphore, #tpu.memory_space<semaphore_mem>>)
      %dma_wait3A = arith.constant 0 : i32
      %dma_wait3A_61 = tpu.memref_slice %arg6[%add3A_47, %dma_wait3A] : memref<20480x128xf32, #tpu.memory_space<hbm>> -> memref<128x128xf32, #tpu.memory_space<hbm>>
      %dma_wait3A_62 = arith.constant 0 : i32
      %dma_wait3A_63 = tpu.memref_slice %arg6[%add3A_47, %dma_wait3A_62] : memref<20480x128xf32, #tpu.memory_space<hbm>> -> memref<128x128xf32, #tpu.memory_space<hbm>>
      tpu.wait_dma2 semaphore(%run_scoped3A : memref<!tpu.dma_semaphore, #tpu.memory_space<semaphore_mem>>) src(%arg9 : memref<128x128xf32, #tpu.memory_space<vmem>>) dst(%dma_wait3A_63 : memref<128x128xf32, #tpu.memory_space<hbm>>)
      tpu.yield
    }) : () -> ()
    %add3A_48 = arith.constant 384 : i32
    %add3A_49 = arith.addi %mul3A_0, %add3A_48 : i32
    "tpu.region"() ({
      %run_scoped3A = tpu.sem_alloc : memref<!tpu.dma_semaphore, #tpu.memory_space<semaphore_mem>>
      %dma_start3A = arith.constant 0 : i32
      %dma_start3A_58 = tpu.memref_slice %arg10[%add3A_49, %dma_start3A] : memref<10240x128xf32, #tpu.memory_space<vmem_shared>> -> memref<128x128xf32, #tpu.memory_space<vmem_shared>>
      %dma_start3A_59 = arith.constant 0 : i32
      %dma_start3A_60 = tpu.memref_slice %arg10[%add3A_49, %dma_start3A_59] : memref<10240x128xf32, #tpu.memory_space<vmem_shared>> -> memref<128x128xf32, #tpu.memory_space<vmem_shared>>
      tpu.enqueue_dma source(%dma_start3A_60 : memref<128x128xf32, #tpu.memory_space<vmem_shared>>) target(%arg9 : memref<128x128xf32, #tpu.memory_space<vmem>>) target_semaphore(%run_scoped3A : memref<!tpu.dma_semaphore, #tpu.memory_space<semaphore_mem>>)
      %dma_wait3A = arith.constant 0 : i32
      %dma_wait3A_61 = tpu.memref_slice %arg10[%add3A_49, %dma_wait3A] : memref<10240x128xf32, #tpu.memory_space<vmem_shared>> -> memref<128x128xf32, #tpu.memory_space<vmem_shared>>
      %dma_wait3A_62 = arith.constant 0 : i32
      %dma_wait3A_63 = tpu.memref_slice %arg10[%add3A_49, %dma_wait3A_62] : memref<10240x128xf32, #tpu.memory_space<vmem_shared>> -> memref<128x128xf32, #tpu.memory_space<vmem_shared>>
      tpu.wait_dma2 semaphore(%run_scoped3A : memref<!tpu.dma_semaphore, #tpu.memory_space<semaphore_mem>>) src(%dma_wait3A_63 : memref<128x128xf32, #tpu.memory_space<vmem_shared>>) dst(%arg9 : memref<128x128xf32, #tpu.memory_space<vmem>>)
      tpu.yield
    }) : () -> ()
    %mul3A_50 = arith.constant 10240 : i32
    %mul3A_51 = arith.muli %arg0, %mul3A_50 : i32
    %add3A_52 = arith.addi %mul3A_51, %add3A_49 : i32
    "tpu.region"() ({
      %run_scoped3A = tpu.sem_alloc : memref<!tpu.dma_semaphore, #tpu.memory_space<semaphore_mem>>
      %dma_start3A = arith.constant 0 : i32
      %dma_start3A_58 = tpu.memref_slice %arg6[%add3A_52, %dma_start3A] : memref<20480x128xf32, #tpu.memory_space<hbm>> -> memref<128x128xf32, #tpu.memory_space<hbm>>
      %dma_start3A_59 = arith.constant 0 : i32
      %dma_start3A_60 = tpu.memref_slice %arg6[%add3A_52, %dma_start3A_59] : memref<20480x128xf32, #tpu.memory_space<hbm>> -> memref<128x128xf32, #tpu.memory_space<hbm>>
      tpu.enqueue_dma source(%arg9 : memref<128x128xf32, #tpu.memory_space<vmem>>) target(%dma_start3A_60 : memref<128x128xf32, #tpu.memory_space<hbm>>) target_semaphore(%run_scoped3A : memref<!tpu.dma_semaphore, #tpu.memory_space<semaphore_mem>>)
      %dma_wait3A = arith.constant 0 : i32
      %dma_wait3A_61 = tpu.memref_slice %arg6[%add3A_52, %dma_wait3A] : memref<20480x128xf32, #tpu.memory_space<hbm>> -> memref<128x128xf32, #tpu.memory_space<hbm>>
      %dma_wait3A_62 = arith.constant 0 : i32
      %dma_wait3A_63 = tpu.memref_slice %arg6[%add3A_52, %dma_wait3A_62] : memref<20480x128xf32, #tpu.memory_space<hbm>> -> memref<128x128xf32, #tpu.memory_space<hbm>>
      tpu.wait_dma2 semaphore(%run_scoped3A : memref<!tpu.dma_semaphore, #tpu.memory_space<semaphore_mem>>) src(%arg9 : memref<128x128xf32, #tpu.memory_space<vmem>>) dst(%dma_wait3A_63 : memref<128x128xf32, #tpu.memory_space<hbm>>)
      tpu.yield
    }) : () -> ()
    %add3A_53 = arith.constant 512 : i32
    %add3A_54 = arith.addi %mul3A_0, %add3A_53 : i32
    "tpu.region"() ({
      %run_scoped3A = tpu.sem_alloc : memref<!tpu.dma_semaphore, #tpu.memory_space<semaphore_mem>>
      %dma_start3A = arith.constant 0 : i32
      %dma_start3A_58 = tpu.memref_slice %arg10[%add3A_54, %dma_start3A] : memref<10240x128xf32, #tpu.memory_space<vmem_shared>> -> memref<128x128xf32, #tpu.memory_space<vmem_shared>>
      %dma_start3A_59 = arith.constant 0 : i32
      %dma_start3A_60 = tpu.memref_slice %arg10[%add3A_54, %dma_start3A_59] : memref<10240x128xf32, #tpu.memory_space<vmem_shared>> -> memref<128x128xf32, #tpu.memory_space<vmem_shared>>
      tpu.enqueue_dma source(%dma_start3A_60 : memref<128x128xf32, #tpu.memory_space<vmem_shared>>) target(%arg9 : memref<128x128xf32, #tpu.memory_space<vmem>>) target_semaphore(%run_scoped3A : memref<!tpu.dma_semaphore, #tpu.memory_space<semaphore_mem>>)
      %dma_wait3A = arith.constant 0 : i32
      %dma_wait3A_61 = tpu.memref_slice %arg10[%add3A_54, %dma_wait3A] : memref<10240x128xf32, #tpu.memory_space<vmem_shared>> -> memref<128x128xf32, #tpu.memory_space<vmem_shared>>
      %dma_wait3A_62 = arith.constant 0 : i32
      %dma_wait3A_63 = tpu.memref_slice %arg10[%add3A_54, %dma_wait3A_62] : memref<10240x128xf32, #tpu.memory_space<vmem_shared>> -> memref<128x128xf32, #tpu.memory_space<vmem_shared>>
      tpu.wait_dma2 semaphore(%run_scoped3A : memref<!tpu.dma_semaphore, #tpu.memory_space<semaphore_mem>>) src(%dma_wait3A_63 : memref<128x128xf32, #tpu.memory_space<vmem_shared>>) dst(%arg9 : memref<128x128xf32, #tpu.memory_space<vmem>>)
      tpu.yield
    }) : () -> ()
    %mul3A_55 = arith.constant 10240 : i32
    %mul3A_56 = arith.muli %arg0, %mul3A_55 : i32
    %add3A_57 = arith.addi %mul3A_56, %add3A_54 : i32
    "tpu.region"() ({
      %run_scoped3A = tpu.sem_alloc : memref<!tpu.dma_semaphore, #tpu.memory_space<semaphore_mem>>
      %dma_start3A = arith.constant 0 : i32
      %dma_start3A_58 = tpu.memref_slice %arg6[%add3A_57, %dma_start3A] : memref<20480x128xf32, #tpu.memory_space<hbm>> -> memref<128x128xf32, #tpu.memory_space<hbm>>
      %dma_start3A_59 = arith.constant 0 : i32
      %dma_start3A_60 = tpu.memref_slice %arg6[%add3A_57, %dma_start3A_59] : memref<20480x128xf32, #tpu.memory_space<hbm>> -> memref<128x128xf32, #tpu.memory_space<hbm>>
      tpu.enqueue_dma source(%arg9 : memref<128x128xf32, #tpu.memory_space<vmem>>) target(%dma_start3A_60 : memref<128x128xf32, #tpu.memory_space<hbm>>) target_semaphore(%run_scoped3A : memref<!tpu.dma_semaphore, #tpu.memory_space<semaphore_mem>>)
      %dma_wait3A = arith.constant 0 : i32
      %dma_wait3A_61 = tpu.memref_slice %arg6[%add3A_57, %dma_wait3A] : memref<20480x128xf32, #tpu.memory_space<hbm>> -> memref<128x128xf32, #tpu.memory_space<hbm>>
      %dma_wait3A_62 = arith.constant 0 : i32
      %dma_wait3A_63 = tpu.memref_slice %arg6[%add3A_57, %dma_wait3A_62] : memref<20480x128xf32, #tpu.memory_space<hbm>> -> memref<128x128xf32, #tpu.memory_space<hbm>>
      tpu.wait_dma2 semaphore(%run_scoped3A : memref<!tpu.dma_semaphore, #tpu.memory_space<semaphore_mem>>) src(%arg9 : memref<128x128xf32, #tpu.memory_space<vmem>>) dst(%dma_wait3A_63 : memref<128x128xf32, #tpu.memory_space<hbm>>)
      tpu.yield
    }) : () -> ()
    return
  }
}

module attributes {stable_mosaic.version = 14 : i64} {
  func.func @_dense1_body(%arg0: i32, %arg1: memref<2x1000x128xf32, #tpu.memory_space<vmem>>, %arg2: memref<1000x32xf32, #tpu.memory_space<vmem>>, %arg3: memref<1000x128xf32, #tpu.memory_space<vmem>>, %arg4: memref<128x256xf32, #tpu.memory_space<vmem>>, %arg5: memref<128x256xf32, #tpu.memory_space<vmem>>, %arg6: memref<1x256xf32, #tpu.memory_space<vmem>>, %arg7: memref<1000x256xf32, #tpu.memory_space<vmem>>, %arg8: memref<1000x1xf32, #tpu.memory_space<vmem>>) attributes {dimension_semantics = [#tpu.dimension_semantics<arbitrary>], iteration_bounds = array<i64: 10>, scalar_prefetch = 0 : i64, scratch_operands = 0 : i64, tpu.core_type = #tpu.core_type<tc>, window_params = [{transform_indices = @transform_0, window_bounds = array<i64: 2, 1000, 128>}, {transform_indices = @transform_1, window_bounds = array<i64: 1000, 32>}, {transform_indices = @transform_2, window_bounds = array<i64: 1000, 128>}, {pipeline_mode = #tpu.pipeline_mode<synchronous>, transform_indices = @transform_3, window_bounds = array<i64: 128, 256>}, {pipeline_mode = #tpu.pipeline_mode<synchronous>, transform_indices = @transform_4, window_bounds = array<i64: 128, 256>}, {pipeline_mode = #tpu.pipeline_mode<synchronous>, transform_indices = @transform_5, window_bounds = array<i64: 1, 256>}, {transform_indices = @transform_6, window_bounds = array<i64: 1000, 256>}, {transform_indices = @transform_7, window_bounds = array<i64: 1000, 1>}]} {
    %get3A = arith.constant 0 : index
    %get3A_0 = arith.constant 0 : index
    %get3A_1 = arith.constant 0 : index
    %get3A_2 = vector.load %arg1[%get3A, %get3A_0, %get3A_1] : memref<2x1000x128xf32, #tpu.memory_space<vmem>>, vector<1x1000x128xf32>
    %get3A_3 = vector.shape_cast %get3A_2 : vector<1x1000x128xf32> to vector<1000x128xf32>
    %get3A_4 = arith.constant 1 : index
    %get3A_5 = arith.constant 0 : index
    %get3A_6 = arith.constant 0 : index
    %get3A_7 = vector.load %arg1[%get3A_4, %get3A_5, %get3A_6] : memref<2x1000x128xf32, #tpu.memory_space<vmem>>, vector<1x1000x128xf32>
    %get3A_8 = vector.shape_cast %get3A_7 : vector<1x1000x128xf32> to vector<1000x128xf32>
    %add3A = arith.addf %get3A_3, %get3A_8 : vector<1000x128xf32>
    %get3A_9 = arith.constant 0 : index
    %get3A_10 = arith.constant 0 : index
    %get3A_11 = vector.load %arg2[%get3A_9, %get3A_10] : memref<1000x32xf32, #tpu.memory_space<vmem>>, vector<1000x32xf32>
    %reduce_sum3A = arith.constant dense<0.000000e+00> : vector<1000xf32>
    %reduce_sum3A_12 = vector.multi_reduction <add>, %get3A_11, %reduce_sum3A [1] : vector<1000x32xf32> to vector<1000xf32>
    %max3A = arith.constant 1.000000e+00 : f32
    %max3A_13 = vector.broadcast %max3A : f32 to vector<1000xf32>
    %max3A_14 = arith.maximumf %reduce_sum3A_12, %max3A_13 : vector<1000xf32>
    %broadcast_in_dim3A = vector.shape_cast %max3A_14 : vector<1000xf32> to vector<1000x1xf32>
    %div3A = vector.broadcast %broadcast_in_dim3A : vector<1000x1xf32> to vector<1000x128xf32>
    %div3A_15 = arith.divf %add3A, %div3A : vector<1000x128xf32>
    %get3A_16 = arith.constant 0 : index
    %get3A_17 = arith.constant 0 : index
    %get3A_18 = vector.load %arg4[%get3A_16, %get3A_17] : memref<128x256xf32, #tpu.memory_space<vmem>>, vector<128x256xf32>
    %dot_general3A = arith.constant dense<0.000000e+00> : vector<1000x256xf32>
    %dot_general3A_19 = tpu.matmul %div3A_15, %get3A_18, %dot_general3A {dimension_numbers = #tpu.dot_dimension_numbers<[1], [0], [0], [1], [0, 0, 1, 1], [], []>, transpose_lhs_hint = false} : vector<1000x128xf32>, vector<128x256xf32>, vector<1000x256xf32> -> vector<1000x256xf32>
    %get3A_20 = arith.constant 0 : index
    %get3A_21 = arith.constant 0 : index
    %get3A_22 = vector.load %arg3[%get3A_20, %get3A_21] : memref<1000x128xf32, #tpu.memory_space<vmem>>, vector<1000x128xf32>
    %get3A_23 = arith.constant 0 : index
    %get3A_24 = arith.constant 0 : index
    %get3A_25 = vector.load %arg5[%get3A_23, %get3A_24] : memref<128x256xf32, #tpu.memory_space<vmem>>, vector<128x256xf32>
    %dot_general3A_26 = arith.constant dense<0.000000e+00> : vector<1000x256xf32>
    %dot_general3A_27 = tpu.matmul %get3A_22, %get3A_25, %dot_general3A_26 {dimension_numbers = #tpu.dot_dimension_numbers<[1], [0], [0], [1], [0, 0, 1, 1], [], []>, transpose_lhs_hint = false} : vector<1000x128xf32>, vector<128x256xf32>, vector<1000x256xf32> -> vector<1000x256xf32>
    %add3A_28 = arith.addf %dot_general3A_19, %dot_general3A_27 : vector<1000x256xf32>
    %get3A_29 = arith.constant 0 : index
    %get3A_30 = arith.constant 0 : index
    %get3A_31 = vector.load %arg6[%get3A_29, %get3A_30] : memref<1x256xf32, #tpu.memory_space<vmem>>, vector<1x256xf32>
    %add3A_32 = vector.broadcast %get3A_31 : vector<1x256xf32> to vector<1000x256xf32>
    %add3A_33 = arith.addf %add3A_28, %add3A_32 : vector<1000x256xf32>
    %max3A_34 = arith.constant 0.000000e+00 : f32
    %max3A_35 = vector.broadcast %max3A_34 : f32 to vector<1000x256xf32>
    %max3A_36 = arith.maximumf %add3A_33, %max3A_35 : vector<1000x256xf32>
    %swap3A = arith.constant 0 : index
    %swap3A_37 = arith.constant 0 : index
    %swap3A_38 = vector.load %arg7[%swap3A, %swap3A_37] : memref<1000x256xf32, #tpu.memory_space<vmem>>, vector<1000x256xf32>
    tpu.vector_store %arg7[%swap3A, %swap3A_37], %max3A_36 {strides = array<i32>} : memref<1000x256xf32, #tpu.memory_space<vmem>>, vector<1000x256xf32>,
    %swap3A_39 = arith.constant 0 : index
    %swap3A_40 = arith.constant 0 : index
    %swap3A_41 = vector.load %arg8[%swap3A_39, %swap3A_40] : memref<1000x1xf32, #tpu.memory_space<vmem>>, vector<1000x1xf32>
    tpu.vector_store %arg8[%swap3A_39, %swap3A_40], %broadcast_in_dim3A {strides = array<i32>} : memref<1000x1xf32, #tpu.memory_space<vmem>>, vector<1000x1xf32>,
    return
  }
  func.func @transform_0(%arg0: i32) -> (i32, i32, i32) {
    %c0_i32 = arith.constant 0 : i32
    %c0_i32_0 = arith.constant 0 : i32
    %c0_i32_1 = arith.constant 0 : i32
    return %c0_i32, %arg0, %c0_i32_0 : i32, i32, i32
  }
  func.func @transform_1(%arg0: i32) -> (i32, i32) {
    %c0_i32 = arith.constant 0 : i32
    %c0_i32_0 = arith.constant 0 : i32
    return %arg0, %c0_i32 : i32, i32
  }
  func.func @transform_2(%arg0: i32) -> (i32, i32) {
    %c0_i32 = arith.constant 0 : i32
    %c0_i32_0 = arith.constant 0 : i32
    return %arg0, %c0_i32 : i32, i32
  }
  func.func @transform_3(%arg0: i32) -> (i32, i32) {
    %c0_i32 = arith.constant 0 : i32
    %c0_i32_0 = arith.constant 0 : i32
    %c0_i32_1 = arith.constant 0 : i32
    return %c0_i32, %c0_i32_0 : i32, i32
  }
  func.func @transform_4(%arg0: i32) -> (i32, i32) {
    %c0_i32 = arith.constant 0 : i32
    %c0_i32_0 = arith.constant 0 : i32
    %c0_i32_1 = arith.constant 0 : i32
    return %c0_i32, %c0_i32_0 : i32, i32
  }
  func.func @transform_5(%arg0: i32) -> (i32, i32) {
    %c0_i32 = arith.constant 0 : i32
    %c0_i32_0 = arith.constant 0 : i32
    %c0_i32_1 = arith.constant 0 : i32
    return %c0_i32, %c0_i32_0 : i32, i32
  }
  func.func @transform_6(%arg0: i32) -> (i32, i32) {
    %c0_i32 = arith.constant 0 : i32
    %c0_i32_0 = arith.constant 0 : i32
    return %arg0, %c0_i32 : i32, i32
  }
  func.func @transform_7(%arg0: i32) -> (i32, i32) {
    %c0_i32 = arith.constant 0 : i32
    %c0_i32_0 = arith.constant 0 : i32
    return %arg0, %c0_i32 : i32, i32
  }
}

module attributes {stable_mosaic.version = 14 : i64} {
  func.func @_dense2_body(%arg0: i32, %arg1: memref<2x1000x128xf32, #tpu.memory_space<vmem>>, %arg2: memref<2x1000x128xf32, #tpu.memory_space<vmem>>, %arg3: memref<1000x1xf32, #tpu.memory_space<vmem>>, %arg4: memref<1000x256xf32, #tpu.memory_space<vmem>>, %arg5: memref<256x256xf32, #tpu.memory_space<vmem>>, %arg6: memref<256x256xf32, #tpu.memory_space<vmem>>, %arg7: memref<1x256xf32, #tpu.memory_space<vmem>>, %arg8: memref<256x128xf32, #tpu.memory_space<vmem>>, %arg9: memref<1x128xf32, #tpu.memory_space<vmem>>, %arg10: memref<128x1xf32, #tpu.memory_space<vmem>>, %arg11: memref<1x1xf32, #tpu.memory_space<vmem>>, %arg12: memref<1000x1xf32, #tpu.memory_space<vmem>>) attributes {dimension_semantics = [#tpu.dimension_semantics<arbitrary>], iteration_bounds = array<i64: 10>, scalar_prefetch = 0 : i64, scratch_operands = 0 : i64, tpu.core_type = #tpu.core_type<tc>, window_params = [{transform_indices = @transform_0, window_bounds = array<i64: 2, 1000, 128>}, {transform_indices = @transform_1, window_bounds = array<i64: 2, 1000, 128>}, {transform_indices = @transform_2, window_bounds = array<i64: 1000, 1>}, {transform_indices = @transform_3, window_bounds = array<i64: 1000, 256>}, {pipeline_mode = #tpu.pipeline_mode<synchronous>, transform_indices = @transform_4, window_bounds = array<i64: 256, 256>}, {pipeline_mode = #tpu.pipeline_mode<synchronous>, transform_indices = @transform_5, window_bounds = array<i64: 256, 256>}, {pipeline_mode = #tpu.pipeline_mode<synchronous>, transform_indices = @transform_6, window_bounds = array<i64: 1, 256>}, {pipeline_mode = #tpu.pipeline_mode<synchronous>, transform_indices = @transform_7, window_bounds = array<i64: 256, 128>}, {pipeline_mode = #tpu.pipeline_mode<synchronous>, transform_indices = @transform_8, window_bounds = array<i64: 1, 128>}, {pipeline_mode = #tpu.pipeline_mode<synchronous>, transform_indices = @transform_9, window_bounds = array<i64: 128, 1>}, {pipeline_mode = #tpu.pipeline_mode<synchronous>, transform_indices = @transform_10, window_bounds = array<i64: 1, 1>}, {transform_indices = @transform_11, window_bounds = array<i64: 1000, 1>}]} {
    %get3A = arith.constant 0 : index
    %get3A_0 = arith.constant 0 : index
    %get3A_1 = arith.constant 0 : index
    %get3A_2 = vector.load %arg1[%get3A, %get3A_0, %get3A_1] : memref<2x1000x128xf32, #tpu.memory_space<vmem>>, vector<1x1000x128xf32>
    %get3A_3 = vector.shape_cast %get3A_2 : vector<1x1000x128xf32> to vector<1000x128xf32>
    %get3A_4 = arith.constant 1 : index
    %get3A_5 = arith.constant 0 : index
    %get3A_6 = arith.constant 0 : index
    %get3A_7 = vector.load %arg1[%get3A_4, %get3A_5, %get3A_6] : memref<2x1000x128xf32, #tpu.memory_space<vmem>>, vector<1x1000x128xf32>
    %get3A_8 = vector.shape_cast %get3A_7 : vector<1x1000x128xf32> to vector<1000x128xf32>
    %add3A = arith.addf %get3A_3, %get3A_8 : vector<1000x128xf32>
    %get3A_9 = arith.constant 0 : index
    %get3A_10 = arith.constant 0 : index
    %get3A_11 = arith.constant 0 : index
    %get3A_12 = vector.load %arg2[%get3A_9, %get3A_10, %get3A_11] : memref<2x1000x128xf32, #tpu.memory_space<vmem>>, vector<1x1000x128xf32>
    %get3A_13 = vector.shape_cast %get3A_12 : vector<1x1000x128xf32> to vector<1000x128xf32>
    %get3A_14 = arith.constant 1 : index
    %get3A_15 = arith.constant 0 : index
    %get3A_16 = arith.constant 0 : index
    %get3A_17 = vector.load %arg2[%get3A_14, %get3A_15, %get3A_16] : memref<2x1000x128xf32, #tpu.memory_space<vmem>>, vector<1x1000x128xf32>
    %get3A_18 = vector.shape_cast %get3A_17 : vector<1x1000x128xf32> to vector<1000x128xf32>
    %add3A_19 = arith.addf %get3A_13, %get3A_18 : vector<1000x128xf32>
    %concatenate3A = tpu.concatenate %add3A, %add3A_19 in 1 : vector<1000x128xf32>, vector<1000x128xf32> -> vector<1000x256xf32>
    %get3A_20 = arith.constant 0 : index
    %get3A_21 = arith.constant 0 : index
    %get3A_22 = vector.load %arg3[%get3A_20, %get3A_21] : memref<1000x1xf32, #tpu.memory_space<vmem>>, vector<1000x1xf32>
    %div3A = vector.broadcast %get3A_22 : vector<1000x1xf32> to vector<1000x256xf32>
    %div3A_23 = arith.divf %concatenate3A, %div3A : vector<1000x256xf32>
    %get3A_24 = arith.constant 0 : index
    %get3A_25 = arith.constant 0 : index
    %get3A_26 = vector.load %arg5[%get3A_24, %get3A_25] : memref<256x256xf32, #tpu.memory_space<vmem>>, vector<256x256xf32>
    %dot_general3A = arith.constant dense<0.000000e+00> : vector<1000x256xf32>
    %dot_general3A_27 = tpu.matmul %div3A_23, %get3A_26, %dot_general3A {dimension_numbers = #tpu.dot_dimension_numbers<[1], [0], [0], [1], [0, 0, 1, 1], [], []>, transpose_lhs_hint = false} : vector<1000x256xf32>, vector<256x256xf32>, vector<1000x256xf32> -> vector<1000x256xf32>
    %get3A_28 = arith.constant 0 : index
    %get3A_29 = arith.constant 0 : index
    %get3A_30 = vector.load %arg4[%get3A_28, %get3A_29] : memref<1000x256xf32, #tpu.memory_space<vmem>>, vector<1000x256xf32>
    %get3A_31 = arith.constant 0 : index
    %get3A_32 = arith.constant 0 : index
    %get3A_33 = vector.load %arg6[%get3A_31, %get3A_32] : memref<256x256xf32, #tpu.memory_space<vmem>>, vector<256x256xf32>
    %dot_general3A_34 = arith.constant dense<0.000000e+00> : vector<1000x256xf32>
    %dot_general3A_35 = tpu.matmul %get3A_30, %get3A_33, %dot_general3A_34 {dimension_numbers = #tpu.dot_dimension_numbers<[1], [0], [0], [1], [0, 0, 1, 1], [], []>, transpose_lhs_hint = false} : vector<1000x256xf32>, vector<256x256xf32>, vector<1000x256xf32> -> vector<1000x256xf32>
    %add3A_36 = arith.addf %dot_general3A_27, %dot_general3A_35 : vector<1000x256xf32>
    %get3A_37 = arith.constant 0 : index
    %get3A_38 = arith.constant 0 : index
    %get3A_39 = vector.load %arg7[%get3A_37, %get3A_38] : memref<1x256xf32, #tpu.memory_space<vmem>>, vector<1x256xf32>
    %add3A_40 = vector.broadcast %get3A_39 : vector<1x256xf32> to vector<1000x256xf32>
    %add3A_41 = arith.addf %add3A_36, %add3A_40 : vector<1000x256xf32>
    %max3A = arith.constant 0.000000e+00 : f32
    %max3A_42 = vector.broadcast %max3A : f32 to vector<1000x256xf32>
    %max3A_43 = arith.maximumf %add3A_41, %max3A_42 : vector<1000x256xf32>
    %get3A_44 = arith.constant 0 : index
    %get3A_45 = arith.constant 0 : index
    %get3A_46 = vector.load %arg8[%get3A_44, %get3A_45] : memref<256x128xf32, #tpu.memory_space<vmem>>, vector<256x128xf32>
    %dot_general3A_47 = arith.constant dense<0.000000e+00> : vector<1000x128xf32>
    %dot_general3A_48 = tpu.matmul %max3A_43, %get3A_46, %dot_general3A_47 {dimension_numbers = #tpu.dot_dimension_numbers<[1], [0], [0], [1], [0, 0, 1, 1], [], []>, transpose_lhs_hint = false} : vector<1000x256xf32>, vector<256x128xf32>, vector<1000x128xf32> -> vector<1000x128xf32>
    %get3A_49 = arith.constant 0 : index
    %get3A_50 = arith.constant 0 : index
    %get3A_51 = vector.load %arg9[%get3A_49, %get3A_50] : memref<1x128xf32, #tpu.memory_space<vmem>>, vector<1x128xf32>
    %add3A_52 = vector.broadcast %get3A_51 : vector<1x128xf32> to vector<1000x128xf32>
    %add3A_53 = arith.addf %dot_general3A_48, %add3A_52 : vector<1000x128xf32>
    %max3A_54 = arith.constant 0.000000e+00 : f32
    %max3A_55 = vector.broadcast %max3A_54 : f32 to vector<1000x128xf32>
    %max3A_56 = arith.maximumf %add3A_53, %max3A_55 : vector<1000x128xf32>
    %get3A_57 = arith.constant 0 : index
    %get3A_58 = arith.constant 0 : index
    %get3A_59 = vector.load %arg10[%get3A_57, %get3A_58] : memref<128x1xf32, #tpu.memory_space<vmem>>, vector<128x1xf32>
    %dot_general3A_60 = arith.constant dense<0.000000e+00> : vector<1000x1xf32>
    %dot_general3A_61 = tpu.matmul %max3A_56, %get3A_59, %dot_general3A_60 {dimension_numbers = #tpu.dot_dimension_numbers<[1], [0], [0], [1], [0, 0, 1, 1], [], []>, transpose_lhs_hint = false} : vector<1000x128xf32>, vector<128x1xf32>, vector<1000x1xf32> -> vector<1000x1xf32>
    %get3A_62 = arith.constant 0 : index
    %get3A_63 = arith.constant 0 : index
    %get3A_64 = vector.load %arg11[%get3A_62, %get3A_63] : memref<1x1xf32, #tpu.memory_space<vmem>>, vector<1x1xf32>
    %add3A_65 = vector.broadcast %get3A_64 : vector<1x1xf32> to vector<1000x1xf32>
    %add3A_66 = arith.addf %dot_general3A_61, %add3A_65 : vector<1000x1xf32>
    %logistic3A = arith.negf %add3A_66 : vector<1000x1xf32>
    %logistic3A_67 = math.exp %logistic3A : vector<1000x1xf32>
    %logistic3A_68 = arith.constant 1.000000e+00 : f32
    %logistic3A_69 = vector.broadcast %logistic3A_68 : f32 to vector<1000x1xf32>
    %logistic3A_70 = arith.addf %logistic3A_69, %logistic3A_67 : vector<1000x1xf32>
    %logistic3A_71 = arith.divf %logistic3A_69, %logistic3A_70 : vector<1000x1xf32>
    %swap3A = arith.constant 0 : index
    %swap3A_72 = arith.constant 0 : index
    %swap3A_73 = vector.load %arg12[%swap3A, %swap3A_72] : memref<1000x1xf32, #tpu.memory_space<vmem>>, vector<1000x1xf32>
    tpu.vector_store %arg12[%swap3A, %swap3A_72], %logistic3A_71 {strides = array<i32>} : memref<1000x1xf32, #tpu.memory_space<vmem>>, vector<1000x1xf32>,
    return
  }
  func.func @transform_0(%arg0: i32) -> (i32, i32, i32) {
    %c0_i32 = arith.constant 0 : i32
    %c0_i32_0 = arith.constant 0 : i32
    %c0_i32_1 = arith.constant 0 : i32
    return %c0_i32, %arg0, %c0_i32_0 : i32, i32, i32
  }
  func.func @transform_1(%arg0: i32) -> (i32, i32, i32) {
    %c0_i32 = arith.constant 0 : i32
    %c0_i32_0 = arith.constant 0 : i32
    %c0_i32_1 = arith.constant 0 : i32
    return %c0_i32, %arg0, %c0_i32_0 : i32, i32, i32
  }
  func.func @transform_2(%arg0: i32) -> (i32, i32) {
    %c0_i32 = arith.constant 0 : i32
    %c0_i32_0 = arith.constant 0 : i32
    return %arg0, %c0_i32 : i32, i32
  }
  func.func @transform_3(%arg0: i32) -> (i32, i32) {
    %c0_i32 = arith.constant 0 : i32
    %c0_i32_0 = arith.constant 0 : i32
    return %arg0, %c0_i32 : i32, i32
  }
  func.func @transform_4(%arg0: i32) -> (i32, i32) {
    %c0_i32 = arith.constant 0 : i32
    %c0_i32_0 = arith.constant 0 : i32
    %c0_i32_1 = arith.constant 0 : i32
    return %c0_i32, %c0_i32_0 : i32, i32
  }
  func.func @transform_5(%arg0: i32) -> (i32, i32) {
    %c0_i32 = arith.constant 0 : i32
    %c0_i32_0 = arith.constant 0 : i32
    %c0_i32_1 = arith.constant 0 : i32
    return %c0_i32, %c0_i32_0 : i32, i32
  }
  func.func @transform_6(%arg0: i32) -> (i32, i32) {
    %c0_i32 = arith.constant 0 : i32
    %c0_i32_0 = arith.constant 0 : i32
    %c0_i32_1 = arith.constant 0 : i32
    return %c0_i32, %c0_i32_0 : i32, i32
  }
  func.func @transform_7(%arg0: i32) -> (i32, i32) {
    %c0_i32 = arith.constant 0 : i32
    %c0_i32_0 = arith.constant 0 : i32
    %c0_i32_1 = arith.constant 0 : i32
    return %c0_i32, %c0_i32_0 : i32, i32
  }
  func.func @transform_8(%arg0: i32) -> (i32, i32) {
    %c0_i32 = arith.constant 0 : i32
    %c0_i32_0 = arith.constant 0 : i32
    %c0_i32_1 = arith.constant 0 : i32
    return %c0_i32, %c0_i32_0 : i32, i32
  }
  func.func @transform_9(%arg0: i32) -> (i32, i32) {
    %c0_i32 = arith.constant 0 : i32
    %c0_i32_0 = arith.constant 0 : i32
    %c0_i32_1 = arith.constant 0 : i32
    return %c0_i32, %c0_i32_0 : i32, i32
  }
  func.func @transform_10(%arg0: i32) -> (i32, i32) {
    %c0_i32 = arith.constant 0 : i32
    %c0_i32_0 = arith.constant 0 : i32
    %c0_i32_1 = arith.constant 0 : i32
    return %c0_i32, %c0_i32_0 : i32, i32
  }
  func.func @transform_11(%arg0: i32) -> (i32, i32) {
    %c0_i32 = arith.constant 0 : i32
    %c0_i32_0 = arith.constant 0 : i32
    return %arg0, %c0_i32 : i32, i32
  }
}

</mosaic_0001>

<sc_bundles>
// kernel: kernel.11.cloned.1.call-start
scs
__scs_entry_jumppad:
0x0: {  	(pc) =	sbr.rel $0x88, $3  }
0x1: {  	(tag) =	ssettag $0x0;
	lr =	simm.s32 $0x1  }
0x2: {  	[smem:$0x3F93] =	sst lr;
	_ =	strace $0xD0000000  }
0x3: {  	_ = 	snop  }
0x4: {  	_ = 	snop  }
0x5: {  	_ = 	snop  }
0x6: {  	_ = 	snop  }
0x7: {  	_ = 	snop  }
__scs_overlays_trampoline_lowered:
0x8: {  	[smem:$0x3FA2] =	sst s0  }
0x9: {  	[smem:$0x3FA3] =	sst s1  }
0xa: {  	[smem:$0x3FA4] =	sst s2  }
0xb: {  	[smem:$0x3FA5] =	sst s3  }
0xc: {  	[smem:$0x3FA6] =	sst s4  }
0xd: {  	[smem:$0x3FA7] =	sst s5  }
0xe: {  	[smem:$0x3FA8] =	sst s6  }
0xf: {  	[smem:$0x3FA9] =	sst s7  }
0x10: {  	[smem:$0x3FAA] =	sst s8  }
0x11: {  	[smem:$0x3FAB] =	sst s9;
	s0 =	simm.s32 @!p0 $0x0  }
0x12: {  	s1 =	sld [smem:$0x3F91];
	s0 =	simm.s32 @p0 $0x1  }
0x13: {  	[smem:$0x3FAC] =	sst s0;
	s0 =	simm.s32 @!p1 $0x0  }
0x14: {  	s2 =	sld [smem:$0x3F90];
	s0 =	simm.s32 @p1 $0x1  }
0x15: {  	[smem:$0x3FAD] =	sst s0;
	s0 =	simm.s32 @!p2 $0x0  }
0x16: {  	s3 =	sld [smem:$0x3FDB];
	s0 =	simm.s32 @p2 $0x1  }
0x17: {  	s4 =	simm.s32 $0x1BF5;
	[smem:$0x3FAF] =	sst s0  }
0x18: {  	s0 =	sld [smem:$0x3F92];
	_ =	swait.ge [sflag:s4], $0x0  }
0x19: {  	s7 =	sld [smem:$0x3F93]  }
0x1a: {  	s8 =	sadd.s32 $0xFFFFE003, lr  }
0x1b: {  	s9 =	sadd.s32 $0xFFFFFEF7, lr;
	s5 =	simm.s32 $0xFFFFFFFF;
	p2 =	slt.u32 s8, $0xFFFFF086  }
0x1c: {  	p1 =	slt.u32 s9, $0xF7A;
	s5 =	simm.s32 @!p2 $0x0  }
0x1d: {  	s5 =	simm.s32 @p1 $0x1;
	p0 =	seq.s32 s7, s2  }
0x1e: {  	s7 =	smul.u32 @!p0 $0xF7A, s2;
	p2 =	seq.s32 @!p0 s5, $0x0  }
0x1f: {  	s9 =	smul.u32 $0xF7A, s1;
	s8 =	simm.s32 @!p0 $0x1BF5;
	p2 =	por !p2, p0  }
0x20: {  	[sflag:s8] =	ssyncset.s32 @!p0 $0xFFFFF086;
	s6 =	sadd.s32 @!p0 s3, s7;
	s7 =	simm.s32 @!p0 $0x108  }
0x21: {  	s3 =	sadd.s32 s3, s9;
	s6 =	sadd.s32 @!p0 $0x88, s6;
	s7 =	simm.s32 @p2 $0x1082  }
0x22: {  	[simem:s7], [sflag:s8] =	dma.local @!p0 [hbm:s6], $0xF7A  }
0x23: {  	s9 =	sor.u32 $0xD0000000, s2;
	s6 =	simm.s32 $0x108;
	_ =	swait.ge @!p0 [sflag:s8], $0x0  }
0x24: {  	s3 =	sadd.s32 $0x88, s3;
	s6 =	simm.s32 @!p1 $0x1082;
	[sflag:s4] =	ssyncset.s32 $0xFFFFF086  }
0x25: {  	[simem:s6], [sflag:s4] =	dma.local [hbm:s3], $0xF7A  }
0x26: {  	[smem:$0x3F93] =	sst s1;
	(tag) =	ssettag s2;
	_ =	strace s9  }
0x27: {  	s1 =	sld [smem:$0x3FA3]  }
0x28: {  	s2 =	sld [smem:$0x3FA4]  }
0x29: {  	s4 =	sld [smem:$0x3FA6]  }
0x2a: {  	p0 =	seq.s32 s5, $0x0;
	s5 =	sld [smem:$0x3FA7]  }
0x2b: {  	s6 =	sld [smem:$0x3FA8]  }
0x2c: {  	s7 =	sld [smem:$0x3FA9]  }
0x2d: {  	s3 =	simm.s32 $0x108;
	s8 =	sld [smem:$0x3FAA]  }
0x2e: {  	s3 =	simm.s32 @!p0 $0x1082;
	s9 =	sld [smem:$0x3FAB]  }
0x2f: {  	lr =	sadd.s32 s0, s3;
	s0 =	sld [smem:$0x3FA2]  }
0x30: {  	s3 =	sld [smem:$0x3FA5]  }
0x31: {  	[smem:$0x3FAE] =	sst s10  }
0x32: {  	s10 =	sld [smem:$0x3FAC];
	_ =	sdelay $0x3  }
0x33: {  	p0 =	seq.s32 s10, $0x1;
	s10 =	sld [smem:$0x3FAE];
	_ =	sdelay $0x3  }
0x34: {  	[smem:$0x3FAE] =	sst s10  }
0x35: {  	s10 =	sld [smem:$0x3FAD];
	_ =	sdelay $0x3  }
0x36: {  	p1 =	seq.s32 s10, $0x1;
	s10 =	sld [smem:$0x3FAE];
	_ =	sdelay $0x3  }
0x37: {  	[smem:$0x3FAE] =	sst s10  }
0x38: {  	s10 =	sld [smem:$0x3FAF]  }
0x39: {  	_ = 	snop;
	(pc) =	sbr.ind lr, $3  }
0x3a: {  	_ = 	snop  }
0x3b: {  	_ = 	snop  }
0x3c: {  	p2 =	seq.s32 s10, $0x1;
	s10 =	sld [smem:$0x3FAE]  }
0x3d: {  	_ =	shalt  }
0x3e: {  	_ =	shalt  }
0x3f: {  	_ =	shalt  }
0x40: {  	_ =	shalt  }
0x41: {  	_ =	shalt  }
0x42: {  	_ =	shalt  }
0x43: {  	_ =	shalt  }
0x44: {  	_ =	shalt  }
0x45: {  	_ =	shalt  }
0x46: {  	_ =	shalt  }
0x47: {  	_ =	shalt  }
0x48: {  	_ =	shalt  }
0x49: {  	_ =	shalt  }
0x4a: {  	_ =	shalt  }
0x4b: {  	_ =	shalt  }
0x4c: {  	_ =	shalt  }
0x4d: {  	_ =	shalt  }
0x4e: {  	_ =	shalt  }
0x4f: {  	_ =	shalt  }
0x50: {  	_ =	shalt  }
0x51: {  	_ =	shalt  }
0x52: {  	_ =	shalt  }
0x53: {  	_ =	shalt  }
0x54: {  	_ =	shalt  }
0x55: {  	_ =	shalt  }
0x56: {  	_ =	shalt  }
0x57: {  	_ =	shalt  }
0x58: {  	_ =	shalt  }
0x59: {  	_ =	shalt  }
0x5a: {  	_ =	shalt  }
0x5b: {  	_ =	shalt  }
0x5c: {  	_ =	shalt  }
0x5d: {  	_ =	shalt  }
0x5e: {  	_ =	shalt  }
0x5f: {  	_ =	shalt  }
0x60: {  	_ =	shalt  }
0x61: {  	_ =	shalt  }
0x62: {  	_ =	shalt  }
0x63: {  	_ =	shalt  }
0x64: {  	_ =	shalt  }
0x65: {  	_ =	shalt  }
0x66: {  	_ =	shalt  }
0x67: {  	_ =	shalt  }
0x68: {  	_ =	shalt  }
0x69: {  	_ =	shalt  }
0x6a: {  	_ =	shalt  }
0x6b: {  	_ =	shalt  }
0x6c: {  	_ =	shalt  }
0x6d: {  	_ =	shalt  }
0x6e: {  	_ =	shalt  }
0x6f: {  	_ =	shalt  }
0x70: {  	_ =	shalt  }
0x71: {  	_ =	shalt  }
0x72: {  	_ =	shalt  }
0x73: {  	_ =	shalt  }
0x74: {  	_ =	shalt  }
0x75: {  	_ =	shalt  }
0x76: {  	_ =	shalt  }
0x77: {  	_ =	shalt  }
0x78: {  	_ =	shalt  }
0x79: {  	_ =	shalt  }
0x7a: {  	_ =	shalt  }
0x7b: {  	_ =	shalt  }
0x7c: {  	_ =	shalt  }
0x7d: {  	_ =	shalt  }
0x7e: {  	_ =	shalt  }
0x7f: {  	_ =	shalt  }
0x80: {  	_ =	shalt  }
0x81: {  	_ =	shalt  }
0x82: {  	_ =	shalt  }
0x83: {  	_ =	shalt  }
0x84: {  	_ =	shalt  }
0x85: {  	_ =	shalt  }
0x86: {  	_ =	shalt  }
0x87: {  	_ =	shalt  }
.Lfunc_end0:
.L_simem_size_0:
called_computation.1_lowered:
.L_overlay_start_0:
0x88: {  	s2 =	sld [smem:$0x3FD9]  }
0x89: {  	s3 =	sld [smem:$0x3FFE];
	_ =	sdelay $0x1  }
0x8a: {  	s1 =	srdreg.scid  }
0x8b: {  	s0 =	sand.u32 $0x1, s1  }
0x8c: {  	s17 =	sshll.u32 s0, $0xA;
	s2 =	sadd.s32 s3, s2  }
0x8d: {  	s2 =	sadd.s32 s2, s17  }
0x8e: {  	[smem:$0x3FBA] =	sst s2  }
0x8f: {  	_ = 	snop  }
0x90: {  	s2 =	sld [smem:$0x3FC9];
	(tm) =	ssettm $0x1  }
0x91: {  	s18 =	sld [smem:$0x3FFB];
	_ =	sdelay $0x3  }
0x92: {  	_ =	strace s18  }
0x93: {  	s3 =	sld [smem:$0x3FFC];
	_ =	sdelay $0x3  }
0x94: {  	_ =	strace s3  }
0x95: {  	s3 =	sld [smem:$0x3FFD];
	_ =	sdelay $0x3  }
0x96: {  	_ =	strace s3  }
0x97: {  	_ =	strace $0x8FFFFFFF  }
0x98: {  	s19 =	sld [smem:$0x3FDB];
	_ =	sdelay $0x1  }
0x99: {  	s4 =	simm.s32 $_scs_section_size  }
0x9a: {  	s5 =	simm.s32 $_size__tile_overlayer_lowered;
	s6 =	simm.s32 $_tile_overlayer_lowered  }
0x9b: {  	s22 =	simm.s32 $0x1BFF;
	s21 =	sshll.u32 s6, $0x1;
	s3 =	sadd.s32 s4, s19  }
0x9c: {  	s7 =	simm.s32 $0x0;
	s20 =	sshll.u32 s5, $0x1;
	s5 =	sadd.s32 s21, s3  }
0x9d: {  	[timem:s7], [sflag:s22] =	dma.local [hbm:s5], s20  }
0x9e: {  	_ =	swait.ge [sflag:s22], s20  }
0x9f: {  	s4 =	ssub.s32 $0x0, s20;
	[sflag:s22] =	ssyncset.done $0x0  }
0xa0: {  	[sflag:s22] =	ssyncadd.s32 s4;
	_ =	sdelay $0x1  }
0xa1: {  	s23 =	simm.s32 $0x1B8B  }
0xa2: {  	_ =	swait.ge [sflag:s23], $0x1  }
0xa3: {  	[sflag:s23] =	ssyncset.done $0x0  }
0xa4: {  	s25 =	simm.s32 $0x1B8E;
	s24 =	sld [smem:$0x3FFE];
	[sflag:s23] =	ssyncadd.s32 $0xFFFFFFFF  }
0xa5: {  	s26 =	simm.s32 $execute0_lowered;
	[smem:$0x3FD2] =	sst s25  }
0xa6: {  	s5 =	sshll.u32 s26, $0x1;
	_ =	strace $0x80000046;
	[dreg:$0x1] =	wrdreg $0xFFFFFFFF  }
0xa7: {  	s28 =	simm.s32 $_size_execute0_lowered;
	s3 =	sadd.s32 s3, s5;
	[dreg:$0x0] =	wrdreg $0x0  }
0xa8: {  	s5 =	sshll.u32 s28, $0x1;
	[dreg:$0x2] =	wrdreg s3  }
0xa9: {  	[dreg:$0x3] =	wrdreg s5  }
0xaa: {  	[dreg:$0x4] =	wrdreg $0xC0  }
0xab: {  	_ =	task [dreg:s7], $0x5FFFF  }
0xac: {  	[dreg:$0x1] =	wrdreg $0xFFFFFFFF  }
0xad: {  	[dreg:$0x0] =	wrdreg $0x60  }
0xae: {  	[dreg:$0x2] =	wrdreg s2  }
0xaf: {  	[dreg:$0x3] =	wrdreg s24  }
0xb0: {  	[dreg:$0x4] =	wrdreg $0x41000  }
0xb1: {  	[dreg:$0x5] =	wrdreg $0xA  }
0xb2: {  	_ =	task.clear_ibuf [dreg:s7], $0x6FFFF;
	_ =	strace $0x90000046  }
0xb3: {  	s29 =	simm.s32 $0xA;
	_ =	strace $0x80000048  }
0xb4: {  	_ =	swait.ge [sflag:s29], $0x1  }
0xb5: {  	[sflag:s29] =	ssyncadd.s32 $0xFFFFFFFF  }
0xb6: {  	_ =	strace $0x90000048  }
0xb7: {  	_ =	sfence  }
0xb8: {  	s30 =	sld [smem:$0x0];
	_ =	sdelay $0x2  }
0xb9: {  	s31 =	sshll.u32 s1, $0xD;
	s1 =	sshrl.u32 s1, $0x2  }
0xba: {  	s3 =	sand.u32 $0x4000, s31;
	s1 =	sadd.s32 s1, s30  }
0xbb: {  	s0 =	sor.u32 s3, s0;
	s1 =	sshll.u32 s1, $0x11  }
0xbc: {  	s0 =	sor.u32 s1, s0  }
0xbd: {  	s0 =	sadd.s32 $0x8F2B, s0  }
0xbe: {  	[sflag:s0] =	ssyncadd.remote.s32 $0x1  }
0xbf: {  	_ =	sfence.sel $0xFFFF  }
0xc0: {  	[dreg:$0x0] =	wrdreg $0xFFFFFFFF;
	(pc) =	sbr.abs _section_cstart, $3  }
0xc1: {  	[dreg:$0x1] =	wrdreg $0xFFFFFFFF  }
0xc2: {  	_ =	task.clear_ibuf [dreg:s7], $0x2FFFF;
	_ =	strace $0x9FFFFFFF  }
0xc3: {  	(tm) =	ssettm $0x7FFFFFFF  }
tec
execute0_lowered:
.L_overlay_start_1:
0x0: {  	(tag) =	ssettag $0x1  }
0x1: {  	s2 =	rddreg [dreg:$0x0]  }
0x2: {  	s6 =	rddreg [dreg:$0x1]  }
0x3: {  	s3 =	rddreg [dreg:$0x2]  }
0x4: {  	s0 =	stileid.u32;
	s4 =	srdreg.scid  }
0x5: {  	s1 =	rddreg [dreg:$0x3];
	s5 =	smul.u32 $0x60, s0  }
0x6: {  	s22 =	simm.s32 $0x80;
	s23 =	simm.s32 $0x1;
	s7 =	smul.u32 $0x3E, s0  }
0x7: {  	s8 =	sand.u32 $0x1, s4;
	s4 =	simm.s32 $0x0;
	s11 =	smul.u32 $0x280, s0  }
0x8: {  	s10 =	smul.u32 $0x50000, s0;
	s16 =	sadd.s32 $0x16E00, s6;
	p0 =	seq.s32 s8, $0x0  }
0x9: {  	[smem:$0x7FF] =	sst s4;
	s24 =	ssub.s32 $0x2, s8;
	s20 =	smul.u32 $0x2800, s8  }
0xa: {  	s5 =	sadd.s32 $0x3E0, s5;
	_ =	strace $0x80000047;
	s9 =	sshrl.u32 s24, $0x1  }
0xb: {  	s12 =	sadd.s32 $0x80, s11;
	s25 =	sshrl.u32 s10, $0x2;
	s14 =	sadd.s32 $0x100, s11  }
0xc: {  	s15 =	sadd.s32 $0x180, s11;
	s18 =	sadd.s32 $0x200, s11;
	s5 =	smov.u32 @p0 s7  }
0xd: {  	s17 =	ssub.s32 s24, s9;
	s26 =	sshll.u32 s12, $0x7;
	s28 =	sshll.u32 s14, $0x7  }
0xe: {  	s29 =	sshll.u32 s15, $0x7;
	s30 =	sshll.u32 s18, $0x7;
	s13 =	sadd.s32 s11, s20  }
0xf: {  	s11 =	simm.s32 $0x3E;
	s21 =	sadd.s32 s20, s12;
	s14 =	sadd.s32 s20, s14  }
0x10: {  	s15 =	sadd.s32 s20, s15;
	s18 =	sadd.s32 s20, s18;
	s20 =	simm.s32 $0x100  }
0x11: {  	s24 =	simm.s32 $0x0;
	s5 =	sshll.u32 s5, $0x4;
	s7 =	sadd.s32 s26, s3  }
0x12: {  	s8 =	sadd.s32 s28, s3;
	s9 =	sadd.s32 s29, s3;
	s10 =	sadd.s32 s30, s3  }
0x13: {  	s13 =	sshll.u32 s13, $0x4;
	s11 =	simm.s32 @!p0 $0x60;
	s31 =	sshll.u32 s21, $0x4  }
0x14: {  	s14 =	sshll.u32 s14, $0x4;
	s15 =	sshll.u32 s15, $0x4;
	s18 =	sshll.u32 s18, $0x4  }
0x15: {  	s17 =	smax.u32 s17, $0x1;
	s21 =	simm.s32 $0x2;
	s19 =	sadd.s32 s5, s6  }
0x16: {  	s5 =	sadd.s32 $0x16600, s6;
	s6 =	sadd.s32 s25, s3;
	s12 =	sadd.s32 s16, s13  }
0x17: {  	s13 =	sadd.s32 s16, s31;
	s14 =	sadd.s32 s16, s14;
	s15 =	sadd.s32 s16, s15  }
0x18: {  	s16 =	sadd.s32 s16, s18;
	s18 =	sadd.s32 $0x2A00, s19;
	s19 =	sadd.s32 $0xC800, s19  }
.LBB2_1:
0x19: {  	[tilespmem:s20], [sflag:$0x2] =	stream.linear.gather [hbm4b:s5+s4], $0x4000, $0x38;
	[tilespmem:$0x18100] =	vst v63  }
0x1a: {  	_ =	swait.ge [sflag:s21], $0x4000  }
0x1b: {  	[sflag:s21] =	ssyncset.done $0x0  }
0x1c: {  	[sflag:s21] =	ssyncadd.s32 $0xFFFFC000  }
0x1d: {  	[spmem:s6] =	stream.linear.scatter [tilespmem:s20], [sflag:$0x2], $0x4000, $0x38;
	[tilespmem:$0x18100] =	vst v63  }
0x1e: {  	_ =	swait.ge [sflag:s21], $0x4000  }
0x1f: {  	[sflag:s21] =	ssyncset.done $0x0  }
0x20: {  	[sflag:s21] =	ssyncadd.s32 $0xFFFFC000  }
0x21: {  	[spmem:s7] =	stream.linear.scatter [tilespmem:s20], [sflag:$0x2], $0x4000, $0x38;
	[tilespmem:$0x18100] =	vst v63  }
0x22: {  	_ =	swait.ge [sflag:s21], $0x4000  }
0x23: {  	[sflag:s21] =	ssyncset.done $0x0  }
0x24: {  	[sflag:s21] =	ssyncadd.s32 $0xFFFFC000  }
0x25: {  	[spmem:s8] =	stream.linear.scatter [tilespmem:s20], [sflag:$0x2], $0x4000, $0x38;
	[tilespmem:$0x18100] =	vst v63  }
0x26: {  	_ =	swait.ge [sflag:s21], $0x4000  }
0x27: {  	[sflag:s21] =	ssyncset.done $0x0  }
0x28: {  	[sflag:s21] =	ssyncadd.s32 $0xFFFFC000  }
0x29: {  	[spmem:s9] =	stream.linear.scatter [tilespmem:s20], [sflag:$0x2], $0x4000, $0x38;
	[tilespmem:$0x18100] =	vst v63  }
0x2a: {  	_ =	swait.ge [sflag:s21], $0x4000  }
0x2b: {  	[sflag:s21] =	ssyncset.done $0x0  }
0x2c: {  	[sflag:s21] =	ssyncadd.s32 $0xFFFFC000  }
0x2d: {  	[spmem:s10] =	stream.linear.scatter [tilespmem:s20], [sflag:$0x2], $0x4000, $0x38;
	[tilespmem:$0x18100] =	vst v63  }
0x2e: {  	_ =	swait.ge [sflag:s21], $0x4000  }
0x2f: {  	[sflag:s21] =	ssyncset.done $0x0  }
0x30: {  	[sflag:s21] =	ssyncadd.s32 $0xFFFFC000  }
0x31: {  	[bflag:$0x0] =	sbarrier.arrive $0xFFFF  }
0x32: {  	[tilespmem:s4], [sflag:$0x2] =	stream.linear.gather [hbm4b:s19+s4], $0x80, $0x38;
	[tilespmem:$0x18100] =	vst v63  }
0x33: {  	_ =	swait.ge [sflag:s21], $0x80  }
0x34: {  	[sflag:s21] =	ssyncset.done $0x0  }
0x35: {  	[sflag:s21] =	ssyncadd.s32 $0xFFFFFF80  }
0x36: {  	[tilespmem:s22], [sflag:$0x2] =	stream.linear.gather [hbm4b:s18+s4], $0x80, $0x38;
	[tilespmem:$0x18100] =	vst v63  }
0x37: {  	_ =	swait.ge [sflag:s21], $0x80  }
0x38: {  	[sflag:s21] =	ssyncset.done $0x0  }
0x39: {  	[sflag:s21] =	ssyncadd.s32 $0xFFFFFF80  }
0x3a: {  	[tilespmem:s20], [sflag:$0x1] =	stream.indirect.gather [hbm4b:s2+s22], $0x80, s4, s22, $0xb8;
	[tilespmem:$0x18100] =	vst v63  }
0x3b: {  	p0 =	sne.s32 s11, $0x1;
	_ =	swait.ge [sflag:s23], $0x4000  }
.Ltmp0:
0x3c: {  	[sflag:s23] =	ssyncset.done $0x0;
	(pc) =	sbr.rel @!p0 .LBB2_3-.Ltmp0, $4  }
0x3d: {  	[sflag:s23] =	ssyncadd.s32 $0xFFFFC000  }
0x3e: {  	[spmem:s3] =	stream.indirect.scatter.add.f32 [tilespmem:s20], [sflag:$0x2], $0x80, s22, s22, $0xb8;
	[tilespmem:$0x18100] =	vst v63  }
0x3f: {  	s25 =	sadd.s32 $0xFFFFFFFF, s11;
	_ =	swait.ge [sflag:s21], $0x4000  }
0x40: {  	s26 =	smov.u32 s18;
	s28 =	smov.u32 s19;
	[sflag:s21] =	ssyncset.done $0x0  }
.LBB2_2:
0x41: {  	[sflag:s21] =	ssyncadd.s32 $0xFFFFC000;
	s26 =	sadd.s32 $0x10, s26;
	s28 =	sadd.s32 $0x10, s28  }
0x42: {  	[tilespmem:s4], [sflag:$0x2] =	stream.linear.gather [hbm4b:s28+s4], $0x80, $0x38;
	[tilespmem:$0x18100] =	vst v63  }
0x43: {  	p0 =	sne.s32 s25, $0x1;
	s25 =	sadd.s32 $0xFFFFFFFF, s25;
	_ =	swait.ge [sflag:s21], $0x80  }
0x44: {  	[sflag:s21] =	ssyncset.done $0x0  }
0x45: {  	[sflag:s21] =	ssyncadd.s32 $0xFFFFFF80  }
0x46: {  	[tilespmem:s22], [sflag:$0x2] =	stream.linear.gather [hbm4b:s26+s4], $0x80, $0x38;
	[tilespmem:$0x18100] =	vst v63  }
0x47: {  	_ =	swait.ge [sflag:s21], $0x80  }
0x48: {  	[sflag:s21] =	ssyncset.done $0x0  }
0x49: {  	[sflag:s21] =	ssyncadd.s32 $0xFFFFFF80  }
0x4a: {  	[tilespmem:s20], [sflag:$0x1] =	stream.indirect.gather [hbm4b:s2+s22], $0x80, s4, s22, $0xb8;
	[tilespmem:$0x18100] =	vst v63  }
0x4b: {  	_ =	swait.ge [sflag:s23], $0x4000  }
.Ltmp1:
0x4c: {  	[sflag:s23] =	ssyncset.done $0x0;
	(pc) =	sbr.rel @p0 .LBB2_2-.Ltmp1, $4  }
0x4d: {  	[sflag:s23] =	ssyncadd.s32 $0xFFFFC000  }
0x4e: {  	[spmem:s3] =	stream.indirect.scatter.add.f32 [tilespmem:s20], [sflag:$0x2], $0x80, s22, s22, $0xb8;
	[tilespmem:$0x18100] =	vst v63  }
0x4f: {  	_ =	swait.ge [sflag:s21], $0x4000  }
0x50: {  	[sflag:s21] =	ssyncset.done $0x0  }
.LBB2_3:
0x51: {  	[sflag:s21] =	ssyncadd.s32 $0xFFFFC000  }
0x52: {  	[bflag:$0x0] =	sbarrier.arrive $0xFFFF  }
0x53: {  	[tilespmem:s20], [sflag:$0x2] =	stream.linear.gather [spmem:s6], $0x4000, $0x38;
	[tilespmem:$0x18100] =	vst v63  }
0x54: {  	_ =	swait.ge [sflag:s21], $0x4000  }
0x55: {  	[sflag:s21] =	ssyncset.done $0x0  }
0x56: {  	[sflag:s21] =	ssyncadd.s32 $0xFFFFC000  }
0x57: {  	[hbm4b:s12+s4] =	stream.linear.scatter [tilespmem:s20], [sflag:$0x2], $0x4000, $0x38;
	[tilespmem:$0x18100] =	vst v63  }
0x58: {  	_ =	swait.ge [sflag:s21], $0x4000  }
0x59: {  	[sflag:s21] =	ssyncset.done $0x0  }
0x5a: {  	[sflag:s21] =	ssyncadd.s32 $0xFFFFC000  }
0x5b: {  	[tilespmem:s20], [sflag:$0x2] =	stream.linear.gather [spmem:s7], $0x4000, $0x38;
	[tilespmem:$0x18100] =	vst v63  }
0x5c: {  	_ =	swait.ge [sflag:s21], $0x4000  }
0x5d: {  	[sflag:s21] =	ssyncset.done $0x0  }
0x5e: {  	[sflag:s21] =	ssyncadd.s32 $0xFFFFC000  }
0x5f: {  	[hbm4b:s13+s4] =	stream.linear.scatter [tilespmem:s20], [sflag:$0x2], $0x4000, $0x38;
	[tilespmem:$0x18100] =	vst v63  }
0x60: {  	_ =	swait.ge [sflag:s21], $0x4000  }
0x61: {  	[sflag:s21] =	ssyncset.done $0x0  }
0x62: {  	[sflag:s21] =	ssyncadd.s32 $0xFFFFC000  }
0x63: {  	[tilespmem:s20], [sflag:$0x2] =	stream.linear.gather [spmem:s8], $0x4000, $0x38;
	[tilespmem:$0x18100] =	vst v63  }
0x64: {  	_ =	swait.ge [sflag:s21], $0x4000  }
0x65: {  	[sflag:s21] =	ssyncset.done $0x0  }
0x66: {  	[sflag:s21] =	ssyncadd.s32 $0xFFFFC000  }
0x67: {  	[hbm4b:s14+s4] =	stream.linear.scatter [tilespmem:s20], [sflag:$0x2], $0x4000, $0x38;
	[tilespmem:$0x18100] =	vst v63  }
0x68: {  	_ =	swait.ge [sflag:s21], $0x4000  }
0x69: {  	[sflag:s21] =	ssyncset.done $0x0  }
0x6a: {  	[sflag:s21] =	ssyncadd.s32 $0xFFFFC000  }
0x6b: {  	[tilespmem:s20], [sflag:$0x2] =	stream.linear.gather [spmem:s9], $0x4000, $0x38;
	[tilespmem:$0x18100] =	vst v63  }
0x6c: {  	_ =	swait.ge [sflag:s21], $0x4000  }
0x6d: {  	[sflag:s21] =	ssyncset.done $0x0  }
0x6e: {  	[sflag:s21] =	ssyncadd.s32 $0xFFFFC000  }
0x6f: {  	[hbm4b:s15+s4] =	stream.linear.scatter [tilespmem:s20], [sflag:$0x2], $0x4000, $0x38;
	[tilespmem:$0x18100] =	vst v63  }
0x70: {  	_ =	swait.ge [sflag:s21], $0x4000  }
0x71: {  	[sflag:s21] =	ssyncset.done $0x0  }
0x72: {  	[sflag:s21] =	ssyncadd.s32 $0xFFFFC000  }
0x73: {  	[tilespmem:s20], [sflag:$0x2] =	stream.linear.gather [spmem:s10], $0x4000, $0x38;
	[tilespmem:$0x18100] =	vst v63  }
0x74: {  	s24 =	sadd.s32 $0x1, s24;
	_ =	swait.ge [sflag:s21], $0x4000  }
0x75: {  	p0 =	sne.s32 s24, s17;
	[sflag:s21] =	ssyncset.done $0x0  }
.Ltmp2:
0x76: {  	[sflag:s21] =	ssyncadd.s32 $0xFFFFC000;
	(pc) =	sbr.rel @p0 .LBB2_1-.Ltmp2, $4  }
0x77: {  	[hbm4b:s16+s4] =	stream.linear.scatter [tilespmem:s20], [sflag:$0x2], $0x4000, $0x38;
	[tilespmem:$0x18100] =	vst v63  }
0x78: {  	_ =	swait.ge [sflag:s21], $0x4000  }
0x79: {  	[sflag:s21] =	ssyncset.done $0x0  }
0x7a: {  	[sflag:s21] =	ssyncadd.s32 $0xFFFFC000  }
0x7b: {  	_ =	sfence.sel $0x180000  }
0x7c: {  	[bflag:$0x0] =	sbarrier.arrive $0xFFFF  }
0x7d: {  	p0 =	sne.s32 s0, $0x0;
	_ =	strace $0x90000047  }
0x7e: {  	s0 =	sadd.s32 @!p0 $0x100000, s1;
	[bflag:$0x2] =	sbarrier.arrive $0xFFFF  }
0x7f: {  	[sflag:s0] =	ssyncadd.tile.s32 @!p0 $0x1;
	_ =	shalt  }
.Lfunc_end2:
_tile_overlayer_lowered:
.L_overlay_start_2:
0x80: {  	(tag) =	ssettag $0x2  }
0x81: {  	s0 =	rddreg [dreg:$0x0];
	s2 =	stileid.u32  }
0x82: {  	s1 =	rddreg [dreg:$0x1];
	p0 =	sne.s32 s2, $0x0  }
0x83: {  	s3 =	rddreg [dreg:$0x2];
	[bflag:$0x3] =	sbarrier.arrive $0xFFFF;
	s2 =	simm.s32 @!p0 $0x1C02  }
0x84: {  	[timem:s3], [sflag:s2] =	dma.local @!p0 [hbm:s0], s1  }
0x85: {  	s0 =	simm.s32 @!p0 $0x2  }
0x86: {  	_ =	swait.ge @!p0 [sflag:s0], s1  }
0x87: {  	s1 =	ssub.s32 @!p0 $0x0, s1;
	[sflag:s0] =	ssyncset.done @!p0 $0x0  }
0x88: {  	[sflag:s0] =	ssyncadd.s32 @!p0 s1  }
0x89: {  	[bflag:$0x3] =	sbarrier.arrive $0xFFFF  }
0x8a: {  	_ =	shalt  }

// kernel: kernel.14.cloned.1.call-start
scs
__scs_entry_jumppad:
0x0: {  	(pc) =	sbr.rel $0x88, $3  }
0x1: {  	(tag) =	ssettag $0x0;
	lr =	simm.s32 $0x1  }
0x2: {  	[smem:$0x3F93] =	sst lr;
	_ =	strace $0xD0000000  }
0x3: {  	_ = 	snop  }
0x4: {  	_ = 	snop  }
0x5: {  	_ = 	snop  }
0x6: {  	_ = 	snop  }
0x7: {  	_ = 	snop  }
__scs_overlays_trampoline_lowered:
0x8: {  	[smem:$0x3FA2] =	sst s0  }
0x9: {  	[smem:$0x3FA3] =	sst s1  }
0xa: {  	[smem:$0x3FA4] =	sst s2  }
0xb: {  	[smem:$0x3FA5] =	sst s3  }
0xc: {  	[smem:$0x3FA6] =	sst s4  }
0xd: {  	[smem:$0x3FA7] =	sst s5  }
0xe: {  	[smem:$0x3FA8] =	sst s6  }
0xf: {  	[smem:$0x3FA9] =	sst s7  }
0x10: {  	[smem:$0x3FAA] =	sst s8  }
0x11: {  	[smem:$0x3FAB] =	sst s9;
	s0 =	simm.s32 @!p0 $0x0  }
0x12: {  	s1 =	sld [smem:$0x3F91];
	s0 =	simm.s32 @p0 $0x1  }
0x13: {  	[smem:$0x3FAC] =	sst s0;
	s0 =	simm.s32 @!p1 $0x0  }
0x14: {  	s2 =	sld [smem:$0x3F90];
	s0 =	simm.s32 @p1 $0x1  }
0x15: {  	[smem:$0x3FAD] =	sst s0;
	s0 =	simm.s32 @!p2 $0x0  }
0x16: {  	s3 =	sld [smem:$0x3FDB];
	s0 =	simm.s32 @p2 $0x1  }
0x17: {  	s4 =	simm.s32 $0x1BF5;
	[smem:$0x3FAF] =	sst s0  }
0x18: {  	s0 =	sld [smem:$0x3F92];
	_ =	swait.ge [sflag:s4], $0x0  }
0x19: {  	s7 =	sld [smem:$0x3F93]  }
0x1a: {  	s8 =	sadd.s32 $0xFFFFE003, lr  }
0x1b: {  	s9 =	sadd.s32 $0xFFFFFEF7, lr;
	s5 =	simm.s32 $0xFFFFFFFF;
	p2 =	slt.u32 s8, $0xFFFFF086  }
0x1c: {  	p1 =	slt.u32 s9, $0xF7A;
	s5 =	simm.s32 @!p2 $0x0  }
0x1d: {  	s5 =	simm.s32 @p1 $0x1;
	p0 =	seq.s32 s7, s2  }
0x1e: {  	s7 =	smul.u32 @!p0 $0xF7A, s2;
	p2 =	seq.s32 @!p0 s5, $0x0  }
0x1f: {  	s9 =	smul.u32 $0xF7A, s1;
	s8 =	simm.s32 @!p0 $0x1BF5;
	p2 =	por !p2, p0  }
0x20: {  	[sflag:s8] =	ssyncset.s32 @!p0 $0xFFFFF086;
	s6 =	sadd.s32 @!p0 s3, s7;
	s7 =	simm.s32 @!p0 $0x108  }
0x21: {  	s3 =	sadd.s32 s3, s9;
	s6 =	sadd.s32 @!p0 $0x88, s6;
	s7 =	simm.s32 @p2 $0x1082  }
0x22: {  	[simem:s7], [sflag:s8] =	dma.local @!p0 [hbm:s6], $0xF7A  }
0x23: {  	s9 =	sor.u32 $0xD0000000, s2;
	s6 =	simm.s32 $0x108;
	_ =	swait.ge @!p0 [sflag:s8], $0x0  }
0x24: {  	s3 =	sadd.s32 $0x88, s3;
	s6 =	simm.s32 @!p1 $0x1082;
	[sflag:s4] =	ssyncset.s32 $0xFFFFF086  }
0x25: {  	[simem:s6], [sflag:s4] =	dma.local [hbm:s3], $0xF7A  }
0x26: {  	[smem:$0x3F93] =	sst s1;
	(tag) =	ssettag s2;
	_ =	strace s9  }
0x27: {  	s1 =	sld [smem:$0x3FA3]  }
0x28: {  	s2 =	sld [smem:$0x3FA4]  }
0x29: {  	s4 =	sld [smem:$0x3FA6]  }
0x2a: {  	p0 =	seq.s32 s5, $0x0;
	s5 =	sld [smem:$0x3FA7]  }
0x2b: {  	s6 =	sld [smem:$0x3FA8]  }
0x2c: {  	s7 =	sld [smem:$0x3FA9]  }
0x2d: {  	s3 =	simm.s32 $0x108;
	s8 =	sld [smem:$0x3FAA]  }
0x2e: {  	s3 =	simm.s32 @!p0 $0x1082;
	s9 =	sld [smem:$0x3FAB]  }
0x2f: {  	lr =	sadd.s32 s0, s3;
	s0 =	sld [smem:$0x3FA2]  }
0x30: {  	s3 =	sld [smem:$0x3FA5]  }
0x31: {  	[smem:$0x3FAE] =	sst s10  }
0x32: {  	s10 =	sld [smem:$0x3FAC];
	_ =	sdelay $0x3  }
0x33: {  	p0 =	seq.s32 s10, $0x1;
	s10 =	sld [smem:$0x3FAE];
	_ =	sdelay $0x3  }
0x34: {  	[smem:$0x3FAE] =	sst s10  }
0x35: {  	s10 =	sld [smem:$0x3FAD];
	_ =	sdelay $0x3  }
0x36: {  	p1 =	seq.s32 s10, $0x1;
	s10 =	sld [smem:$0x3FAE];
	_ =	sdelay $0x3  }
0x37: {  	[smem:$0x3FAE] =	sst s10  }
0x38: {  	s10 =	sld [smem:$0x3FAF]  }
0x39: {  	_ = 	snop;
	(pc) =	sbr.ind lr, $3  }
0x3a: {  	_ = 	snop  }
0x3b: {  	_ = 	snop  }
0x3c: {  	p2 =	seq.s32 s10, $0x1;
	s10 =	sld [smem:$0x3FAE]  }
0x3d: {  	_ =	shalt  }
0x3e: {  	_ =	shalt  }
0x3f: {  	_ =	shalt  }
0x40: {  	_ =	shalt  }
0x41: {  	_ =	shalt  }
0x42: {  	_ =	shalt  }
0x43: {  	_ =	shalt  }
0x44: {  	_ =	shalt  }
0x45: {  	_ =	shalt  }
0x46: {  	_ =	shalt  }
0x47: {  	_ =	shalt  }
0x48: {  	_ =	shalt  }
0x49: {  	_ =	shalt  }
0x4a: {  	_ =	shalt  }
0x4b: {  	_ =	shalt  }
0x4c: {  	_ =	shalt  }
0x4d: {  	_ =	shalt  }
0x4e: {  	_ =	shalt  }
0x4f: {  	_ =	shalt  }
0x50: {  	_ =	shalt  }
0x51: {  	_ =	shalt  }
0x52: {  	_ =	shalt  }
0x53: {  	_ =	shalt  }
0x54: {  	_ =	shalt  }
0x55: {  	_ =	shalt  }
0x56: {  	_ =	shalt  }
0x57: {  	_ =	shalt  }
0x58: {  	_ =	shalt  }
0x59: {  	_ =	shalt  }
0x5a: {  	_ =	shalt  }
0x5b: {  	_ =	shalt  }
0x5c: {  	_ =	shalt  }
0x5d: {  	_ =	shalt  }
0x5e: {  	_ =	shalt  }
0x5f: {  	_ =	shalt  }
0x60: {  	_ =	shalt  }
0x61: {  	_ =	shalt  }
0x62: {  	_ =	shalt  }
0x63: {  	_ =	shalt  }
0x64: {  	_ =	shalt  }
0x65: {  	_ =	shalt  }
0x66: {  	_ =	shalt  }
0x67: {  	_ =	shalt  }
0x68: {  	_ =	shalt  }
0x69: {  	_ =	shalt  }
0x6a: {  	_ =	shalt  }
0x6b: {  	_ =	shalt  }
0x6c: {  	_ =	shalt  }
0x6d: {  	_ =	shalt  }
0x6e: {  	_ =	shalt  }
0x6f: {  	_ =	shalt  }
0x70: {  	_ =	shalt  }
0x71: {  	_ =	shalt  }
0x72: {  	_ =	shalt  }
0x73: {  	_ =	shalt  }
0x74: {  	_ =	shalt  }
0x75: {  	_ =	shalt  }
0x76: {  	_ =	shalt  }
0x77: {  	_ =	shalt  }
0x78: {  	_ =	shalt  }
0x79: {  	_ =	shalt  }
0x7a: {  	_ =	shalt  }
0x7b: {  	_ =	shalt  }
0x7c: {  	_ =	shalt  }
0x7d: {  	_ =	shalt  }
0x7e: {  	_ =	shalt  }
0x7f: {  	_ =	shalt  }
0x80: {  	_ =	shalt  }
0x81: {  	_ =	shalt  }
0x82: {  	_ =	shalt  }
0x83: {  	_ =	shalt  }
0x84: {  	_ =	shalt  }
0x85: {  	_ =	shalt  }
0x86: {  	_ =	shalt  }
0x87: {  	_ =	shalt  }
.Lfunc_end0:
.L_simem_size_0:
called_computation.2_lowered:
.L_overlay_start_0:
0x88: {  	s2 =	sld [smem:$0x3FD9]  }
0x89: {  	s3 =	sld [smem:$0x3FFE];
	_ =	sdelay $0x1  }
0x8a: {  	s1 =	srdreg.scid  }
0x8b: {  	s0 =	sand.u32 $0x1, s1  }
0x8c: {  	s17 =	sshll.u32 s0, $0xA;
	s2 =	sadd.s32 s3, s2  }
0x8d: {  	s2 =	sadd.s32 s2, s17  }
0x8e: {  	[smem:$0x3FBA] =	sst s2  }
0x8f: {  	_ = 	snop  }
0x90: {  	(tm) =	ssettm $0x1  }
0x91: {  	s18 =	sld [smem:$0x3FFB];
	_ =	sdelay $0x3  }
0x92: {  	_ =	strace s18  }
0x93: {  	s2 =	sld [smem:$0x3FFC];
	_ =	sdelay $0x3  }
0x94: {  	_ =	strace s2  }
0x95: {  	s2 =	sld [smem:$0x3FFD];
	_ =	sdelay $0x3  }
0x96: {  	_ =	strace s2  }
0x97: {  	_ =	strace $0x8FFFFFFF  }
0x98: {  	s19 =	sld [smem:$0x3FDB];
	_ =	sdelay $0x1  }
0x99: {  	s20 =	simm.s32 $_scs_section_size  }
0x9a: {  	s4 =	simm.s32 $_size__tile_overlayer_lowered;
	s5 =	simm.s32 $_tile_overlayer_lowered  }
0x9b: {  	s6 =	simm.s32 $0x1BFF;
	s21 =	sshll.u32 s5, $0x1;
	s3 =	sadd.s32 s20, s19  }
0x9c: {  	s22 =	simm.s32 $0x0;
	s4 =	sshll.u32 s4, $0x1;
	s5 =	sadd.s32 s21, s3  }
0x9d: {  	[timem:s22], [sflag:s6] =	dma.local [hbm:s5], s4  }
0x9e: {  	_ =	swait.ge [sflag:s6], s4  }
0x9f: {  	s4 =	ssub.s32 $0x0, s4;
	[sflag:s6] =	ssyncset.done $0x0  }
0xa0: {  	[sflag:s6] =	ssyncadd.s32 s4;
	_ =	sdelay $0x1  }
0xa1: {  	s23 =	simm.s32 $0x1B8B  }
0xa2: {  	_ =	swait.ge [sflag:s23], $0x1  }
0xa3: {  	[sflag:s23] =	ssyncset.done $0x0  }
0xa4: {  	[sflag:s23] =	ssyncadd.s32 $0xFFFFFFFF  }
0xa5: {  	s4 =	sld [smem:$0x0]  }
0xa6: {  	s5 =	sand.u32 $0xFFFFFFFE, s1  }
0xa7: {  	p0 =	sne.s32 s1, s5  }
0xa8: {  	s5 =	sshll.u32 @p0 s5, $0xE  }
0xa9: {  	s5 =	sadd.s32 @p0 $0x11B8D, s5;
	s6 =	sshll.u32 @p0 s4, $0x11  }
0xaa: {  	s5 =	sor.u32 @p0 s6, s5  }
0xab: {  	[sflag:s5] =	ssyncadd.remote.s32 @p0 $0x1;
	_ =	sdelay $0x1  }
0xac: {  	s5 =	simm.s32 @p0 $0x1B8D  }
0xad: {  	_ =	swait.eq @p0 [sflag:s5], $0x1  }
0xae: {  	[sflag:s5] =	ssyncadd.s32 @p0 $0xFFFFFFFF  }
0xaf: {  	s6 =	sshll.u32 @!p0 s1, $0xE  }
0xb0: {  	s6 =	sor.u32 @!p0 $0x4000, s6;
	s5 =	simm.s32 @!p0 $0x1B8D  }
0xb1: {  	s4 =	sshll.u32 @!p0 s4, $0x11;
	s6 =	sadd.s32 @!p0 $0x11B8D, s6;
	_ =	swait.eq @!p0 [sflag:s5], $0x1  }
0xb2: {  	s4 =	sor.u32 @!p0 s4, s6;
	[sflag:s5] =	ssyncadd.s32 @!p0 $0xFFFFFFFF  }
0xb3: {  	s25 =	simm.s32 $0x1B8E;
	s24 =	sld [smem:$0x3FFE];
	[sflag:s4] =	ssyncadd.remote.s32 @!p0 $0x1  }
0xb4: {  	s26 =	simm.s32 $execute0_lowered;
	[smem:$0x3FD2] =	sst s25  }
0xb5: {  	s5 =	sshll.u32 s26, $0x1;
	_ =	strace $0x8000004F;
	[dreg:$0x1] =	wrdreg $0xFFFFFFFF  }
0xb6: {  	s28 =	simm.s32 $_size_execute0_lowered;
	s3 =	sadd.s32 s3, s5;
	[dreg:$0x0] =	wrdreg $0x0  }
0xb7: {  	s5 =	sshll.u32 s28, $0x1;
	[dreg:$0x2] =	wrdreg s3  }
0xb8: {  	[dreg:$0x3] =	wrdreg s5  }
0xb9: {  	[dreg:$0x4] =	wrdreg $0xC0  }
0xba: {  	_ =	task [dreg:s22], $0x5FFFF  }
0xbb: {  	[dreg:$0x1] =	wrdreg $0xFFFFFFFF  }
0xbc: {  	[dreg:$0x0] =	wrdreg $0x60  }
0xbd: {  	[dreg:$0x2] =	wrdreg s24  }
0xbe: {  	[dreg:$0x3] =	wrdreg $0x41000  }
0xbf: {  	[dreg:$0x4] =	wrdreg $0x9  }
0xc0: {  	_ =	task.clear_ibuf [dreg:s22], $0x5FFFF;
	_ =	strace $0x9000004F  }
0xc1: {  	s29 =	simm.s32 $0x9;
	_ =	strace $0x80000051  }
0xc2: {  	_ =	swait.ge [sflag:s29], $0x1  }
0xc3: {  	[sflag:s29] =	ssyncadd.s32 $0xFFFFFFFF  }
0xc4: {  	_ =	strace $0x90000051  }
0xc5: {  	_ =	sfence  }
0xc6: {  	s30 =	sld [smem:$0x0];
	_ =	sdelay $0x2  }
0xc7: {  	s31 =	sshll.u32 s1, $0xD;
	s1 =	sshrl.u32 s1, $0x2  }
0xc8: {  	s4 =	sand.u32 $0x4000, s31;
	s1 =	sadd.s32 s1, s30  }
0xc9: {  	s0 =	sor.u32 s4, s0;
	s1 =	sshll.u32 s1, $0x11  }
0xca: {  	s0 =	sor.u32 s1, s0  }
0xcb: {  	s0 =	sadd.s32 $0x8F2B, s0  }
0xcc: {  	[sflag:s0] =	ssyncadd.remote.s32 $0x1  }
0xcd: {  	_ =	sfence.sel $0xFFFF  }
0xce: {  	[dreg:$0x0] =	wrdreg $0xFFFFFFFF;
	(pc) =	sbr.abs _section_cstart, $3  }
0xcf: {  	[dreg:$0x1] =	wrdreg $0xFFFFFFFF  }
0xd0: {  	_ =	task.clear_ibuf [dreg:s22], $0x2FFFF;
	_ =	strace $0x9FFFFFFF  }
0xd1: {  	(tm) =	ssettm $0x7FFFFFFF  }
tec
execute0_lowered:
.L_overlay_start_1:
0x0: {  	(tag) =	ssettag $0x1  }
0x1: {  	s6 =	rddreg [dreg:$0x0]  }
0x2: {  	s2 =	rddreg [dreg:$0x1];
	s0 =	stileid.u32  }
0x3: {  	s3 =	srdreg.scid;
	s4 =	smul.u32 $0x60, s0  }
0x4: {  	s1 =	rddreg [dreg:$0x2];
	s5 =	smul.u32 $0x3E, s0  }
0x5: {  	s22 =	simm.s32 $0x80;
	s23 =	simm.s32 $0x1;
	s11 =	smul.u32 $0x280, s0  }
0x6: {  	s8 =	sand.u32 $0x1, s3;
	s3 =	simm.s32 $0x0;
	s10 =	smul.u32 $0x50000, s0  }
0x7: {  	s16 =	sadd.s32 $0x103400, s6;
	p0 =	seq.s32 s8, $0x0;
	[smem:$0x7FF] =	sst s3  }
0x8: {  	s24 =	ssub.s32 $0x2, s8;
	s20 =	smul.u32 $0x2800, s8;
	s7 =	sadd.s32 $0x3E0, s4  }
0x9: {  	_ =	strace $0x80000050;
	s4 =	sadd.s32 $0x8C200, s6;
	s9 =	sshrl.u32 s24, $0x1  }
0xa: {  	s12 =	sadd.s32 $0x80, s11;
	s25 =	sshrl.u32 s10, $0x2;
	s14 =	sadd.s32 $0x100, s11  }
0xb: {  	s15 =	sadd.s32 $0x180, s11;
	s18 =	sadd.s32 $0x200, s11;
	s7 =	smov.u32 @p0 s5  }
0xc: {  	s17 =	ssub.s32 s24, s9;
	s26 =	sshll.u32 s12, $0x7;
	s28 =	sshll.u32 s14, $0x7  }
0xd: {  	s29 =	sshll.u32 s15, $0x7;
	s30 =	sshll.u32 s18, $0x7;
	s13 =	sadd.s32 s11, s20  }
0xe: {  	s11 =	simm.s32 $0x3E;
	s21 =	sadd.s32 s20, s12;
	s14 =	sadd.s32 s20, s14  }
0xf: {  	s15 =	sadd.s32 s20, s15;
	s18 =	sadd.s32 s20, s18;
	s20 =	simm.s32 $0x100  }
0x10: {  	s24 =	simm.s32 $0x0;
	s5 =	sshll.u32 s7, $0x4;
	s7 =	sadd.s32 s26, s2  }
0x11: {  	s8 =	sadd.s32 s28, s2;
	s9 =	sadd.s32 s29, s2;
	s10 =	sadd.s32 s30, s2  }
0x12: {  	s13 =	sshll.u32 s13, $0x4;
	s11 =	simm.s32 @!p0 $0x60;
	s31 =	sshll.u32 s21, $0x4  }
0x13: {  	s14 =	sshll.u32 s14, $0x4;
	s15 =	sshll.u32 s15, $0x4;
	s18 =	sshll.u32 s18, $0x4  }
0x14: {  	s17 =	smax.u32 s17, $0x1;
	s21 =	simm.s32 $0x2;
	s19 =	sadd.s32 s5, s6  }
0x15: {  	s5 =	sadd.s32 $0x16600, s6;
	s6 =	sadd.s32 s25, s2;
	s12 =	sadd.s32 s16, s13  }
0x16: {  	s13 =	sadd.s32 s16, s31;
	s14 =	sadd.s32 s16, s14;
	s15 =	sadd.s32 s16, s15  }
0x17: {  	s16 =	sadd.s32 s16, s18;
	s18 =	sadd.s32 $0x2A00, s19;
	s19 =	sadd.s32 $0xC800, s19  }
.LBB2_1:
0x18: {  	[tilespmem:s20], [sflag:$0x2] =	stream.linear.gather [hbm4b:s5+s3], $0x4000, $0x38;
	[tilespmem:$0x18100] =	vst v63  }
0x19: {  	_ =	swait.ge [sflag:s21], $0x4000  }
0x1a: {  	[sflag:s21] =	ssyncset.done $0x0  }
0x1b: {  	[sflag:s21] =	ssyncadd.s32 $0xFFFFC000  }
0x1c: {  	[spmem:s6] =	stream.linear.scatter [tilespmem:s20], [sflag:$0x2], $0x4000, $0x38;
	[tilespmem:$0x18100] =	vst v63  }
0x1d: {  	_ =	swait.ge [sflag:s21], $0x4000  }
0x1e: {  	[sflag:s21] =	ssyncset.done $0x0  }
0x1f: {  	[sflag:s21] =	ssyncadd.s32 $0xFFFFC000  }
0x20: {  	[spmem:s7] =	stream.linear.scatter [tilespmem:s20], [sflag:$0x2], $0x4000, $0x38;
	[tilespmem:$0x18100] =	vst v63  }
0x21: {  	_ =	swait.ge [sflag:s21], $0x4000  }
0x22: {  	[sflag:s21] =	ssyncset.done $0x0  }
0x23: {  	[sflag:s21] =	ssyncadd.s32 $0xFFFFC000  }
0x24: {  	[spmem:s8] =	stream.linear.scatter [tilespmem:s20], [sflag:$0x2], $0x4000, $0x38;
	[tilespmem:$0x18100] =	vst v63  }
0x25: {  	_ =	swait.ge [sflag:s21], $0x4000  }
0x26: {  	[sflag:s21] =	ssyncset.done $0x0  }
0x27: {  	[sflag:s21] =	ssyncadd.s32 $0xFFFFC000  }
0x28: {  	[spmem:s9] =	stream.linear.scatter [tilespmem:s20], [sflag:$0x2], $0x4000, $0x38;
	[tilespmem:$0x18100] =	vst v63  }
0x29: {  	_ =	swait.ge [sflag:s21], $0x4000  }
0x2a: {  	[sflag:s21] =	ssyncset.done $0x0  }
0x2b: {  	[sflag:s21] =	ssyncadd.s32 $0xFFFFC000  }
0x2c: {  	[spmem:s10] =	stream.linear.scatter [tilespmem:s20], [sflag:$0x2], $0x4000, $0x38;
	[tilespmem:$0x18100] =	vst v63  }
0x2d: {  	_ =	swait.ge [sflag:s21], $0x4000  }
0x2e: {  	[sflag:s21] =	ssyncset.done $0x0  }
0x2f: {  	[sflag:s21] =	ssyncadd.s32 $0xFFFFC000  }
0x30: {  	[bflag:$0x0] =	sbarrier.arrive $0xFFFF  }
0x31: {  	[tilespmem:s3], [sflag:$0x2] =	stream.linear.gather [hbm4b:s19+s3], $0x80, $0x38;
	[tilespmem:$0x18100] =	vst v63  }
0x32: {  	_ =	swait.ge [sflag:s21], $0x80  }
0x33: {  	[sflag:s21] =	ssyncset.done $0x0  }
0x34: {  	[sflag:s21] =	ssyncadd.s32 $0xFFFFFF80  }
0x35: {  	[tilespmem:s22], [sflag:$0x2] =	stream.linear.gather [hbm4b:s18+s3], $0x80, $0x38;
	[tilespmem:$0x18100] =	vst v63  }
0x36: {  	_ =	swait.ge [sflag:s21], $0x80  }
0x37: {  	[sflag:s21] =	ssyncset.done $0x0  }
0x38: {  	[sflag:s21] =	ssyncadd.s32 $0xFFFFFF80  }
0x39: {  	[tilespmem:s20], [sflag:$0x1] =	stream.indirect.gather [hbm4b:s4+s22], $0x80, s3, s22, $0xb8;
	[tilespmem:$0x18100] =	vst v63  }
0x3a: {  	p0 =	sne.s32 s11, $0x1;
	_ =	swait.ge [sflag:s23], $0x4000  }
.Ltmp0:
0x3b: {  	[sflag:s23] =	ssyncset.done $0x0;
	(pc) =	sbr.rel @!p0 .LBB2_3-.Ltmp0, $4  }
0x3c: {  	[sflag:s23] =	ssyncadd.s32 $0xFFFFC000  }
0x3d: {  	[spmem:s2] =	stream.indirect.scatter.add.f32 [tilespmem:s20], [sflag:$0x2], $0x80, s22, s22, $0xb8;
	[tilespmem:$0x18100] =	vst v63  }
0x3e: {  	s25 =	sadd.s32 $0xFFFFFFFF, s11;
	_ =	swait.ge [sflag:s21], $0x4000  }
0x3f: {  	s26 =	smov.u32 s18;
	s28 =	smov.u32 s19;
	[sflag:s21] =	ssyncset.done $0x0  }
.LBB2_2:
0x40: {  	[sflag:s21] =	ssyncadd.s32 $0xFFFFC000;
	s26 =	sadd.s32 $0x10, s26;
	s28 =	sadd.s32 $0x10, s28  }
0x41: {  	[tilespmem:s3], [sflag:$0x2] =	stream.linear.gather [hbm4b:s28+s3], $0x80, $0x38;
	[tilespmem:$0x18100] =	vst v63  }
0x42: {  	p0 =	sne.s32 s25, $0x1;
	s25 =	sadd.s32 $0xFFFFFFFF, s25;
	_ =	swait.ge [sflag:s21], $0x80  }
0x43: {  	[sflag:s21] =	ssyncset.done $0x0  }
0x44: {  	[sflag:s21] =	ssyncadd.s32 $0xFFFFFF80  }
0x45: {  	[tilespmem:s22], [sflag:$0x2] =	stream.linear.gather [hbm4b:s26+s3], $0x80, $0x38;
	[tilespmem:$0x18100] =	vst v63  }
0x46: {  	_ =	swait.ge [sflag:s21], $0x80  }
0x47: {  	[sflag:s21] =	ssyncset.done $0x0  }
0x48: {  	[sflag:s21] =	ssyncadd.s32 $0xFFFFFF80  }
0x49: {  	[tilespmem:s20], [sflag:$0x1] =	stream.indirect.gather [hbm4b:s4+s22], $0x80, s3, s22, $0xb8;
	[tilespmem:$0x18100] =	vst v63  }
0x4a: {  	_ =	swait.ge [sflag:s23], $0x4000  }
.Ltmp1:
0x4b: {  	[sflag:s23] =	ssyncset.done $0x0;
	(pc) =	sbr.rel @p0 .LBB2_2-.Ltmp1, $4  }
0x4c: {  	[sflag:s23] =	ssyncadd.s32 $0xFFFFC000  }
0x4d: {  	[spmem:s2] =	stream.indirect.scatter.add.f32 [tilespmem:s20], [sflag:$0x2], $0x80, s22, s22, $0xb8;
	[tilespmem:$0x18100] =	vst v63  }
0x4e: {  	_ =	swait.ge [sflag:s21], $0x4000  }
0x4f: {  	[sflag:s21] =	ssyncset.done $0x0  }
.LBB2_3:
0x50: {  	[sflag:s21] =	ssyncadd.s32 $0xFFFFC000  }
0x51: {  	[bflag:$0x0] =	sbarrier.arrive $0xFFFF  }
0x52: {  	[tilespmem:s20], [sflag:$0x2] =	stream.linear.gather [spmem:s6], $0x4000, $0x38;
	[tilespmem:$0x18100] =	vst v63  }
0x53: {  	_ =	swait.ge [sflag:s21], $0x4000  }
0x54: {  	[sflag:s21] =	ssyncset.done $0x0  }
0x55: {  	[sflag:s21] =	ssyncadd.s32 $0xFFFFC000  }
0x56: {  	[hbm4b:s12+s3] =	stream.linear.scatter [tilespmem:s20], [sflag:$0x2], $0x4000, $0x38;
	[tilespmem:$0x18100] =	vst v63  }
0x57: {  	_ =	swait.ge [sflag:s21], $0x4000  }
0x58: {  	[sflag:s21] =	ssyncset.done $0x0  }
0x59: {  	[sflag:s21] =	ssyncadd.s32 $0xFFFFC000  }
0x5a: {  	[tilespmem:s20], [sflag:$0x2] =	stream.linear.gather [spmem:s7], $0x4000, $0x38;
	[tilespmem:$0x18100] =	vst v63  }
0x5b: {  	_ =	swait.ge [sflag:s21], $0x4000  }
0x5c: {  	[sflag:s21] =	ssyncset.done $0x0  }
0x5d: {  	[sflag:s21] =	ssyncadd.s32 $0xFFFFC000  }
0x5e: {  	[hbm4b:s13+s3] =	stream.linear.scatter [tilespmem:s20], [sflag:$0x2], $0x4000, $0x38;
	[tilespmem:$0x18100] =	vst v63  }
0x5f: {  	_ =	swait.ge [sflag:s21], $0x4000  }
0x60: {  	[sflag:s21] =	ssyncset.done $0x0  }
0x61: {  	[sflag:s21] =	ssyncadd.s32 $0xFFFFC000  }
0x62: {  	[tilespmem:s20], [sflag:$0x2] =	stream.linear.gather [spmem:s8], $0x4000, $0x38;
	[tilespmem:$0x18100] =	vst v63  }
0x63: {  	_ =	swait.ge [sflag:s21], $0x4000  }
0x64: {  	[sflag:s21] =	ssyncset.done $0x0  }
0x65: {  	[sflag:s21] =	ssyncadd.s32 $0xFFFFC000  }
0x66: {  	[hbm4b:s14+s3] =	stream.linear.scatter [tilespmem:s20], [sflag:$0x2], $0x4000, $0x38;
	[tilespmem:$0x18100] =	vst v63  }
0x67: {  	_ =	swait.ge [sflag:s21], $0x4000  }
0x68: {  	[sflag:s21] =	ssyncset.done $0x0  }
0x69: {  	[sflag:s21] =	ssyncadd.s32 $0xFFFFC000  }
0x6a: {  	[tilespmem:s20], [sflag:$0x2] =	stream.linear.gather [spmem:s9], $0x4000, $0x38;
	[tilespmem:$0x18100] =	vst v63  }
0x6b: {  	_ =	swait.ge [sflag:s21], $0x4000  }
0x6c: {  	[sflag:s21] =	ssyncset.done $0x0  }
0x6d: {  	[sflag:s21] =	ssyncadd.s32 $0xFFFFC000  }
0x6e: {  	[hbm4b:s15+s3] =	stream.linear.scatter [tilespmem:s20], [sflag:$0x2], $0x4000, $0x38;
	[tilespmem:$0x18100] =	vst v63  }
0x6f: {  	_ =	swait.ge [sflag:s21], $0x4000  }
0x70: {  	[sflag:s21] =	ssyncset.done $0x0  }
0x71: {  	[sflag:s21] =	ssyncadd.s32 $0xFFFFC000  }
0x72: {  	[tilespmem:s20], [sflag:$0x2] =	stream.linear.gather [spmem:s10], $0x4000, $0x38;
	[tilespmem:$0x18100] =	vst v63  }
0x73: {  	s24 =	sadd.s32 $0x1, s24;
	_ =	swait.ge [sflag:s21], $0x4000  }
0x74: {  	p0 =	sne.s32 s24, s17;
	[sflag:s21] =	ssyncset.done $0x0  }
.Ltmp2:
0x75: {  	[sflag:s21] =	ssyncadd.s32 $0xFFFFC000;
	(pc) =	sbr.rel @p0 .LBB2_1-.Ltmp2, $4  }
0x76: {  	[hbm4b:s16+s3] =	stream.linear.scatter [tilespmem:s20], [sflag:$0x2], $0x4000, $0x38;
	[tilespmem:$0x18100] =	vst v63  }
0x77: {  	_ =	swait.ge [sflag:s21], $0x4000  }
0x78: {  	[sflag:s21] =	ssyncset.done $0x0  }
0x79: {  	[sflag:s21] =	ssyncadd.s32 $0xFFFFC000  }
0x7a: {  	_ =	sfence.sel $0x180000  }
0x7b: {  	[bflag:$0x0] =	sbarrier.arrive $0xFFFF  }
0x7c: {  	p0 =	sne.s32 s0, $0x0;
	_ =	strace $0x90000050  }
0x7d: {  	s0 =	sadd.s32 @!p0 $0x100000, s1;
	[bflag:$0x2] =	sbarrier.arrive $0xFFFF  }
0x7e: {  	[sflag:s0] =	ssyncadd.tile.s32 @!p0 $0x1;
	_ =	shalt  }
.Lfunc_end2:
_tile_overlayer_lowered:
.L_overlay_start_2:
0x7f: {  	(tag) =	ssettag $0x2  }
0x80: {  	s0 =	rddreg [dreg:$0x0];
	s2 =	stileid.u32  }
0x81: {  	s1 =	rddreg [dreg:$0x1];
	p0 =	sne.s32 s2, $0x0  }
0x82: {  	s3 =	rddreg [dreg:$0x2];
	[bflag:$0x3] =	sbarrier.arrive $0xFFFF;
	s2 =	simm.s32 @!p0 $0x1C02  }
0x83: {  	[timem:s3], [sflag:s2] =	dma.local @!p0 [hbm:s0], s1  }
0x84: {  	s0 =	simm.s32 @!p0 $0x2  }
0x85: {  	_ =	swait.ge @!p0 [sflag:s0], s1  }
0x86: {  	s1 =	ssub.s32 @!p0 $0x0, s1;
	[sflag:s0] =	ssyncset.done @!p0 $0x0  }
0x87: {  	[sflag:s0] =	ssyncadd.s32 @!p0 s1  }
0x88: {  	[bflag:$0x3] =	sbarrier.arrive $0xFFFF  }
0x89: {  	_ =	shalt  }

// kernel: kernel.17.cloned.1.call-start
scs
__scs_entry_jumppad:
0x0: {  	(pc) =	sbr.rel $0x88, $3  }
0x1: {  	(tag) =	ssettag $0x0;
	lr =	simm.s32 $0x1  }
0x2: {  	[smem:$0x3F93] =	sst lr;
	_ =	strace $0xD0000000  }
0x3: {  	_ = 	snop  }
0x4: {  	_ = 	snop  }
0x5: {  	_ = 	snop  }
0x6: {  	_ = 	snop  }
0x7: {  	_ = 	snop  }
__scs_overlays_trampoline_lowered:
0x8: {  	[smem:$0x3FA2] =	sst s0  }
0x9: {  	[smem:$0x3FA3] =	sst s1  }
0xa: {  	[smem:$0x3FA4] =	sst s2  }
0xb: {  	[smem:$0x3FA5] =	sst s3  }
0xc: {  	[smem:$0x3FA6] =	sst s4  }
0xd: {  	[smem:$0x3FA7] =	sst s5  }
0xe: {  	[smem:$0x3FA8] =	sst s6  }
0xf: {  	[smem:$0x3FA9] =	sst s7  }
0x10: {  	[smem:$0x3FAA] =	sst s8  }
0x11: {  	[smem:$0x3FAB] =	sst s9;
	s0 =	simm.s32 @!p0 $0x0  }
0x12: {  	s1 =	sld [smem:$0x3F91];
	s0 =	simm.s32 @p0 $0x1  }
0x13: {  	[smem:$0x3FAC] =	sst s0;
	s0 =	simm.s32 @!p1 $0x0  }
0x14: {  	s2 =	sld [smem:$0x3F90];
	s0 =	simm.s32 @p1 $0x1  }
0x15: {  	[smem:$0x3FAD] =	sst s0;
	s0 =	simm.s32 @!p2 $0x0  }
0x16: {  	s3 =	sld [smem:$0x3FDB];
	s0 =	simm.s32 @p2 $0x1  }
0x17: {  	s4 =	simm.s32 $0x1BF5;
	[smem:$0x3FAF] =	sst s0  }
0x18: {  	s0 =	sld [smem:$0x3F92];
	_ =	swait.ge [sflag:s4], $0x0  }
0x19: {  	s7 =	sld [smem:$0x3F93]  }
0x1a: {  	s8 =	sadd.s32 $0xFFFFE003, lr  }
0x1b: {  	s9 =	sadd.s32 $0xFFFFFEF7, lr;
	s5 =	simm.s32 $0xFFFFFFFF;
	p2 =	slt.u32 s8, $0xFFFFF086  }
0x1c: {  	p1 =	slt.u32 s9, $0xF7A;
	s5 =	simm.s32 @!p2 $0x0  }
0x1d: {  	s5 =	simm.s32 @p1 $0x1;
	p0 =	seq.s32 s7, s2  }
0x1e: {  	s7 =	smul.u32 @!p0 $0xF7A, s2;
	p2 =	seq.s32 @!p0 s5, $0x0  }
0x1f: {  	s9 =	smul.u32 $0xF7A, s1;
	s8 =	simm.s32 @!p0 $0x1BF5;
	p2 =	por !p2, p0  }
0x20: {  	[sflag:s8] =	ssyncset.s32 @!p0 $0xFFFFF086;
	s6 =	sadd.s32 @!p0 s3, s7;
	s7 =	simm.s32 @!p0 $0x108  }
0x21: {  	s3 =	sadd.s32 s3, s9;
	s6 =	sadd.s32 @!p0 $0x88, s6;
	s7 =	simm.s32 @p2 $0x1082  }
0x22: {  	[simem:s7], [sflag:s8] =	dma.local @!p0 [hbm:s6], $0xF7A  }
0x23: {  	s9 =	sor.u32 $0xD0000000, s2;
	s6 =	simm.s32 $0x108;
	_ =	swait.ge @!p0 [sflag:s8], $0x0  }
0x24: {  	s3 =	sadd.s32 $0x88, s3;
	s6 =	simm.s32 @!p1 $0x1082;
	[sflag:s4] =	ssyncset.s32 $0xFFFFF086  }
0x25: {  	[simem:s6], [sflag:s4] =	dma.local [hbm:s3], $0xF7A  }
0x26: {  	[smem:$0x3F93] =	sst s1;
	(tag) =	ssettag s2;
	_ =	strace s9  }
0x27: {  	s1 =	sld [smem:$0x3FA3]  }
0x28: {  	s2 =	sld [smem:$0x3FA4]  }
0x29: {  	s4 =	sld [smem:$0x3FA6]  }
0x2a: {  	p0 =	seq.s32 s5, $0x0;
	s5 =	sld [smem:$0x3FA7]  }
0x2b: {  	s6 =	sld [smem:$0x3FA8]  }
0x2c: {  	s7 =	sld [smem:$0x3FA9]  }
0x2d: {  	s3 =	simm.s32 $0x108;
	s8 =	sld [smem:$0x3FAA]  }
0x2e: {  	s3 =	simm.s32 @!p0 $0x1082;
	s9 =	sld [smem:$0x3FAB]  }
0x2f: {  	lr =	sadd.s32 s0, s3;
	s0 =	sld [smem:$0x3FA2]  }
0x30: {  	s3 =	sld [smem:$0x3FA5]  }
0x31: {  	[smem:$0x3FAE] =	sst s10  }
0x32: {  	s10 =	sld [smem:$0x3FAC];
	_ =	sdelay $0x3  }
0x33: {  	p0 =	seq.s32 s10, $0x1;
	s10 =	sld [smem:$0x3FAE];
	_ =	sdelay $0x3  }
0x34: {  	[smem:$0x3FAE] =	sst s10  }
0x35: {  	s10 =	sld [smem:$0x3FAD];
	_ =	sdelay $0x3  }
0x36: {  	p1 =	seq.s32 s10, $0x1;
	s10 =	sld [smem:$0x3FAE];
	_ =	sdelay $0x3  }
0x37: {  	[smem:$0x3FAE] =	sst s10  }
0x38: {  	s10 =	sld [smem:$0x3FAF]  }
0x39: {  	_ = 	snop;
	(pc) =	sbr.ind lr, $3  }
0x3a: {  	_ = 	snop  }
0x3b: {  	_ = 	snop  }
0x3c: {  	p2 =	seq.s32 s10, $0x1;
	s10 =	sld [smem:$0x3FAE]  }
0x3d: {  	_ =	shalt  }
0x3e: {  	_ =	shalt  }
0x3f: {  	_ =	shalt  }
0x40: {  	_ =	shalt  }
0x41: {  	_ =	shalt  }
0x42: {  	_ =	shalt  }
0x43: {  	_ =	shalt  }
0x44: {  	_ =	shalt  }
0x45: {  	_ =	shalt  }
0x46: {  	_ =	shalt  }
0x47: {  	_ =	shalt  }
0x48: {  	_ =	shalt  }
0x49: {  	_ =	shalt  }
0x4a: {  	_ =	shalt  }
0x4b: {  	_ =	shalt  }
0x4c: {  	_ =	shalt  }
0x4d: {  	_ =	shalt  }
0x4e: {  	_ =	shalt  }
0x4f: {  	_ =	shalt  }
0x50: {  	_ =	shalt  }
0x51: {  	_ =	shalt  }
0x52: {  	_ =	shalt  }
0x53: {  	_ =	shalt  }
0x54: {  	_ =	shalt  }
0x55: {  	_ =	shalt  }
0x56: {  	_ =	shalt  }
0x57: {  	_ =	shalt  }
0x58: {  	_ =	shalt  }
0x59: {  	_ =	shalt  }
0x5a: {  	_ =	shalt  }
0x5b: {  	_ =	shalt  }
0x5c: {  	_ =	shalt  }
0x5d: {  	_ =	shalt  }
0x5e: {  	_ =	shalt  }
0x5f: {  	_ =	shalt  }
0x60: {  	_ =	shalt  }
0x61: {  	_ =	shalt  }
0x62: {  	_ =	shalt  }
0x63: {  	_ =	shalt  }
0x64: {  	_ =	shalt  }
0x65: {  	_ =	shalt  }
0x66: {  	_ =	shalt  }
0x67: {  	_ =	shalt  }
0x68: {  	_ =	shalt  }
0x69: {  	_ =	shalt  }
0x6a: {  	_ =	shalt  }
0x6b: {  	_ =	shalt  }
0x6c: {  	_ =	shalt  }
0x6d: {  	_ =	shalt  }
0x6e: {  	_ =	shalt  }
0x6f: {  	_ =	shalt  }
0x70: {  	_ =	shalt  }
0x71: {  	_ =	shalt  }
0x72: {  	_ =	shalt  }
0x73: {  	_ =	shalt  }
0x74: {  	_ =	shalt  }
0x75: {  	_ =	shalt  }
0x76: {  	_ =	shalt  }
0x77: {  	_ =	shalt  }
0x78: {  	_ =	shalt  }
0x79: {  	_ =	shalt  }
0x7a: {  	_ =	shalt  }
0x7b: {  	_ =	shalt  }
0x7c: {  	_ =	shalt  }
0x7d: {  	_ =	shalt  }
0x7e: {  	_ =	shalt  }
0x7f: {  	_ =	shalt  }
0x80: {  	_ =	shalt  }
0x81: {  	_ =	shalt  }
0x82: {  	_ =	shalt  }
0x83: {  	_ =	shalt  }
0x84: {  	_ =	shalt  }
0x85: {  	_ =	shalt  }
0x86: {  	_ =	shalt  }
0x87: {  	_ =	shalt  }
.Lfunc_end0:
.L_simem_size_0:
called_computation.3_lowered:
.L_overlay_start_0:
0x88: {  	s2 =	sld [smem:$0x3FD9]  }
0x89: {  	s3 =	sld [smem:$0x3FFE];
	_ =	sdelay $0x1  }
0x8a: {  	s1 =	srdreg.scid  }
0x8b: {  	s0 =	sand.u32 $0x1, s1  }
0x8c: {  	s16 =	sshll.u32 s0, $0xA;
	s2 =	sadd.s32 s3, s2  }
0x8d: {  	s2 =	sadd.s32 s2, s16  }
0x8e: {  	[smem:$0x3FBA] =	sst s2  }
0x8f: {  	_ = 	snop  }
0x90: {  	(tm) =	ssettm $0x1  }
0x91: {  	s17 =	sld [smem:$0x3FFB];
	_ =	sdelay $0x3  }
0x92: {  	_ =	strace s17  }
0x93: {  	s2 =	sld [smem:$0x3FFC];
	_ =	sdelay $0x3  }
0x94: {  	_ =	strace s2  }
0x95: {  	s2 =	sld [smem:$0x3FFD];
	_ =	sdelay $0x3  }
0x96: {  	_ =	strace s2  }
0x97: {  	_ =	strace $0x8FFFFFFF  }
0x98: {  	s18 =	sld [smem:$0x3FDB];
	_ =	sdelay $0x1  }
0x99: {  	s19 =	simm.s32 $_scs_section_size  }
0x9a: {  	s4 =	simm.s32 $_size__tile_overlayer_lowered;
	s5 =	simm.s32 $_tile_overlayer_lowered  }
0x9b: {  	s22 =	simm.s32 $0x1BFF;
	s21 =	sshll.u32 s5, $0x1;
	s2 =	sadd.s32 s19, s18  }
0x9c: {  	s6 =	simm.s32 $0x0;
	s20 =	sshll.u32 s4, $0x1;
	s4 =	sadd.s32 s21, s2  }
0x9d: {  	[timem:s6], [sflag:s22] =	dma.local [hbm:s4], s20  }
0x9e: {  	_ =	swait.ge [sflag:s22], s20  }
0x9f: {  	s3 =	ssub.s32 $0x0, s20;
	[sflag:s22] =	ssyncset.done $0x0  }
0xa0: {  	[sflag:s22] =	ssyncadd.s32 s3;
	_ =	sdelay $0x1  }
0xa1: {  	s23 =	simm.s32 $0x1B8B  }
0xa2: {  	_ =	swait.ge [sflag:s23], $0x1  }
0xa3: {  	[sflag:s23] =	ssyncset.done $0x0  }
0xa4: {  	s25 =	simm.s32 $0x1B8E;
	s24 =	sld [smem:$0x3FFE];
	[sflag:s23] =	ssyncadd.s32 $0xFFFFFFFF  }
0xa5: {  	s26 =	simm.s32 $execute0_lowered;
	[smem:$0x3FD2] =	sst s25  }
0xa6: {  	s4 =	sshll.u32 s26, $0x1;
	_ =	strace $0x8000004C;
	[dreg:$0x1] =	wrdreg $0xFFFFFFFF  }
0xa7: {  	s28 =	simm.s32 $_size_execute0_lowered;
	s2 =	sadd.s32 s2, s4;
	[dreg:$0x0] =	wrdreg $0x0  }
0xa8: {  	s4 =	sshll.u32 s28, $0x1;
	[dreg:$0x2] =	wrdreg s2  }
0xa9: {  	[dreg:$0x3] =	wrdreg s4  }
0xaa: {  	[dreg:$0x4] =	wrdreg $0xC0  }
0xab: {  	_ =	task [dreg:s6], $0x5FFFF  }
0xac: {  	[dreg:$0x1] =	wrdreg $0xFFFFFFFF  }
0xad: {  	[dreg:$0x0] =	wrdreg $0x60  }
0xae: {  	[dreg:$0x2] =	wrdreg s24  }
0xaf: {  	[dreg:$0x3] =	wrdreg $0x41000  }
0xb0: {  	[dreg:$0x4] =	wrdreg $0xA  }
0xb1: {  	_ =	task.clear_ibuf [dreg:s6], $0x5FFFF;
	_ =	strace $0x9000004C  }
0xb2: {  	s29 =	simm.s32 $0xA;
	_ =	strace $0x8000004E  }
0xb3: {  	_ =	swait.ge [sflag:s29], $0x1  }
0xb4: {  	[sflag:s29] =	ssyncadd.s32 $0xFFFFFFFF  }
0xb5: {  	_ =	strace $0x9000004E  }
0xb6: {  	_ =	sfence  }
0xb7: {  	s30 =	sld [smem:$0x0];
	_ =	sdelay $0x2  }
0xb8: {  	s31 =	sshll.u32 s1, $0xD;
	s1 =	sshrl.u32 s1, $0x2  }
0xb9: {  	s3 =	sand.u32 $0x4000, s31;
	s1 =	sadd.s32 s1, s30  }
0xba: {  	s0 =	sor.u32 s3, s0;
	s1 =	sshll.u32 s1, $0x11  }
0xbb: {  	s0 =	sor.u32 s1, s0  }
0xbc: {  	s0 =	sadd.s32 $0x8F2B, s0  }
0xbd: {  	[sflag:s0] =	ssyncadd.remote.s32 $0x1  }
0xbe: {  	_ =	sfence.sel $0xFFFF  }
0xbf: {  	[dreg:$0x0] =	wrdreg $0xFFFFFFFF;
	(pc) =	sbr.abs _section_cstart, $3  }
0xc0: {  	[dreg:$0x1] =	wrdreg $0xFFFFFFFF  }
0xc1: {  	_ =	task.clear_ibuf [dreg:s6], $0x2FFFF;
	_ =	strace $0x9FFFFFFF  }
0xc2: {  	(tm) =	ssettm $0x7FFFFFFF  }
0xc3: {  	_ =	shalt  }
tec
execute0_lowered:
.L_overlay_start_1:
0x0: {  	(tag) =	ssettag $0x1  }
0x1: {  	s6 =	rddreg [dreg:$0x0]  }
0x2: {  	s2 =	rddreg [dreg:$0x1];
	s0 =	stileid.u32  }
0x3: {  	s3 =	srdreg.scid;
	s4 =	smul.u32 $0x60, s0  }
0x4: {  	s1 =	rddreg [dreg:$0x2];
	s5 =	smul.u32 $0x3E, s0  }
0x5: {  	s22 =	simm.s32 $0x80;
	s23 =	simm.s32 $0x1;
	s11 =	smul.u32 $0x280, s0  }
0x6: {  	s8 =	sand.u32 $0x1, s3;
	s3 =	simm.s32 $0x0;
	s10 =	smul.u32 $0x50000, s0  }
0x7: {  	s16 =	sadd.s32 $0xB3400, s6;
	p0 =	seq.s32 s8, $0x0;
	[smem:$0x7FF] =	sst s3  }
0x8: {  	s24 =	ssub.s32 $0x2, s8;
	s20 =	smul.u32 $0x2800, s8;
	s7 =	sadd.s32 $0x3E0, s4  }
0x9: {  	_ =	strace $0x8000004D;
	s4 =	sadd.s32 $0x65000, s6;
	s9 =	sshrl.u32 s24, $0x1  }
0xa: {  	s12 =	sadd.s32 $0x80, s11;
	s25 =	sshrl.u32 s10, $0x2;
	s14 =	sadd.s32 $0x100, s11  }
0xb: {  	s15 =	sadd.s32 $0x180, s11;
	s18 =	sadd.s32 $0x200, s11;
	s7 =	smov.u32 @p0 s5  }
0xc: {  	s17 =	ssub.s32 s24, s9;
	s26 =	sshll.u32 s12, $0x7;
	s28 =	sshll.u32 s14, $0x7  }
0xd: {  	s29 =	sshll.u32 s15, $0x7;
	s30 =	sshll.u32 s18, $0x7;
	s13 =	sadd.s32 s11, s20  }
0xe: {  	s11 =	simm.s32 $0x3E;
	s21 =	sadd.s32 s20, s12;
	s14 =	sadd.s32 s20, s14  }
0xf: {  	s15 =	sadd.s32 s20, s15;
	s18 =	sadd.s32 s20, s18;
	s20 =	simm.s32 $0x100  }
0x10: {  	s24 =	simm.s32 $0x0;
	s5 =	sshll.u32 s7, $0x4;
	s7 =	sadd.s32 s26, s2  }
0x11: {  	s8 =	sadd.s32 s28, s2;
	s9 =	sadd.s32 s29, s2;
	s10 =	sadd.s32 s30, s2  }
0x12: {  	s13 =	sshll.u32 s13, $0x4;
	s11 =	simm.s32 @!p0 $0x60;
	s31 =	sshll.u32 s21, $0x4  }
0x13: {  	s14 =	sshll.u32 s14, $0x4;
	s15 =	sshll.u32 s15, $0x4;
	s18 =	sshll.u32 s18, $0x4  }
0x14: {  	s17 =	smax.u32 s17, $0x1;
	s21 =	simm.s32 $0x2;
	s19 =	sadd.s32 s5, s6  }
0x15: {  	s5 =	sadd.s32 $0x16600, s6;
	s6 =	sadd.s32 s25, s2;
	s12 =	sadd.s32 s16, s13  }
0x16: {  	s13 =	sadd.s32 s16, s31;
	s14 =	sadd.s32 s16, s14;
	s15 =	sadd.s32 s16, s15  }
0x17: {  	s16 =	sadd.s32 s16, s18;
	s18 =	sadd.s32 $0x2A00, s19;
	s19 =	sadd.s32 $0xC800, s19  }
.LBB2_1:
0x18: {  	[tilespmem:s20], [sflag:$0x2] =	stream.linear.gather [hbm4b:s5+s3], $0x4000, $0x38;
	[tilespmem:$0x18100] =	vst v63  }
0x19: {  	_ =	swait.ge [sflag:s21], $0x4000  }
0x1a: {  	[sflag:s21] =	ssyncset.done $0x0  }
0x1b: {  	[sflag:s21] =	ssyncadd.s32 $0xFFFFC000  }
0x1c: {  	[spmem:s6] =	stream.linear.scatter [tilespmem:s20], [sflag:$0x2], $0x4000, $0x38;
	[tilespmem:$0x18100] =	vst v63  }
0x1d: {  	_ =	swait.ge [sflag:s21], $0x4000  }
0x1e: {  	[sflag:s21] =	ssyncset.done $0x0  }
0x1f: {  	[sflag:s21] =	ssyncadd.s32 $0xFFFFC000  }
0x20: {  	[spmem:s7] =	stream.linear.scatter [tilespmem:s20], [sflag:$0x2], $0x4000, $0x38;
	[tilespmem:$0x18100] =	vst v63  }
0x21: {  	_ =	swait.ge [sflag:s21], $0x4000  }
0x22: {  	[sflag:s21] =	ssyncset.done $0x0  }
0x23: {  	[sflag:s21] =	ssyncadd.s32 $0xFFFFC000  }
0x24: {  	[spmem:s8] =	stream.linear.scatter [tilespmem:s20], [sflag:$0x2], $0x4000, $0x38;
	[tilespmem:$0x18100] =	vst v63  }
0x25: {  	_ =	swait.ge [sflag:s21], $0x4000  }
0x26: {  	[sflag:s21] =	ssyncset.done $0x0  }
0x27: {  	[sflag:s21] =	ssyncadd.s32 $0xFFFFC000  }
0x28: {  	[spmem:s9] =	stream.linear.scatter [tilespmem:s20], [sflag:$0x2], $0x4000, $0x38;
	[tilespmem:$0x18100] =	vst v63  }
0x29: {  	_ =	swait.ge [sflag:s21], $0x4000  }
0x2a: {  	[sflag:s21] =	ssyncset.done $0x0  }
0x2b: {  	[sflag:s21] =	ssyncadd.s32 $0xFFFFC000  }
0x2c: {  	[spmem:s10] =	stream.linear.scatter [tilespmem:s20], [sflag:$0x2], $0x4000, $0x38;
	[tilespmem:$0x18100] =	vst v63  }
0x2d: {  	_ =	swait.ge [sflag:s21], $0x4000  }
0x2e: {  	[sflag:s21] =	ssyncset.done $0x0  }
0x2f: {  	[sflag:s21] =	ssyncadd.s32 $0xFFFFC000  }
0x30: {  	[bflag:$0x0] =	sbarrier.arrive $0xFFFF  }
0x31: {  	[tilespmem:s3], [sflag:$0x2] =	stream.linear.gather [hbm4b:s19+s3], $0x80, $0x38;
	[tilespmem:$0x18100] =	vst v63  }
0x32: {  	_ =	swait.ge [sflag:s21], $0x80  }
0x33: {  	[sflag:s21] =	ssyncset.done $0x0  }
0x34: {  	[sflag:s21] =	ssyncadd.s32 $0xFFFFFF80  }
0x35: {  	[tilespmem:s22], [sflag:$0x2] =	stream.linear.gather [hbm4b:s18+s3], $0x80, $0x38;
	[tilespmem:$0x18100] =	vst v63  }
0x36: {  	_ =	swait.ge [sflag:s21], $0x80  }
0x37: {  	[sflag:s21] =	ssyncset.done $0x0  }
0x38: {  	[sflag:s21] =	ssyncadd.s32 $0xFFFFFF80  }
0x39: {  	[tilespmem:s20], [sflag:$0x1] =	stream.indirect.gather [hbm4b:s4+s22], $0x80, s3, s22, $0xb8;
	[tilespmem:$0x18100] =	vst v63  }
0x3a: {  	p0 =	sne.s32 s11, $0x1;
	_ =	swait.ge [sflag:s23], $0x4000  }
.Ltmp0:
0x3b: {  	[sflag:s23] =	ssyncset.done $0x0;
	(pc) =	sbr.rel @!p0 .LBB2_3-.Ltmp0, $4  }
0x3c: {  	[sflag:s23] =	ssyncadd.s32 $0xFFFFC000  }
0x3d: {  	[spmem:s2] =	stream.indirect.scatter.add.f32 [tilespmem:s20], [sflag:$0x2], $0x80, s22, s22, $0xb8;
	[tilespmem:$0x18100] =	vst v63  }
0x3e: {  	s25 =	sadd.s32 $0xFFFFFFFF, s11;
	_ =	swait.ge [sflag:s21], $0x4000  }
0x3f: {  	s26 =	smov.u32 s18;
	s28 =	smov.u32 s19;
	[sflag:s21] =	ssyncset.done $0x0  }
.LBB2_2:
0x40: {  	[sflag:s21] =	ssyncadd.s32 $0xFFFFC000;
	s26 =	sadd.s32 $0x10, s26;
	s28 =	sadd.s32 $0x10, s28  }
0x41: {  	[tilespmem:s3], [sflag:$0x2] =	stream.linear.gather [hbm4b:s28+s3], $0x80, $0x38;
	[tilespmem:$0x18100] =	vst v63  }
0x42: {  	p0 =	sne.s32 s25, $0x1;
	s25 =	sadd.s32 $0xFFFFFFFF, s25;
	_ =	swait.ge [sflag:s21], $0x80  }
0x43: {  	[sflag:s21] =	ssyncset.done $0x0  }
0x44: {  	[sflag:s21] =	ssyncadd.s32 $0xFFFFFF80  }
0x45: {  	[tilespmem:s22], [sflag:$0x2] =	stream.linear.gather [hbm4b:s26+s3], $0x80, $0x38;
	[tilespmem:$0x18100] =	vst v63  }
0x46: {  	_ =	swait.ge [sflag:s21], $0x80  }
0x47: {  	[sflag:s21] =	ssyncset.done $0x0  }
0x48: {  	[sflag:s21] =	ssyncadd.s32 $0xFFFFFF80  }
0x49: {  	[tilespmem:s20], [sflag:$0x1] =	stream.indirect.gather [hbm4b:s4+s22], $0x80, s3, s22, $0xb8;
	[tilespmem:$0x18100] =	vst v63  }
0x4a: {  	_ =	swait.ge [sflag:s23], $0x4000  }
.Ltmp1:
0x4b: {  	[sflag:s23] =	ssyncset.done $0x0;
	(pc) =	sbr.rel @p0 .LBB2_2-.Ltmp1, $4  }
0x4c: {  	[sflag:s23] =	ssyncadd.s32 $0xFFFFC000  }
0x4d: {  	[spmem:s2] =	stream.indirect.scatter.add.f32 [tilespmem:s20], [sflag:$0x2], $0x80, s22, s22, $0xb8;
	[tilespmem:$0x18100] =	vst v63  }
0x4e: {  	_ =	swait.ge [sflag:s21], $0x4000  }
0x4f: {  	[sflag:s21] =	ssyncset.done $0x0  }
.LBB2_3:
0x50: {  	[sflag:s21] =	ssyncadd.s32 $0xFFFFC000  }
0x51: {  	[bflag:$0x0] =	sbarrier.arrive $0xFFFF  }
0x52: {  	[tilespmem:s20], [sflag:$0x2] =	stream.linear.gather [spmem:s6], $0x4000, $0x38;
	[tilespmem:$0x18100] =	vst v63  }
0x53: {  	_ =	swait.ge [sflag:s21], $0x4000  }
0x54: {  	[sflag:s21] =	ssyncset.done $0x0  }
0x55: {  	[sflag:s21] =	ssyncadd.s32 $0xFFFFC000  }
0x56: {  	[hbm4b:s12+s3] =	stream.linear.scatter [tilespmem:s20], [sflag:$0x2], $0x4000, $0x38;
	[tilespmem:$0x18100] =	vst v63  }
0x57: {  	_ =	swait.ge [sflag:s21], $0x4000  }
0x58: {  	[sflag:s21] =	ssyncset.done $0x0  }
0x59: {  	[sflag:s21] =	ssyncadd.s32 $0xFFFFC000  }
0x5a: {  	[tilespmem:s20], [sflag:$0x2] =	stream.linear.gather [spmem:s7], $0x4000, $0x38;
	[tilespmem:$0x18100] =	vst v63  }
0x5b: {  	_ =	swait.ge [sflag:s21], $0x4000  }
0x5c: {  	[sflag:s21] =	ssyncset.done $0x0  }
0x5d: {  	[sflag:s21] =	ssyncadd.s32 $0xFFFFC000  }
0x5e: {  	[hbm4b:s13+s3] =	stream.linear.scatter [tilespmem:s20], [sflag:$0x2], $0x4000, $0x38;
	[tilespmem:$0x18100] =	vst v63  }
0x5f: {  	_ =	swait.ge [sflag:s21], $0x4000  }
0x60: {  	[sflag:s21] =	ssyncset.done $0x0  }
0x61: {  	[sflag:s21] =	ssyncadd.s32 $0xFFFFC000  }
0x62: {  	[tilespmem:s20], [sflag:$0x2] =	stream.linear.gather [spmem:s8], $0x4000, $0x38;
	[tilespmem:$0x18100] =	vst v63  }
0x63: {  	_ =	swait.ge [sflag:s21], $0x4000  }
0x64: {  	[sflag:s21] =	ssyncset.done $0x0  }
0x65: {  	[sflag:s21] =	ssyncadd.s32 $0xFFFFC000  }
0x66: {  	[hbm4b:s14+s3] =	stream.linear.scatter [tilespmem:s20], [sflag:$0x2], $0x4000, $0x38;
	[tilespmem:$0x18100] =	vst v63  }
0x67: {  	_ =	swait.ge [sflag:s21], $0x4000  }
0x68: {  	[sflag:s21] =	ssyncset.done $0x0  }
0x69: {  	[sflag:s21] =	ssyncadd.s32 $0xFFFFC000  }
0x6a: {  	[tilespmem:s20], [sflag:$0x2] =	stream.linear.gather [spmem:s9], $0x4000, $0x38;
	[tilespmem:$0x18100] =	vst v63  }
0x6b: {  	_ =	swait.ge [sflag:s21], $0x4000  }
0x6c: {  	[sflag:s21] =	ssyncset.done $0x0  }
0x6d: {  	[sflag:s21] =	ssyncadd.s32 $0xFFFFC000  }
0x6e: {  	[hbm4b:s15+s3] =	stream.linear.scatter [tilespmem:s20], [sflag:$0x2], $0x4000, $0x38;
	[tilespmem:$0x18100] =	vst v63  }
0x6f: {  	_ =	swait.ge [sflag:s21], $0x4000  }
0x70: {  	[sflag:s21] =	ssyncset.done $0x0  }
0x71: {  	[sflag:s21] =	ssyncadd.s32 $0xFFFFC000  }
0x72: {  	[tilespmem:s20], [sflag:$0x2] =	stream.linear.gather [spmem:s10], $0x4000, $0x38;
	[tilespmem:$0x18100] =	vst v63  }
0x73: {  	s24 =	sadd.s32 $0x1, s24;
	_ =	swait.ge [sflag:s21], $0x4000  }
0x74: {  	p0 =	sne.s32 s24, s17;
	[sflag:s21] =	ssyncset.done $0x0  }
.Ltmp2:
0x75: {  	[sflag:s21] =	ssyncadd.s32 $0xFFFFC000;
	(pc) =	sbr.rel @p0 .LBB2_1-.Ltmp2, $4  }
0x76: {  	[hbm4b:s16+s3] =	stream.linear.scatter [tilespmem:s20], [sflag:$0x2], $0x4000, $0x38;
	[tilespmem:$0x18100] =	vst v63  }
0x77: {  	_ =	swait.ge [sflag:s21], $0x4000  }
0x78: {  	[sflag:s21] =	ssyncset.done $0x0  }
0x79: {  	[sflag:s21] =	ssyncadd.s32 $0xFFFFC000  }
0x7a: {  	_ =	sfence.sel $0x180000  }
0x7b: {  	[bflag:$0x0] =	sbarrier.arrive $0xFFFF  }
0x7c: {  	p0 =	sne.s32 s0, $0x0;
	_ =	strace $0x9000004D  }
0x7d: {  	s0 =	sadd.s32 @!p0 $0x100000, s1;
	[bflag:$0x2] =	sbarrier.arrive $0xFFFF  }
0x7e: {  	[sflag:s0] =	ssyncadd.tile.s32 @!p0 $0x1;
	_ =	shalt  }
.Lfunc_end2:
_tile_overlayer_lowered:
.L_overlay_start_2:
0x7f: {  	(tag) =	ssettag $0x2  }
0x80: {  	s0 =	rddreg [dreg:$0x0];
	s2 =	stileid.u32  }
0x81: {  	s1 =	rddreg [dreg:$0x1];
	p0 =	sne.s32 s2, $0x0  }
0x82: {  	s3 =	rddreg [dreg:$0x2];
	[bflag:$0x3] =	sbarrier.arrive $0xFFFF;
	s2 =	simm.s32 @!p0 $0x1C02  }
0x83: {  	[timem:s3], [sflag:s2] =	dma.local @!p0 [hbm:s0], s1  }
0x84: {  	s0 =	simm.s32 @!p0 $0x2  }
0x85: {  	_ =	swait.ge @!p0 [sflag:s0], s1  }
0x86: {  	s1 =	ssub.s32 @!p0 $0x0, s1;
	[sflag:s0] =	ssyncset.done @!p0 $0x0  }
0x87: {  	[sflag:s0] =	ssyncadd.s32 @!p0 s1  }
0x88: {  	[bflag:$0x3] =	sbarrier.arrive $0xFFFF  }
0x89: {  	_ =	shalt  }

// kernel: kernel.8.cloned.1.call-start
scs
__scs_entry_jumppad:
0x0: {  	(pc) =	sbr.rel $0x88, $3  }
0x1: {  	(tag) =	ssettag $0x0;
	lr =	simm.s32 $0x1  }
0x2: {  	[smem:$0x3F93] =	sst lr;
	_ =	strace $0xD0000000  }
0x3: {  	_ = 	snop  }
0x4: {  	_ = 	snop  }
0x5: {  	_ = 	snop  }
0x6: {  	_ = 	snop  }
0x7: {  	_ = 	snop  }
__scs_overlays_trampoline_lowered:
0x8: {  	[smem:$0x3FA2] =	sst s0  }
0x9: {  	[smem:$0x3FA3] =	sst s1  }
0xa: {  	[smem:$0x3FA4] =	sst s2  }
0xb: {  	[smem:$0x3FA5] =	sst s3  }
0xc: {  	[smem:$0x3FA6] =	sst s4  }
0xd: {  	[smem:$0x3FA7] =	sst s5  }
0xe: {  	[smem:$0x3FA8] =	sst s6  }
0xf: {  	[smem:$0x3FA9] =	sst s7  }
0x10: {  	[smem:$0x3FAA] =	sst s8  }
0x11: {  	[smem:$0x3FAB] =	sst s9;
	s0 =	simm.s32 @!p0 $0x0  }
0x12: {  	s1 =	sld [smem:$0x3F91];
	s0 =	simm.s32 @p0 $0x1  }
0x13: {  	[smem:$0x3FAC] =	sst s0;
	s0 =	simm.s32 @!p1 $0x0  }
0x14: {  	s2 =	sld [smem:$0x3F90];
	s0 =	simm.s32 @p1 $0x1  }
0x15: {  	[smem:$0x3FAD] =	sst s0;
	s0 =	simm.s32 @!p2 $0x0  }
0x16: {  	s3 =	sld [smem:$0x3FDB];
	s0 =	simm.s32 @p2 $0x1  }
0x17: {  	s4 =	simm.s32 $0x1BF5;
	[smem:$0x3FAF] =	sst s0  }
0x18: {  	s0 =	sld [smem:$0x3F92];
	_ =	swait.ge [sflag:s4], $0x0  }
0x19: {  	s7 =	sld [smem:$0x3F93]  }
0x1a: {  	s8 =	sadd.s32 $0xFFFFE003, lr  }
0x1b: {  	s9 =	sadd.s32 $0xFFFFFEF7, lr;
	s5 =	simm.s32 $0xFFFFFFFF;
	p2 =	slt.u32 s8, $0xFFFFF086  }
0x1c: {  	p1 =	slt.u32 s9, $0xF7A;
	s5 =	simm.s32 @!p2 $0x0  }
0x1d: {  	s5 =	simm.s32 @p1 $0x1;
	p0 =	seq.s32 s7, s2  }
0x1e: {  	s7 =	smul.u32 @!p0 $0xF7A, s2;
	p2 =	seq.s32 @!p0 s5, $0x0  }
0x1f: {  	s9 =	smul.u32 $0xF7A, s1;
	s8 =	simm.s32 @!p0 $0x1BF5;
	p2 =	por !p2, p0  }
0x20: {  	[sflag:s8] =	ssyncset.s32 @!p0 $0xFFFFF086;
	s6 =	sadd.s32 @!p0 s3, s7;
	s7 =	simm.s32 @!p0 $0x108  }
0x21: {  	s3 =	sadd.s32 s3, s9;
	s6 =	sadd.s32 @!p0 $0x88, s6;
	s7 =	simm.s32 @p2 $0x1082  }
0x22: {  	[simem:s7], [sflag:s8] =	dma.local @!p0 [hbm:s6], $0xF7A  }
0x23: {  	s9 =	sor.u32 $0xD0000000, s2;
	s6 =	simm.s32 $0x108;
	_ =	swait.ge @!p0 [sflag:s8], $0x0  }
0x24: {  	s3 =	sadd.s32 $0x88, s3;
	s6 =	simm.s32 @!p1 $0x1082;
	[sflag:s4] =	ssyncset.s32 $0xFFFFF086  }
0x25: {  	[simem:s6], [sflag:s4] =	dma.local [hbm:s3], $0xF7A  }
0x26: {  	[smem:$0x3F93] =	sst s1;
	(tag) =	ssettag s2;
	_ =	strace s9  }
0x27: {  	s1 =	sld [smem:$0x3FA3]  }
0x28: {  	s2 =	sld [smem:$0x3FA4]  }
0x29: {  	s4 =	sld [smem:$0x3FA6]  }
0x2a: {  	p0 =	seq.s32 s5, $0x0;
	s5 =	sld [smem:$0x3FA7]  }
0x2b: {  	s6 =	sld [smem:$0x3FA8]  }
0x2c: {  	s7 =	sld [smem:$0x3FA9]  }
0x2d: {  	s3 =	simm.s32 $0x108;
	s8 =	sld [smem:$0x3FAA]  }
0x2e: {  	s3 =	simm.s32 @!p0 $0x1082;
	s9 =	sld [smem:$0x3FAB]  }
0x2f: {  	lr =	sadd.s32 s0, s3;
	s0 =	sld [smem:$0x3FA2]  }
0x30: {  	s3 =	sld [smem:$0x3FA5]  }
0x31: {  	[smem:$0x3FAE] =	sst s10  }
0x32: {  	s10 =	sld [smem:$0x3FAC];
	_ =	sdelay $0x3  }
0x33: {  	p0 =	seq.s32 s10, $0x1;
	s10 =	sld [smem:$0x3FAE];
	_ =	sdelay $0x3  }
0x34: {  	[smem:$0x3FAE] =	sst s10  }
0x35: {  	s10 =	sld [smem:$0x3FAD];
	_ =	sdelay $0x3  }
0x36: {  	p1 =	seq.s32 s10, $0x1;
	s10 =	sld [smem:$0x3FAE];
	_ =	sdelay $0x3  }
0x37: {  	[smem:$0x3FAE] =	sst s10  }
0x38: {  	s10 =	sld [smem:$0x3FAF]  }
0x39: {  	_ = 	snop;
	(pc) =	sbr.ind lr, $3  }
0x3a: {  	_ = 	snop  }
0x3b: {  	_ = 	snop  }
0x3c: {  	p2 =	seq.s32 s10, $0x1;
	s10 =	sld [smem:$0x3FAE]  }
0x3d: {  	_ =	shalt  }
0x3e: {  	_ =	shalt  }
0x3f: {  	_ =	shalt  }
0x40: {  	_ =	shalt  }
0x41: {  	_ =	shalt  }
0x42: {  	_ =	shalt  }
0x43: {  	_ =	shalt  }
0x44: {  	_ =	shalt  }
0x45: {  	_ =	shalt  }
0x46: {  	_ =	shalt  }
0x47: {  	_ =	shalt  }
0x48: {  	_ =	shalt  }
0x49: {  	_ =	shalt  }
0x4a: {  	_ =	shalt  }
0x4b: {  	_ =	shalt  }
0x4c: {  	_ =	shalt  }
0x4d: {  	_ =	shalt  }
0x4e: {  	_ =	shalt  }
0x4f: {  	_ =	shalt  }
0x50: {  	_ =	shalt  }
0x51: {  	_ =	shalt  }
0x52: {  	_ =	shalt  }
0x53: {  	_ =	shalt  }
0x54: {  	_ =	shalt  }
0x55: {  	_ =	shalt  }
0x56: {  	_ =	shalt  }
0x57: {  	_ =	shalt  }
0x58: {  	_ =	shalt  }
0x59: {  	_ =	shalt  }
0x5a: {  	_ =	shalt  }
0x5b: {  	_ =	shalt  }
0x5c: {  	_ =	shalt  }
0x5d: {  	_ =	shalt  }
0x5e: {  	_ =	shalt  }
0x5f: {  	_ =	shalt  }
0x60: {  	_ =	shalt  }
0x61: {  	_ =	shalt  }
0x62: {  	_ =	shalt  }
0x63: {  	_ =	shalt  }
0x64: {  	_ =	shalt  }
0x65: {  	_ =	shalt  }
0x66: {  	_ =	shalt  }
0x67: {  	_ =	shalt  }
0x68: {  	_ =	shalt  }
0x69: {  	_ =	shalt  }
0x6a: {  	_ =	shalt  }
0x6b: {  	_ =	shalt  }
0x6c: {  	_ =	shalt  }
0x6d: {  	_ =	shalt  }
0x6e: {  	_ =	shalt  }
0x6f: {  	_ =	shalt  }
0x70: {  	_ =	shalt  }
0x71: {  	_ =	shalt  }
0x72: {  	_ =	shalt  }
0x73: {  	_ =	shalt  }
0x74: {  	_ =	shalt  }
0x75: {  	_ =	shalt  }
0x76: {  	_ =	shalt  }
0x77: {  	_ =	shalt  }
0x78: {  	_ =	shalt  }
0x79: {  	_ =	shalt  }
0x7a: {  	_ =	shalt  }
0x7b: {  	_ =	shalt  }
0x7c: {  	_ =	shalt  }
0x7d: {  	_ =	shalt  }
0x7e: {  	_ =	shalt  }
0x7f: {  	_ =	shalt  }
0x80: {  	_ =	shalt  }
0x81: {  	_ =	shalt  }
0x82: {  	_ =	shalt  }
0x83: {  	_ =	shalt  }
0x84: {  	_ =	shalt  }
0x85: {  	_ =	shalt  }
0x86: {  	_ =	shalt  }
0x87: {  	_ =	shalt  }
.Lfunc_end0:
.L_simem_size_0:
called_computation_lowered:
.L_overlay_start_0:
0x88: {  	s2 =	sld [smem:$0x3FD9]  }
0x89: {  	s3 =	sld [smem:$0x3FFE];
	_ =	sdelay $0x1  }
0x8a: {  	s1 =	srdreg.scid  }
0x8b: {  	s0 =	sand.u32 $0x1, s1  }
0x8c: {  	s17 =	sshll.u32 s0, $0xA;
	s2 =	sadd.s32 s3, s2  }
0x8d: {  	s2 =	sadd.s32 s2, s17  }
0x8e: {  	[smem:$0x3FBA] =	sst s2  }
0x8f: {  	_ = 	snop  }
0x90: {  	(tm) =	ssettm $0x1  }
0x91: {  	s18 =	sld [smem:$0x3FFB];
	_ =	sdelay $0x3  }
0x92: {  	_ =	strace s18  }
0x93: {  	s2 =	sld [smem:$0x3FFC];
	_ =	sdelay $0x3  }
0x94: {  	_ =	strace s2  }
0x95: {  	s2 =	sld [smem:$0x3FFD];
	_ =	sdelay $0x3  }
0x96: {  	_ =	strace s2  }
0x97: {  	_ =	strace $0x8FFFFFFF  }
0x98: {  	s19 =	sld [smem:$0x3FDB];
	_ =	sdelay $0x1  }
0x99: {  	s20 =	simm.s32 $_scs_section_size  }
0x9a: {  	s4 =	simm.s32 $_size__tile_overlayer_lowered;
	s5 =	simm.s32 $_tile_overlayer_lowered  }
0x9b: {  	s6 =	simm.s32 $0x1BFF;
	s21 =	sshll.u32 s5, $0x1;
	s3 =	sadd.s32 s20, s19  }
0x9c: {  	s22 =	simm.s32 $0x0;
	s4 =	sshll.u32 s4, $0x1;
	s5 =	sadd.s32 s21, s3  }
0x9d: {  	[timem:s22], [sflag:s6] =	dma.local [hbm:s5], s4  }
0x9e: {  	_ =	swait.ge [sflag:s6], s4  }
0x9f: {  	s4 =	ssub.s32 $0x0, s4;
	[sflag:s6] =	ssyncset.done $0x0  }
0xa0: {  	[sflag:s6] =	ssyncadd.s32 s4;
	_ =	sdelay $0x1  }
0xa1: {  	s23 =	simm.s32 $0x1B8B  }
0xa2: {  	_ =	swait.ge [sflag:s23], $0x1  }
0xa3: {  	[sflag:s23] =	ssyncset.done $0x0  }
0xa4: {  	[sflag:s23] =	ssyncadd.s32 $0xFFFFFFFF  }
0xa5: {  	s4 =	sld [smem:$0x0]  }
0xa6: {  	s5 =	sand.u32 $0xFFFFFFFE, s1  }
0xa7: {  	p0 =	sne.s32 s1, s5  }
0xa8: {  	s5 =	sshll.u32 @p0 s5, $0xE  }
0xa9: {  	s5 =	sadd.s32 @p0 $0x11B8D, s5;
	s6 =	sshll.u32 @p0 s4, $0x11  }
0xaa: {  	s5 =	sor.u32 @p0 s6, s5  }
0xab: {  	[sflag:s5] =	ssyncadd.remote.s32 @p0 $0x1;
	_ =	sdelay $0x1  }
0xac: {  	s5 =	simm.s32 @p0 $0x1B8D  }
0xad: {  	_ =	swait.eq @p0 [sflag:s5], $0x1  }
0xae: {  	[sflag:s5] =	ssyncadd.s32 @p0 $0xFFFFFFFF  }
0xaf: {  	s6 =	sshll.u32 @!p0 s1, $0xE  }
0xb0: {  	s6 =	sor.u32 @!p0 $0x4000, s6;
	s5 =	simm.s32 @!p0 $0x1B8D  }
0xb1: {  	s4 =	sshll.u32 @!p0 s4, $0x11;
	s6 =	sadd.s32 @!p0 $0x11B8D, s6;
	_ =	swait.eq @!p0 [sflag:s5], $0x1  }
0xb2: {  	s4 =	sor.u32 @!p0 s4, s6;
	[sflag:s5] =	ssyncadd.s32 @!p0 $0xFFFFFFFF  }
0xb3: {  	s25 =	simm.s32 $0x1B8E;
	s24 =	sld [smem:$0x3FFE];
	[sflag:s4] =	ssyncadd.remote.s32 @!p0 $0x1  }
0xb4: {  	s26 =	simm.s32 $execute0_lowered;
	[smem:$0x3FD2] =	sst s25  }
0xb5: {  	s5 =	sshll.u32 s26, $0x1;
	_ =	strace $0x80000049;
	[dreg:$0x1] =	wrdreg $0xFFFFFFFF  }
0xb6: {  	s28 =	simm.s32 $_size_execute0_lowered;
	s3 =	sadd.s32 s3, s5;
	[dreg:$0x0] =	wrdreg $0x0  }
0xb7: {  	s5 =	sshll.u32 s28, $0x1;
	[dreg:$0x2] =	wrdreg s3  }
0xb8: {  	[dreg:$0x3] =	wrdreg s5  }
0xb9: {  	[dreg:$0x4] =	wrdreg $0xC0  }
0xba: {  	_ =	task [dreg:s22], $0x5FFFF  }
0xbb: {  	[dreg:$0x1] =	wrdreg $0xFFFFFFFF  }
0xbc: {  	[dreg:$0x0] =	wrdreg $0x60  }
0xbd: {  	[dreg:$0x2] =	wrdreg s24  }
0xbe: {  	[dreg:$0x3] =	wrdreg $0x9  }
0xbf: {  	_ =	task.clear_ibuf [dreg:s22], $0x4FFFF;
	_ =	strace $0x90000049  }
0xc0: {  	s29 =	simm.s32 $0x9;
	_ =	strace $0x8000004B  }
0xc1: {  	_ =	swait.ge [sflag:s29], $0x1  }
0xc2: {  	[sflag:s29] =	ssyncadd.s32 $0xFFFFFFFF  }
0xc3: {  	_ =	strace $0x9000004B  }
0xc4: {  	_ =	sfence  }
0xc5: {  	s30 =	sld [smem:$0x0];
	_ =	sdelay $0x2  }
0xc6: {  	s31 =	sshll.u32 s1, $0xD;
	s1 =	sshrl.u32 s1, $0x2  }
0xc7: {  	s4 =	sand.u32 $0x4000, s31;
	s1 =	sadd.s32 s1, s30  }
0xc8: {  	s0 =	sor.u32 s4, s0;
	s1 =	sshll.u32 s1, $0x11  }
0xc9: {  	s0 =	sor.u32 s1, s0  }
0xca: {  	s0 =	sadd.s32 $0x8F2B, s0  }
0xcb: {  	[sflag:s0] =	ssyncadd.remote.s32 $0x1  }
0xcc: {  	_ =	sfence.sel $0xFFFF  }
0xcd: {  	[dreg:$0x0] =	wrdreg $0xFFFFFFFF;
	(pc) =	sbr.abs _section_cstart, $3  }
0xce: {  	[dreg:$0x1] =	wrdreg $0xFFFFFFFF  }
0xcf: {  	_ =	task.clear_ibuf [dreg:s22], $0x2FFFF;
	_ =	strace $0x9FFFFFFF  }
0xd0: {  	(tm) =	ssettm $0x7FFFFFFF  }
0xd1: {  	_ =	shalt  }
tec
execute0_lowered:
.L_overlay_start_1:
0x0: {  	(tag) =	ssettag $0x1  }
0x1: {  	s4 =	rddreg [dreg:$0x0]  }
0x2: {  	s1 =	srdreg.scid;
	s0 =	rddreg [dreg:$0x1];
	s2 =	simm.s32 $0x0  }
0x3: {  	s12 =	simm.s32 $0x1;
	s13 =	simm.s32 $0x4080;
	s14 =	simm.s32 $0x8080  }
0x4: {  	s15 =	simm.s32 $0xC080;
	s16 =	simm.s32 $0x10080;
	s17 =	simm.s32 $0x0  }
0x5: {  	s5 =	sand.u32 $0x1, s1;
	s1 =	stileid.u32;
	[smem:$0x7FF] =	sst s2  }
0x6: {  	s3 =	smul.u32 $0x4F00, s5;
	s6 =	sshll.u32 s5, $0x4;
	_ =	strace $0x8000004A  }
0x7: {  	s5 =	ssub.s32 $0x2, s5;
	s11 =	smul.u32 $0x4F0, s1;
	s6 =	sor.u32 s1, s6  }
0x8: {  	s8 =	sshrl.u32 s5, $0x1;
	s9 =	sadd.s32 s3, s4;
	s7 =	smul.u32 $0x14000, s6  }
0x9: {  	s3 =	sadd.s32 $0x66E00, s4;
	s4 =	sadd.s32 $0x67600, s4;
	s6 =	smul.u32 $0x2800, s6  }
0xa: {  	s10 =	ssub.s32 s5, s8;
	s11 =	sadd.s32 s11, s9;
	s7 =	sshrl.u32 s7, $0x3  }
0xb: {  	s9 =	smax.u32 s10, $0x1;
	s10 =	sadd.s32 $0x2A00, s11;
	s31 =	sadd.s32 s4, s7  }
0xc: {  	s11 =	simm.s32 $0x80;
	s4 =	sadd.s32 s4, s6;
	s5 =	sadd.s32 $0x800, s31  }
0xd: {  	v0 =	vimm.f32 $1.000000000e+00;
	s6 =	sadd.s32 $0x1000, s31;
	s7 =	sadd.s32 $0x1800, s31;
	s8 =	sadd.s32 $0x2000, s31  }
.LBB2_1:
0xe: {  	[tilespmem:s11], [sflag:$0x1] =	stream.linear.gather [hbm4b:s3+s2], $0x4000, $0x38;
	[tilespmem:$0x14080] =	vst v63  }
0xf: {  	_ =	swait.ge [sflag:s12], $0x4000  }
0x10: {  	[sflag:s12] =	ssyncset.done $0x0  }
0x11: {  	[sflag:s12] =	ssyncadd.s32 $0xFFFFC000  }
0x12: {  	[tilespmem:s13], [sflag:$0x1] =	stream.linear.gather [hbm4b:s3+s2], $0x4000, $0x38;
	[tilespmem:$0x14080] =	vst v63  }
0x13: {  	_ =	swait.ge [sflag:s12], $0x4000  }
0x14: {  	[sflag:s12] =	ssyncset.done $0x0  }
0x15: {  	[sflag:s12] =	ssyncadd.s32 $0xFFFFC000  }
0x16: {  	[tilespmem:s14], [sflag:$0x1] =	stream.linear.gather [hbm4b:s3+s2], $0x4000, $0x38;
	[tilespmem:$0x14080] =	vst v63  }
0x17: {  	_ =	swait.ge [sflag:s12], $0x4000  }
0x18: {  	[sflag:s12] =	ssyncset.done $0x0  }
0x19: {  	[sflag:s12] =	ssyncadd.s32 $0xFFFFC000  }
0x1a: {  	[tilespmem:s15], [sflag:$0x1] =	stream.linear.gather [hbm4b:s3+s2], $0x4000, $0x38;
	[tilespmem:$0x14080] =	vst v63  }
0x1b: {  	_ =	swait.ge [sflag:s12], $0x4000  }
0x1c: {  	[sflag:s12] =	ssyncset.done $0x0  }
0x1d: {  	[sflag:s12] =	ssyncadd.s32 $0xFFFFC000  }
0x1e: {  	[tilespmem:s16], [sflag:$0x1] =	stream.linear.gather [hbm4b:s3+s2], $0x4000, $0x38;
	[tilespmem:$0x14080] =	vst v63  }
0x1f: {  	_ =	swait.ge [sflag:s12], $0x4000  }
0x20: {  	[sflag:s12] =	ssyncset.done $0x0  }
0x21: {  	s18 =	simm.s32 $0x0;
	[sflag:s12] =	ssyncadd.s32 $0xFFFFC000  }
.LBB2_2:
0x22: {  	s19 =	sadd.s32 s18, s10  }
0x23: {  	[tilespmem:s2], [sflag:$0x1] =	stream.linear.gather [hbm4b:s19+s2], $0x80, $0x38;
	[tilespmem:$0x14080] =	vst v63  }
0x24: {  	_ =	swait.ge [sflag:s12], $0x80  }
0x25: {  	[sflag:s12] =	ssyncset.done $0x0  }
0x26: {  	[sflag:s12] =	ssyncadd.s32 $0xFFFFFF80  }
0x27: {  	v1 =	vld [tilespmem:$0x0];
	_ =	sdelay $0x4  }
0x28: {  	v2 =	vshll.u32 v1, $0x3  }
0x29: {  	v1 =	vand.u32 $0xF, v1;
	v2 =	vand.u32 $0xFFFFFF80, v2  }
0x2a: {  	v1 =	vor.u32 v1, v2;
	_ =	sdelay $0x4  }
0x2b: {  	[tilespmem:v1+s11+$0x0] =	vst.idx.add.f32.msk $0xffff, v0  }
0x2c: {  	v1 =	vld [tilespmem:$0x10];
	_ =	sdelay $0x4  }
0x2d: {  	v2 =	vshll.u32 v1, $0x3  }
0x2e: {  	v1 =	vand.u32 $0xF, v1;
	v2 =	vand.u32 $0xFFFFFF80, v2  }
0x2f: {  	v1 =	vor.u32 v1, v2;
	_ =	sdelay $0x4  }
0x30: {  	[tilespmem:v1+s11+$0x0] =	vst.idx.add.f32.msk $0xffff, v0  }
0x31: {  	v1 =	vld [tilespmem:$0x20];
	_ =	sdelay $0x4  }
0x32: {  	v2 =	vshll.u32 v1, $0x3  }
0x33: {  	v1 =	vand.u32 $0xF, v1;
	v2 =	vand.u32 $0xFFFFFF80, v2  }
0x34: {  	v1 =	vor.u32 v1, v2;
	_ =	sdelay $0x4  }
0x35: {  	[tilespmem:v1+s11+$0x0] =	vst.idx.add.f32.msk $0xffff, v0  }
0x36: {  	v1 =	vld [tilespmem:$0x30];
	_ =	sdelay $0x4  }
0x37: {  	v2 =	vshll.u32 v1, $0x3  }
0x38: {  	v1 =	vand.u32 $0xF, v1;
	v2 =	vand.u32 $0xFFFFFF80, v2  }
0x39: {  	v1 =	vor.u32 v1, v2;
	_ =	sdelay $0x4  }
0x3a: {  	[tilespmem:v1+s11+$0x0] =	vst.idx.add.f32.msk $0xffff, v0  }
0x3b: {  	v1 =	vld [tilespmem:$0x40];
	_ =	sdelay $0x4  }
0x3c: {  	v2 =	vshll.u32 v1, $0x3  }
0x3d: {  	v1 =	vand.u32 $0xF, v1;
	v2 =	vand.u32 $0xFFFFFF80, v2  }
0x3e: {  	v1 =	vor.u32 v1, v2;
	_ =	sdelay $0x4  }
0x3f: {  	[tilespmem:v1+s11+$0x0] =	vst.idx.add.f32.msk $0xffff, v0  }
0x40: {  	v1 =	vld [tilespmem:$0x50];
	_ =	sdelay $0x4  }
0x41: {  	v2 =	vshll.u32 v1, $0x3  }
0x42: {  	v1 =	vand.u32 $0xF, v1;
	v2 =	vand.u32 $0xFFFFFF80, v2  }
0x43: {  	v1 =	vor.u32 v1, v2;
	_ =	sdelay $0x4  }
0x44: {  	[tilespmem:v1+s11+$0x0] =	vst.idx.add.f32.msk $0xffff, v0  }
0x45: {  	v1 =	vld [tilespmem:$0x60];
	_ =	sdelay $0x4  }
0x46: {  	v2 =	vshll.u32 v1, $0x3  }
0x47: {  	v1 =	vand.u32 $0xF, v1;
	v2 =	vand.u32 $0xFFFFFF80, v2  }
0x48: {  	v1 =	vor.u32 v1, v2;
	_ =	sdelay $0x4  }
0x49: {  	[tilespmem:v1+s11+$0x0] =	vst.idx.add.f32.msk $0xffff, v0  }
0x4a: {  	v1 =	vld [tilespmem:$0x70];
	_ =	sdelay $0x4  }
0x4b: {  	v2 =	vshll.u32 v1, $0x3  }
0x4c: {  	v1 =	vand.u32 $0xF, v1;
	v2 =	vand.u32 $0xFFFFFF80, v2  }
0x4d: {  	p0 =	sne.s32 s18, $0x4E0;
	v1 =	vor.u32 v1, v2  }
.Ltmp0:
0x4e: {  	_ = 	snop;
	(pc) =	sbr.rel @p0 .LBB2_2-.Ltmp0, $2  }
0x4f: {  	_ =	sdelay $0x2  }
0x50: {  	s18 =	sadd.s32 $0x10, s18;
	[tilespmem:v1+s11+$0x0] =	vst.idx.add.f32.msk $0xffff, v0  }
0x51: {  	[hbm4b:s4+s2] =	stream.linear.scatter [tilespmem:s11], [sflag:$0x1], $0x4000, $0x38;
	[tilespmem:$0x14080] =	vst v63  }
0x52: {  	_ =	swait.ge [sflag:s12], $0x4000  }
0x53: {  	[sflag:s12] =	ssyncset.done $0x0  }
0x54: {  	[sflag:s12] =	ssyncadd.s32 $0xFFFFC000  }
0x55: {  	[hbm4b:s5+s2] =	stream.linear.scatter [tilespmem:s13], [sflag:$0x1], $0x4000, $0x38;
	[tilespmem:$0x14080] =	vst v63  }
0x56: {  	_ =	swait.ge [sflag:s12], $0x4000  }
0x57: {  	[sflag:s12] =	ssyncset.done $0x0  }
0x58: {  	[sflag:s12] =	ssyncadd.s32 $0xFFFFC000  }
0x59: {  	[hbm4b:s6+s2] =	stream.linear.scatter [tilespmem:s14], [sflag:$0x1], $0x4000, $0x38;
	[tilespmem:$0x14080] =	vst v63  }
0x5a: {  	_ =	swait.ge [sflag:s12], $0x4000  }
0x5b: {  	[sflag:s12] =	ssyncset.done $0x0  }
0x5c: {  	[sflag:s12] =	ssyncadd.s32 $0xFFFFC000  }
0x5d: {  	[hbm4b:s7+s2] =	stream.linear.scatter [tilespmem:s15], [sflag:$0x1], $0x4000, $0x38;
	[tilespmem:$0x14080] =	vst v63  }
0x5e: {  	s17 =	sadd.s32 $0x1, s17;
	_ =	swait.ge [sflag:s12], $0x4000  }
0x5f: {  	p0 =	sne.s32 s17, s9;
	[sflag:s12] =	ssyncset.done $0x0  }
.Ltmp1:
0x60: {  	[sflag:s12] =	ssyncadd.s32 $0xFFFFC000;
	(pc) =	sbr.rel @p0 .LBB2_1-.Ltmp1, $4  }
0x61: {  	[hbm4b:s8+s2] =	stream.linear.scatter [tilespmem:s16], [sflag:$0x1], $0x4000, $0x38;
	[tilespmem:$0x14080] =	vst v63  }
0x62: {  	_ =	swait.ge [sflag:s12], $0x4000  }
0x63: {  	[sflag:s12] =	ssyncset.done $0x0  }
0x64: {  	[sflag:s12] =	ssyncadd.s32 $0xFFFFC000  }
0x65: {  	_ =	sfence.sel $0x180000  }
0x66: {  	[bflag:$0x0] =	sbarrier.arrive $0xFFFF  }
0x67: {  	p0 =	sne.s32 s1, $0x0;
	_ =	strace $0x9000004A  }
0x68: {  	s0 =	sadd.s32 @!p0 $0x100000, s0;
	[bflag:$0x2] =	sbarrier.arrive $0xFFFF  }
0x69: {  	[sflag:s0] =	ssyncadd.tile.s32 @!p0 $0x1;
	_ =	shalt  }
.Lfunc_end2:
_tile_overlayer_lowered:
.L_overlay_start_2:
0x6a: {  	(tag) =	ssettag $0x2  }
0x6b: {  	s0 =	rddreg [dreg:$0x0];
	s2 =	stileid.u32  }
0x6c: {  	s1 =	rddreg [dreg:$0x1];
	p0 =	sne.s32 s2, $0x0  }
0x6d: {  	s3 =	rddreg [dreg:$0x2];
	[bflag:$0x3] =	sbarrier.arrive $0xFFFF;
	s2 =	simm.s32 @!p0 $0x1C01  }
0x6e: {  	[timem:s3], [sflag:s2] =	dma.local @!p0 [hbm:s0], s1  }
0x6f: {  	s0 =	simm.s32 @!p0 $0x1  }
0x70: {  	_ =	swait.ge @!p0 [sflag:s0], s1  }
0x71: {  	s1 =	ssub.s32 @!p0 $0x0, s1;
	[sflag:s0] =	ssyncset.done @!p0 $0x0  }
0x72: {  	[sflag:s0] =	ssyncadd.s32 @!p0 s1  }
0x73: {  	[bflag:$0x3] =	sbarrier.arrive $0xFFFF  }
0x74: {  	_ =	shalt  }

</sc_bundles>
